<compile_context>
chip_gen: v7x
topology: tpu7x:2x2x1
jax: 0.10.2.dev20260603
libtpu: 0.0.44.dev20260713+nightly
codegen_flags: <defaults>
</compile_context>

<pallas_src>
import functools

import jax
import jax.numpy as jnp
from jax import lax
from jax.experimental import pallas as pl
from jax.experimental.pallas import tpu as pltpu
from jax.experimental.pallas import tpu_sc as plsc

N = 10000
E = 320000
ROW_BLOCK = 1000
CHUNK = 16
NBUF = 5
N_TILES = 16
N_CORES = 2
EDGES_PER_TILE = E // (N_TILES * N_CORES)
CHUNKS_PER_TILE = EDGES_PER_TILE // CHUNK
ROWS_PER_TILE = N // N_TILES


def _tc_matmul_scores(x, W, attj, HC, H):
    C = HC // H
    nb = N // ROW_BLOCK

    def body(x_ref, w_ref, a_ref, h_ref, b_ref):
        h = jnp.dot(x_ref[...], w_ref[...], preferred_element_type=jnp.float32)
        h_ref[...] = h
        prod = h * a_ref[...]
        parts = [jnp.sum(prod[:, i * C:(i + 1) * C], axis=1, keepdims=True)
                 for i in range(H)]
        b_ref[...] = jnp.concatenate(parts, axis=1) if H > 1 else parts[0]

    return pl.pallas_call(
        body,
        grid=(nb,),
        in_specs=[
            pl.BlockSpec((ROW_BLOCK, x.shape[1]), lambda i: (i, 0)),
            pl.BlockSpec((x.shape[1], HC), lambda i: (0, 0)),
            pl.BlockSpec((1, HC), lambda i: (0, 0)),
        ],
        out_specs=[
            pl.BlockSpec((ROW_BLOCK, HC), lambda i: (i, 0)),
            pl.BlockSpec((ROW_BLOCK, H), lambda i: (i, 0)),
        ],
        out_shape=[
            jax.ShapeDtypeStruct((N, HC), jnp.float32),
            jax.ShapeDtypeStruct((N, H), jnp.float32),
        ],
    )(x, W, attj)


def _tc_build_table(h, b, g, HC, H, WT):
    C = HC // H
    nb = N // ROW_BLOCK

    def body(h_ref, b_ref, g_ref, t_ref):
        p = jnp.exp(b_ref[...] - g_ref[...])
        cols = [jnp.broadcast_to(p[:, i:i + 1], (ROW_BLOCK, C)) for i in range(H)]
        pcols = jnp.concatenate(cols, axis=1) if H > 1 else cols[0]
        pad = jnp.zeros((ROW_BLOCK, WT - HC - H), dtype=jnp.float32)
        t_ref[...] = jnp.concatenate([h_ref[...] * pcols, p, pad], axis=1)

    return pl.pallas_call(
        body,
        grid=(nb,),
        in_specs=[
            pl.BlockSpec((ROW_BLOCK, HC), lambda i: (i, 0)),
            pl.BlockSpec((ROW_BLOCK, H), lambda i: (i, 0)),
            pl.BlockSpec((1, H), lambda i: (0, 0)),
        ],
        out_specs=pl.BlockSpec((ROW_BLOCK, WT), lambda i: (i, 0)),
        out_shape=jax.ShapeDtypeStruct((N, WT), jnp.float32),
    )(h, b, g)


def _sc_segment_sum(T, src2d, dst2d, zeros, WT):
    mesh = plsc.VectorSubcoreMesh(core_axis_name="c", subcore_axis_name="s")

    @functools.partial(
        pl.kernel,
        mesh=mesh,
        compiler_params=pltpu.CompilerParams(use_tc_tiling_on_sc=False),
        out_type=jax.ShapeDtypeStruct((N_CORES * N, WT), jnp.float32),
        scratch_types=[
            pltpu.VMEM((CHUNKS_PER_TILE, CHUNK), jnp.int32),
            pltpu.VMEM((CHUNKS_PER_TILE, CHUNK), jnp.int32),
        ] + [pltpu.VMEM((CHUNK, WT), jnp.float32) for _ in range(NBUF)]
        + [pltpu.VMEM_SHARED((N, WT), jnp.float32)]
        + [pltpu.SemaphoreType.DMA for _ in range(NBUF)],
    )
    def k(t_hbm, src_hbm, dst_hbm, z_hbm, out_hbm, srcv, dstv, *rest):
        bufs = rest[:NBUF]
        acc_sh = rest[NBUF]
        gsem = rest[NBUF + 1:]
        c = lax.axis_index("c")
        s = lax.axis_index("s")
        pltpu.sync_copy(z_hbm, acc_sh.at[pl.ds(s * ROWS_PER_TILE, ROWS_PER_TILE)])
        rowbase = (c * N_TILES + s) * CHUNKS_PER_TILE
        pltpu.sync_copy(src_hbm.at[pl.ds(rowbase, CHUNKS_PER_TILE)], srcv)
        pltpu.sync_copy(dst_hbm.at[pl.ds(rowbase, CHUNKS_PER_TILE)], dstv)
        plsc.subcore_barrier()

        n = CHUNKS_PER_TILE
        for p in range(NBUF):
            pltpu.async_copy(t_hbm.at[srcv.at[p]], bufs[p], gsem[p])

        def body(i, _):
            j0 = NBUF * i
            for k_ in range(NBUF):
                j = j0 + k_
                pltpu.make_async_copy(t_hbm.at[srcv.at[j]], bufs[k_], gsem[k_]).wait()
                pltpu.sync_copy(bufs[k_], acc_sh.at[dstv.at[j]], add=True)

                @pl.when(j + NBUF < n)
                def _refill(j=j, k_=k_):
                    pltpu.async_copy(t_hbm.at[srcv.at[j + NBUF]], bufs[k_], gsem[k_])
            return _

        lax.fori_loop(0, n // NBUF, body, 0)
        plsc.subcore_barrier()
        pltpu.sync_copy(
            acc_sh.at[pl.ds(s * ROWS_PER_TILE, ROWS_PER_TILE)],
            out_hbm.at[pl.ds(c * N + s * ROWS_PER_TILE, ROWS_PER_TILE)],
        )

    return k(T, src2d, dst2d, zeros)


_NB = N // ROW_BLOCK


def _nump_specs(WT):
    return [
        pl.BlockSpec((ROW_BLOCK, WT), lambda i: (i, 0)),
        pl.BlockSpec((ROW_BLOCK, WT), lambda i: (i + _NB, 0)),
    ]


def _merge_divide(a, b, t, HC, H):
    C = HC // H
    S = a + b + t
    denom = S[:, HC:HC + H] + 1e-16
    cols = [jnp.broadcast_to(denom[:, i:i + 1], (ROW_BLOCK, C)) for i in range(H)]
    dcols = jnp.concatenate(cols, axis=1) if H > 1 else cols[0]
    return S[:, :HC] / dcols


def _tc_finalize(nump, T, HC, H, WT):

    def body(a_ref, b_ref, t_ref, o_ref):
        o_ref[...] = _merge_divide(a_ref[...], b_ref[...], t_ref[...], HC, H)

    return pl.pallas_call(
        body,
        grid=(_NB,),
        in_specs=_nump_specs(WT) + [pl.BlockSpec((ROW_BLOCK, WT), lambda i: (i, 0))],
        out_specs=pl.BlockSpec((ROW_BLOCK, HC), lambda i: (i, 0)),
        out_shape=jax.ShapeDtypeStruct((N, HC), jnp.float32),
    )(nump, nump, T)


def _tc_finalize_matmul_scores(nump, T, W, attj, HC, H, WT, HC2, H2):
    C2 = HC2 // H2

    def body(a_ref, b_ref, t_ref, w_ref, at_ref, h_ref, s_ref):
        x = _merge_divide(a_ref[...], b_ref[...], t_ref[...], HC, H)
        h = jnp.dot(x, w_ref[...], preferred_element_type=jnp.float32)
        h_ref[...] = h
        prod = h * at_ref[...]
        parts = [jnp.sum(prod[:, i * C2:(i + 1) * C2], axis=1, keepdims=True)
                 for i in range(H2)]
        s_ref[...] = jnp.concatenate(parts, axis=1) if H2 > 1 else parts[0]

    return pl.pallas_call(
        body,
        grid=(_NB,),
        in_specs=_nump_specs(WT) + [
            pl.BlockSpec((ROW_BLOCK, WT), lambda i: (i, 0)),
            pl.BlockSpec((HC, HC2), lambda i: (0, 0)),
            pl.BlockSpec((1, HC2), lambda i: (0, 0)),
        ],
        out_specs=[
            pl.BlockSpec((ROW_BLOCK, HC2), lambda i: (i, 0)),
            pl.BlockSpec((ROW_BLOCK, H2), lambda i: (i, 0)),
        ],
        out_shape=[
            jax.ShapeDtypeStruct((N, HC2), jnp.float32),
            jax.ShapeDtypeStruct((N, H2), jnp.float32),
        ],
    )(nump, nump, T, W, attj)


def kernel(x, edge_index, W0, att0, W1, att1, W2, att2):
    src2d = edge_index[0].reshape(E // CHUNK, CHUNK)
    dst2d = edge_index[1].reshape(E // CHUNK, CHUNK)
    attj0 = att0[0, :, 64:].reshape(1, 128)
    attj1 = att1[0, :, 64:].reshape(1, 128)
    attj2 = att2[0, :, 64:].reshape(1, 64)
    z144 = jnp.zeros((ROWS_PER_TILE, 144), jnp.float32)
    z80 = jnp.zeros((ROWS_PER_TILE, 80), jnp.float32)

    h, b = _tc_matmul_scores(x, W0, attj0, 128, 2)
    g = jnp.max(b, axis=0).reshape(1, 2)
    T = _tc_build_table(h, b, g, 128, 2, 144)
    nump = _sc_segment_sum(T, src2d, dst2d, z144, 144)

    h, b = _tc_finalize_matmul_scores(nump, T, W1, attj1, 128, 2, 144, 128, 2)
    g = jnp.max(b, axis=0).reshape(1, 2)
    T = _tc_build_table(h, b, g, 128, 2, 144)
    nump = _sc_segment_sum(T, src2d, dst2d, z144, 144)

    h, b = _tc_finalize_matmul_scores(nump, T, W2, attj2, 128, 2, 144, 64, 1)
    g = jnp.max(b, axis=0).reshape(1, 1)
    T = _tc_build_table(h, b, g, 64, 1, 80)
    nump = _sc_segment_sum(T, src2d, dst2d, z80, 80)

    return _tc_finalize(nump, T, 64, 1, 80)

# --- scband reference (transcript-rebuilt; emitter-appended) ---
"""Pipeline reference for scband-gat-gn-71004399337806 (READ-ONLY COPY).

The authoritative reference and input builder live on the scoring server;
editing this copy changes nothing except your own understanding.
"""

import jax, jax.numpy as jnp
import numpy as np

N_NODES = 10000
N_EDGES = 320000
N_F = 128
HIDDEN = 64
OUT_DIM = 64
HEADS = 2


def gat_layer(x, edge_index, W, att, H, C):
    N = x.shape[0]
    h = (x @ W).reshape(N, H, C)
    # add self loops
    loop = jnp.arange(N, dtype=edge_index.dtype)
    src = jnp.concatenate([edge_index[0], loop])
    dst = jnp.concatenate([edge_index[1], loop])
    x_i = h[dst]  # [E, H, C]
    x_j = h[src]  # [E, H, C]
    alpha = jnp.sum(jnp.concatenate([x_i, x_j], axis=-1) * att, axis=-1)  # [E, H]
    amax = jax.ops.segment_max(alpha, dst, num_segments=N)
    amax = jnp.where(jnp.isfinite(amax), amax, 0.0)
    alpha = jnp.exp(alpha - amax[dst])
    denom = jax.ops.segment_sum(alpha, dst, num_segments=N)
    alpha = alpha / (denom[dst] + 1e-16)
    out = jax.ops.segment_sum(x_j * alpha[..., None], dst, num_segments=N)  # [N, H, C]
    return out.reshape(N, H * C)


def setup_inputs(seed: int = 0) -> dict:
    key = jax.random.key(seed)
    ks = jax.random.split(key, 8)
    x = jax.random.normal(ks[0], (N_NODES, N_F), dtype=jnp.float32)
    edge_index = jax.random.randint(ks[1], (2, N_EDGES), 0, N_NODES, dtype=jnp.int64 if jax.config.jax_enable_x64 else jnp.int32).astype(jnp.int32)
    def xavier(k, shape):
        fan_in, fan_out = shape[0], shape[-1]
        lim = float(np.sqrt(6.0 / (fan_in + fan_out)))
        return jax.random.uniform(k, shape, minval=-lim, maxval=lim, dtype=jnp.float32)
    # layer 0: in=N_F, heads=HEADS, out=HIDDEN
    W0 = xavier(ks[2], (N_F, HIDDEN * HEADS))
    att0 = xavier(ks[3], (1, HEADS, 2 * HIDDEN))
    # layer 1: in=HIDDEN*HEADS, heads=HEADS, out=HIDDEN
    W1 = xavier(ks[4], (HIDDEN * HEADS, HIDDEN * HEADS))
    att1 = xavier(ks[5], (1, HEADS, 2 * HIDDEN))
    # layer 2: in=HIDDEN*HEADS, heads=1, out=OUT_DIM
    W2 = xavier(ks[6], (HIDDEN * HEADS, OUT_DIM))
    att2 = xavier(ks[7], (1, 1, 2 * OUT_DIM))
    return {"x": x, "edge_index": edge_index, "W0": W0, "att0": att0, "W1": W1, "att1": att1, "W2": W2, "att2": att2}


def reference(x, edge_index, W0, att0, W1, att1, W2, att2):
    h = gat_layer(x, edge_index, W0, att0, HEADS, HIDDEN)
    h = gat_layer(h, edge_index, W1, att1, HEADS, HIDDEN)
    h = gat_layer(h, edge_index, W2, att2, 1, OUT_DIM)
    return h

if __name__ == "__main__":
    import jax
    _d = setup_inputs()
    print(jax.jit(kernel)(*tuple(_d.values())))

</pallas_src>

<mosaic_0001>
#map = affine_map<(d0, d1) -> (0, 0)>
module attributes {stable_mosaic.version = 14 : i64} {
  func.func @k(%arg0: i32, %arg1: i32, %arg2: memref<10000x144xf32, #tpu.memory_space<hbm>>, %arg3: memref<20000x16xi32, #tpu.memory_space<hbm>>, %arg4: memref<20000x16xi32, #tpu.memory_space<hbm>>, %arg5: memref<625x144xf32, #tpu.memory_space<hbm>>, %arg6: memref<20000x144xf32, #tpu.memory_space<hbm>>, %arg7: memref<625x16xi32, #tpu.memory_space<vmem>>, %arg8: memref<625x16xi32, #tpu.memory_space<vmem>>, %arg9: memref<16x144xf32, #tpu.memory_space<vmem>>, %arg10: memref<16x144xf32, #tpu.memory_space<vmem>>, %arg11: memref<16x144xf32, #tpu.memory_space<vmem>>, %arg12: memref<16x144xf32, #tpu.memory_space<vmem>>, %arg13: memref<16x144xf32, #tpu.memory_space<vmem>>, %arg14: memref<10000x144xf32, #tpu.memory_space<vmem_shared>>, %arg15: memref<!tpu.dma_semaphore, #tpu.memory_space<semaphore_mem>>, %arg16: memref<!tpu.dma_semaphore, #tpu.memory_space<semaphore_mem>>, %arg17: memref<!tpu.dma_semaphore, #tpu.memory_space<semaphore_mem>>, %arg18: memref<!tpu.dma_semaphore, #tpu.memory_space<semaphore_mem>>, %arg19: memref<!tpu.dma_semaphore, #tpu.memory_space<semaphore_mem>>) attributes {dimension_semantics = [#tpu.dimension_semantics<core_parallel>, #tpu.dimension_semantics<subcore_parallel>], iteration_bounds = array<i64: 2, 16>, scalar_prefetch = 0 : i64, scratch_operands = 13 : i64, tpu.core_type = #tpu.core_type<sc_vector_subcore>, window_params = [{transform_indices = #map}, {transform_indices = #map}, {transform_indices = #map}, {transform_indices = #map}, {transform_indices = #map}]} {
    %mul3A = arith.constant 625 : i32
    %mul3A_0 = arith.muli %arg1, %mul3A : i32
    "tpu.region"() ({
      %run_scoped3A = tpu.sem_alloc : memref<!tpu.dma_semaphore, #tpu.memory_space<semaphore_mem>>
      %dma_start3A_52 = arith.constant 0 : i32
      %dma_start3A_53 = tpu.memref_slice %arg14[%mul3A_0, %dma_start3A_52] : memref<10000x144xf32, #tpu.memory_space<vmem_shared>> -> memref<625x144xf32, #tpu.memory_space<vmem_shared>>
      tpu.enqueue_dma source(%arg5 : memref<625x144xf32, #tpu.memory_space<hbm>>) target(%dma_start3A_53 : memref<625x144xf32, #tpu.memory_space<vmem_shared>>) target_semaphore(%run_scoped3A : memref<!tpu.dma_semaphore, #tpu.memory_space<semaphore_mem>>)
      %dma_wait3A = arith.constant 0 : i32
      %dma_wait3A_54 = tpu.memref_slice %arg14[%mul3A_0, %dma_wait3A] : memref<10000x144xf32, #tpu.memory_space<vmem_shared>> -> memref<625x144xf32, #tpu.memory_space<vmem_shared>>
      tpu.wait_dma2 semaphore(%run_scoped3A : memref<!tpu.dma_semaphore, #tpu.memory_space<semaphore_mem>>) src(%arg5 : memref<625x144xf32, #tpu.memory_space<hbm>>) dst(%dma_wait3A_54 : memref<625x144xf32, #tpu.memory_space<vmem_shared>>)
      tpu.yield
    }) : () -> ()
    %mul3A_1 = arith.constant 16 : i32
    %mul3A_2 = arith.muli %arg0, %mul3A_1 : i32
    %add3A = arith.addi %mul3A_2, %arg1 : i32
    %mul3A_3 = arith.constant 625 : i32
    %mul3A_4 = arith.muli %add3A, %mul3A_3 : i32
    "tpu.region"() ({
      %run_scoped3A = tpu.sem_alloc : memref<!tpu.dma_semaphore, #tpu.memory_space<semaphore_mem>>
      %dma_start3A_52 = arith.constant 0 : i32
      %dma_start3A_53 = tpu.memref_slice %arg3[%mul3A_4, %dma_start3A_52] : memref<20000x16xi32, #tpu.memory_space<hbm>> -> memref<625x16xi32, #tpu.memory_space<hbm>>
      %dma_start3A_54 = arith.constant 0 : i32
      %dma_start3A_55 = tpu.memref_slice %arg3[%mul3A_4, %dma_start3A_54] : memref<20000x16xi32, #tpu.memory_space<hbm>> -> memref<625x16xi32, #tpu.memory_space<hbm>>
      tpu.enqueue_dma source(%dma_start3A_55 : memref<625x16xi32, #tpu.memory_space<hbm>>) target(%arg7 : memref<625x16xi32, #tpu.memory_space<vmem>>) target_semaphore(%run_scoped3A : memref<!tpu.dma_semaphore, #tpu.memory_space<semaphore_mem>>)
      %dma_wait3A = arith.constant 0 : i32
      %dma_wait3A_56 = tpu.memref_slice %arg3[%mul3A_4, %dma_wait3A] : memref<20000x16xi32, #tpu.memory_space<hbm>> -> memref<625x16xi32, #tpu.memory_space<hbm>>
      %dma_wait3A_57 = arith.constant 0 : i32
      %dma_wait3A_58 = tpu.memref_slice %arg3[%mul3A_4, %dma_wait3A_57] : memref<20000x16xi32, #tpu.memory_space<hbm>> -> memref<625x16xi32, #tpu.memory_space<hbm>>
      tpu.wait_dma2 semaphore(%run_scoped3A : memref<!tpu.dma_semaphore, #tpu.memory_space<semaphore_mem>>) src(%dma_wait3A_58 : memref<625x16xi32, #tpu.memory_space<hbm>>) dst(%arg7 : memref<625x16xi32, #tpu.memory_space<vmem>>)
      tpu.yield
    }) : () -> ()
    "tpu.region"() ({
      %run_scoped3A = tpu.sem_alloc : memref<!tpu.dma_semaphore, #tpu.memory_space<semaphore_mem>>
      %dma_start3A_52 = arith.constant 0 : i32
      %dma_start3A_53 = tpu.memref_slice %arg4[%mul3A_4, %dma_start3A_52] : memref<20000x16xi32, #tpu.memory_space<hbm>> -> memref<625x16xi32, #tpu.memory_space<hbm>>
      %dma_start3A_54 = arith.constant 0 : i32
      %dma_start3A_55 = tpu.memref_slice %arg4[%mul3A_4, %dma_start3A_54] : memref<20000x16xi32, #tpu.memory_space<hbm>> -> memref<625x16xi32, #tpu.memory_space<hbm>>
      tpu.enqueue_dma source(%dma_start3A_55 : memref<625x16xi32, #tpu.memory_space<hbm>>) target(%arg8 : memref<625x16xi32, #tpu.memory_space<vmem>>) target_semaphore(%run_scoped3A : memref<!tpu.dma_semaphore, #tpu.memory_space<semaphore_mem>>)
      %dma_wait3A = arith.constant 0 : i32
      %dma_wait3A_56 = tpu.memref_slice %arg4[%mul3A_4, %dma_wait3A] : memref<20000x16xi32, #tpu.memory_space<hbm>> -> memref<625x16xi32, #tpu.memory_space<hbm>>
      %dma_wait3A_57 = arith.constant 0 : i32
      %dma_wait3A_58 = tpu.memref_slice %arg4[%mul3A_4, %dma_wait3A_57] : memref<20000x16xi32, #tpu.memory_space<hbm>> -> memref<625x16xi32, #tpu.memory_space<hbm>>
      tpu.wait_dma2 semaphore(%run_scoped3A : memref<!tpu.dma_semaphore, #tpu.memory_space<semaphore_mem>>) src(%dma_wait3A_58 : memref<625x16xi32, #tpu.memory_space<hbm>>) dst(%arg8 : memref<625x16xi32, #tpu.memory_space<vmem>>)
      tpu.yield
    }) : () -> ()
    %barrier3A = arith.constant 0 : index
    tpu.barrier barrier_id(%barrier3A)
    %dma_start3A = arith.constant 0 : i32
    %dma_start3A_5 = arith.constant 0 : i32
    %dma_start3A_6 = tpu.memref_slice %arg7[%dma_start3A, %dma_start3A_5] : memref<625x16xi32, #tpu.memory_space<vmem>> -> memref<1x16xi32, #tpu.memory_space<vmem>>
    %dma_start3A_7 = tpu.memref_squeeze %dma_start3A_6 : memref<1x16xi32, #tpu.memory_space<vmem>> -> memref<16xi32, #tpu.memory_space<vmem>>
    %dma_start3A_8 = arith.constant 0 : i32
    %dma_start3A_9 = arith.constant 0 : i32
    %dma_start3A_10 = tpu.memref_slice %arg2[%dma_start3A_8, %dma_start3A_9] : memref<10000x144xf32, #tpu.memory_space<hbm>> -> memref<10000x144xf32, #tpu.memory_space<hbm>>
    tpu.enqueue_indirect_dma source(%dma_start3A_10 : memref<10000x144xf32, #tpu.memory_space<hbm>>) target(%arg9 : memref<16x144xf32, #tpu.memory_space<vmem>>) offsets(%dma_start3A_7 : memref<16xi32, #tpu.memory_space<vmem>>) semaphore(%arg15 : memref<!tpu.dma_semaphore, #tpu.memory_space<semaphore_mem>>)
    %dma_start3A_11 = arith.constant 1 : i32
    %dma_start3A_12 = arith.constant 0 : i32
    %dma_start3A_13 = tpu.memref_slice %arg7[%dma_start3A_11, %dma_start3A_12] : memref<625x16xi32, #tpu.memory_space<vmem>> -> memref<1x16xi32, #tpu.memory_space<vmem>>
    %dma_start3A_14 = tpu.memref_squeeze %dma_start3A_13 : memref<1x16xi32, #tpu.memory_space<vmem>> -> memref<16xi32, #tpu.memory_space<vmem>>
    %dma_start3A_15 = arith.constant 0 : i32
    %dma_start3A_16 = arith.constant 0 : i32
    %dma_start3A_17 = tpu.memref_slice %arg2[%dma_start3A_15, %dma_start3A_16] : memref<10000x144xf32, #tpu.memory_space<hbm>> -> memref<10000x144xf32, #tpu.memory_space<hbm>>
    tpu.enqueue_indirect_dma source(%dma_start3A_17 : memref<10000x144xf32, #tpu.memory_space<hbm>>) target(%arg10 : memref<16x144xf32, #tpu.memory_space<vmem>>) offsets(%dma_start3A_14 : memref<16xi32, #tpu.memory_space<vmem>>) semaphore(%arg16 : memref<!tpu.dma_semaphore, #tpu.memory_space<semaphore_mem>>)
    %dma_start3A_18 = arith.constant 2 : i32
    %dma_start3A_19 = arith.constant 0 : i32
    %dma_start3A_20 = tpu.memref_slice %arg7[%dma_start3A_18, %dma_start3A_19] : memref<625x16xi32, #tpu.memory_space<vmem>> -> memref<1x16xi32, #tpu.memory_space<vmem>>
    %dma_start3A_21 = tpu.memref_squeeze %dma_start3A_20 : memref<1x16xi32, #tpu.memory_space<vmem>> -> memref<16xi32, #tpu.memory_space<vmem>>
    %dma_start3A_22 = arith.constant 0 : i32
    %dma_start3A_23 = arith.constant 0 : i32
    %dma_start3A_24 = tpu.memref_slice %arg2[%dma_start3A_22, %dma_start3A_23] : memref<10000x144xf32, #tpu.memory_space<hbm>> -> memref<10000x144xf32, #tpu.memory_space<hbm>>
    tpu.enqueue_indirect_dma source(%dma_start3A_24 : memref<10000x144xf32, #tpu.memory_space<hbm>>) target(%arg11 : memref<16x144xf32, #tpu.memory_space<vmem>>) offsets(%dma_start3A_21 : memref<16xi32, #tpu.memory_space<vmem>>) semaphore(%arg17 : memref<!tpu.dma_semaphore, #tpu.memory_space<semaphore_mem>>)
    %dma_start3A_25 = arith.constant 3 : i32
    %dma_start3A_26 = arith.constant 0 : i32
    %dma_start3A_27 = tpu.memref_slice %arg7[%dma_start3A_25, %dma_start3A_26] : memref<625x16xi32, #tpu.memory_space<vmem>> -> memref<1x16xi32, #tpu.memory_space<vmem>>
    %dma_start3A_28 = tpu.memref_squeeze %dma_start3A_27 : memref<1x16xi32, #tpu.memory_space<vmem>> -> memref<16xi32, #tpu.memory_space<vmem>>
    %dma_start3A_29 = arith.constant 0 : i32
    %dma_start3A_30 = arith.constant 0 : i32
    %dma_start3A_31 = tpu.memref_slice %arg2[%dma_start3A_29, %dma_start3A_30] : memref<10000x144xf32, #tpu.memory_space<hbm>> -> memref<10000x144xf32, #tpu.memory_space<hbm>>
    tpu.enqueue_indirect_dma source(%dma_start3A_31 : memref<10000x144xf32, #tpu.memory_space<hbm>>) target(%arg12 : memref<16x144xf32, #tpu.memory_space<vmem>>) offsets(%dma_start3A_28 : memref<16xi32, #tpu.memory_space<vmem>>) semaphore(%arg18 : memref<!tpu.dma_semaphore, #tpu.memory_space<semaphore_mem>>)
    %dma_start3A_32 = arith.constant 4 : i32
    %dma_start3A_33 = arith.constant 0 : i32
    %dma_start3A_34 = tpu.memref_slice %arg7[%dma_start3A_32, %dma_start3A_33] : memref<625x16xi32, #tpu.memory_space<vmem>> -> memref<1x16xi32, #tpu.memory_space<vmem>>
    %dma_start3A_35 = tpu.memref_squeeze %dma_start3A_34 : memref<1x16xi32, #tpu.memory_space<vmem>> -> memref<16xi32, #tpu.memory_space<vmem>>
    %dma_start3A_36 = arith.constant 0 : i32
    %dma_start3A_37 = arith.constant 0 : i32
    %dma_start3A_38 = tpu.memref_slice %arg2[%dma_start3A_36, %dma_start3A_37] : memref<10000x144xf32, #tpu.memory_space<hbm>> -> memref<10000x144xf32, #tpu.memory_space<hbm>>
    tpu.enqueue_indirect_dma source(%dma_start3A_38 : memref<10000x144xf32, #tpu.memory_space<hbm>>) target(%arg13 : memref<16x144xf32, #tpu.memory_space<vmem>>) offsets(%dma_start3A_35 : memref<16xi32, #tpu.memory_space<vmem>>) semaphore(%arg19 : memref<!tpu.dma_semaphore, #tpu.memory_space<semaphore_mem>>)
    %scan3A = arith.constant 0 : i32
    %scan3A_39 = arith.constant 0 : i32
    %scan3A_40 = arith.constant 125 : i32
    %scan3A_41 = arith.addi %scan3A_39, %scan3A_40 : i32
    %scan3A_42 = arith.constant 1 : i32
    scf.for %scan3A_52 = %scan3A_39 to %scan3A_41 step %scan3A_42  : i32 {
      %mul3A_53 = arith.constant 5 : i32
      %mul3A_54 = arith.muli %mul3A_53, %scan3A_52 : i32
      %add3A_55 = arith.constant 0 : i32
      %add3A_56 = arith.addi %mul3A_54, %add3A_55 : i32
      %dma_wait3A = arith.constant 0 : i32
      %dma_wait3A_57 = tpu.memref_slice %arg7[%add3A_56, %dma_wait3A] : memref<625x16xi32, #tpu.memory_space<vmem>> -> memref<1x16xi32, #tpu.memory_space<vmem>>
      %dma_wait3A_58 = tpu.memref_squeeze %dma_wait3A_57 : memref<1x16xi32, #tpu.memory_space<vmem>> -> memref<16xi32, #tpu.memory_space<vmem>>
      %dma_wait3A_59 = arith.constant 0 : i32
      %dma_wait3A_60 = arith.constant 0 : i32
      %dma_wait3A_61 = tpu.memref_slice %arg2[%dma_wait3A_59, %dma_wait3A_60] : memref<10000x144xf32, #tpu.memory_space<hbm>> -> memref<10000x144xf32, #tpu.memory_space<hbm>>
      tpu.wait_indirect_dma semaphore(%arg15 : memref<!tpu.dma_semaphore, #tpu.memory_space<semaphore_mem>>) src(%dma_wait3A_61 : memref<10000x144xf32, #tpu.memory_space<hbm>>) dst(%arg9 : memref<16x144xf32, #tpu.memory_space<vmem>>)
      "tpu.region"() ({
        %run_scoped3A = tpu.sem_alloc : memref<!tpu.dma_semaphore, #tpu.memory_space<semaphore_mem>>
        %dma_start3A_126 = arith.constant 0 : i32
        %dma_start3A_127 = tpu.memref_slice %arg8[%add3A_56, %dma_start3A_126] : memref<625x16xi32, #tpu.memory_space<vmem>> -> memref<1x16xi32, #tpu.memory_space<vmem>>
        %dma_start3A_128 = tpu.memref_squeeze %dma_start3A_127 : memref<1x16xi32, #tpu.memory_space<vmem>> -> memref<16xi32, #tpu.memory_space<vmem>>
        %dma_start3A_129 = arith.constant 0 : i32
        %dma_start3A_130 = arith.constant 0 : i32
        %dma_start3A_131 = tpu.memref_slice %arg14[%dma_start3A_129, %dma_start3A_130] : memref<10000x144xf32, #tpu.memory_space<vmem_shared>> -> memref<10000x144xf32, #tpu.memory_space<vmem_shared>>
        tpu.enqueue_indirect_dma source(%arg9 : memref<16x144xf32, #tpu.memory_space<vmem>>) target(%dma_start3A_131 : memref<10000x144xf32, #tpu.memory_space<vmem_shared>>) offsets(%dma_start3A_128 : memref<16xi32, #tpu.memory_space<vmem>>) semaphore(%run_scoped3A : memref<!tpu.dma_semaphore, #tpu.memory_space<semaphore_mem>>) {add = true}
        %dma_wait3A_132 = arith.constant 0 : i32
        %dma_wait3A_133 = tpu.memref_slice %arg8[%add3A_56, %dma_wait3A_132] : memref<625x16xi32, #tpu.memory_space<vmem>> -> memref<1x16xi32, #tpu.memory_space<vmem>>
        %dma_wait3A_134 = tpu.memref_squeeze %dma_wait3A_133 : memref<1x16xi32, #tpu.memory_space<vmem>> -> memref<16xi32, #tpu.memory_space<vmem>>
        %dma_wait3A_135 = arith.constant 0 : i32
        %dma_wait3A_136 = arith.constant 0 : i32
        %dma_wait3A_137 = tpu.memref_slice %arg14[%dma_wait3A_135, %dma_wait3A_136] : memref<10000x144xf32, #tpu.memory_space<vmem_shared>> -> memref<10000x144xf32, #tpu.memory_space<vmem_shared>>
        tpu.wait_indirect_dma semaphore(%run_scoped3A : memref<!tpu.dma_semaphore, #tpu.memory_space<semaphore_mem>>) src(%arg9 : memref<16x144xf32, #tpu.memory_space<vmem>>) dst(%dma_wait3A_137 : memref<10000x144xf32, #tpu.memory_space<vmem_shared>>)
        tpu.yield
      }) : () -> ()
      %add3A_62 = arith.constant 5 : i32
      %add3A_63 = arith.addi %add3A_56, %add3A_62 : i32
      %lt3A = arith.constant 625 : i32
      %lt3A_64 = arith.cmpi slt, %add3A_63, %lt3A : i32
      %convert_element_type3A = arith.extui %lt3A_64 : i1 to i32
      %cond3A = arith.constant 0 : i32
      %cond3A_65 = arith.cmpi ne, %convert_element_type3A, %cond3A : i32
      scf.if %cond3A_65 {
        %add3A_126 = arith.constant 5 : i32
        %add3A_127 = arith.addi %add3A_56, %add3A_126 : i32
        %dma_start3A_128 = arith.constant 0 : i32
        %dma_start3A_129 = tpu.memref_slice %arg7[%add3A_127, %dma_start3A_128] : memref<625x16xi32, #tpu.memory_space<vmem>> -> memref<1x16xi32, #tpu.memory_space<vmem>>
        %dma_start3A_130 = tpu.memref_squeeze %dma_start3A_129 : memref<1x16xi32, #tpu.memory_space<vmem>> -> memref<16xi32, #tpu.memory_space<vmem>>
        %dma_start3A_131 = arith.constant 0 : i32
        %dma_start3A_132 = arith.constant 0 : i32
        %dma_start3A_133 = tpu.memref_slice %arg2[%dma_start3A_131, %dma_start3A_132] : memref<10000x144xf32, #tpu.memory_space<hbm>> -> memref<10000x144xf32, #tpu.memory_space<hbm>>
        tpu.enqueue_indirect_dma source(%dma_start3A_133 : memref<10000x144xf32, #tpu.memory_space<hbm>>) target(%arg9 : memref<16x144xf32, #tpu.memory_space<vmem>>) offsets(%dma_start3A_130 : memref<16xi32, #tpu.memory_space<vmem>>) semaphore(%arg15 : memref<!tpu.dma_semaphore, #tpu.memory_space<semaphore_mem>>)
      } else {
      }
      %add3A_66 = arith.constant 1 : i32
      %add3A_67 = arith.addi %mul3A_54, %add3A_66 : i32
      %dma_wait3A_68 = arith.constant 0 : i32
      %dma_wait3A_69 = tpu.memref_slice %arg7[%add3A_67, %dma_wait3A_68] : memref<625x16xi32, #tpu.memory_space<vmem>> -> memref<1x16xi32, #tpu.memory_space<vmem>>
      %dma_wait3A_70 = tpu.memref_squeeze %dma_wait3A_69 : memref<1x16xi32, #tpu.memory_space<vmem>> -> memref<16xi32, #tpu.memory_space<vmem>>
      %dma_wait3A_71 = arith.constant 0 : i32
      %dma_wait3A_72 = arith.constant 0 : i32
      %dma_wait3A_73 = tpu.memref_slice %arg2[%dma_wait3A_71, %dma_wait3A_72] : memref<10000x144xf32, #tpu.memory_space<hbm>> -> memref<10000x144xf32, #tpu.memory_space<hbm>>
      tpu.wait_indirect_dma semaphore(%arg16 : memref<!tpu.dma_semaphore, #tpu.memory_space<semaphore_mem>>) src(%dma_wait3A_73 : memref<10000x144xf32, #tpu.memory_space<hbm>>) dst(%arg10 : memref<16x144xf32, #tpu.memory_space<vmem>>)
      "tpu.region"() ({
        %run_scoped3A = tpu.sem_alloc : memref<!tpu.dma_semaphore, #tpu.memory_space<semaphore_mem>>
        %dma_start3A_126 = arith.constant 0 : i32
        %dma_start3A_127 = tpu.memref_slice %arg8[%add3A_67, %dma_start3A_126] : memref<625x16xi32, #tpu.memory_space<vmem>> -> memref<1x16xi32, #tpu.memory_space<vmem>>
        %dma_start3A_128 = tpu.memref_squeeze %dma_start3A_127 : memref<1x16xi32, #tpu.memory_space<vmem>> -> memref<16xi32, #tpu.memory_space<vmem>>
        %dma_start3A_129 = arith.constant 0 : i32
        %dma_start3A_130 = arith.constant 0 : i32
        %dma_start3A_131 = tpu.memref_slice %arg14[%dma_start3A_129, %dma_start3A_130] : memref<10000x144xf32, #tpu.memory_space<vmem_shared>> -> memref<10000x144xf32, #tpu.memory_space<vmem_shared>>
        tpu.enqueue_indirect_dma source(%arg10 : memref<16x144xf32, #tpu.memory_space<vmem>>) target(%dma_start3A_131 : memref<10000x144xf32, #tpu.memory_space<vmem_shared>>) offsets(%dma_start3A_128 : memref<16xi32, #tpu.memory_space<vmem>>) semaphore(%run_scoped3A : memref<!tpu.dma_semaphore, #tpu.memory_space<semaphore_mem>>) {add = true}
        %dma_wait3A_132 = arith.constant 0 : i32
        %dma_wait3A_133 = tpu.memref_slice %arg8[%add3A_67, %dma_wait3A_132] : memref<625x16xi32, #tpu.memory_space<vmem>> -> memref<1x16xi32, #tpu.memory_space<vmem>>
        %dma_wait3A_134 = tpu.memref_squeeze %dma_wait3A_133 : memref<1x16xi32, #tpu.memory_space<vmem>> -> memref<16xi32, #tpu.memory_space<vmem>>
        %dma_wait3A_135 = arith.constant 0 : i32
        %dma_wait3A_136 = arith.constant 0 : i32
        %dma_wait3A_137 = tpu.memref_slice %arg14[%dma_wait3A_135, %dma_wait3A_136] : memref<10000x144xf32, #tpu.memory_space<vmem_shared>> -> memref<10000x144xf32, #tpu.memory_space<vmem_shared>>
        tpu.wait_indirect_dma semaphore(%run_scoped3A : memref<!tpu.dma_semaphore, #tpu.memory_space<semaphore_mem>>) src(%arg10 : memref<16x144xf32, #tpu.memory_space<vmem>>) dst(%dma_wait3A_137 : memref<10000x144xf32, #tpu.memory_space<vmem_shared>>)
        tpu.yield
      }) : () -> ()
      %add3A_74 = arith.constant 5 : i32
      %add3A_75 = arith.addi %add3A_67, %add3A_74 : i32
      %lt3A_76 = arith.constant 625 : i32
      %lt3A_77 = arith.cmpi slt, %add3A_75, %lt3A_76 : i32
      %convert_element_type3A_78 = arith.extui %lt3A_77 : i1 to i32
      %cond3A_79 = arith.constant 0 : i32
      %cond3A_80 = arith.cmpi ne, %convert_element_type3A_78, %cond3A_79 : i32
      scf.if %cond3A_80 {
        %add3A_126 = arith.constant 5 : i32
        %add3A_127 = arith.addi %add3A_67, %add3A_126 : i32
        %dma_start3A_128 = arith.constant 0 : i32
        %dma_start3A_129 = tpu.memref_slice %arg7[%add3A_127, %dma_start3A_128] : memref<625x16xi32, #tpu.memory_space<vmem>> -> memref<1x16xi32, #tpu.memory_space<vmem>>
        %dma_start3A_130 = tpu.memref_squeeze %dma_start3A_129 : memref<1x16xi32, #tpu.memory_space<vmem>> -> memref<16xi32, #tpu.memory_space<vmem>>
        %dma_start3A_131 = arith.constant 0 : i32
        %dma_start3A_132 = arith.constant 0 : i32
        %dma_start3A_133 = tpu.memref_slice %arg2[%dma_start3A_131, %dma_start3A_132] : memref<10000x144xf32, #tpu.memory_space<hbm>> -> memref<10000x144xf32, #tpu.memory_space<hbm>>
        tpu.enqueue_indirect_dma source(%dma_start3A_133 : memref<10000x144xf32, #tpu.memory_space<hbm>>) target(%arg10 : memref<16x144xf32, #tpu.memory_space<vmem>>) offsets(%dma_start3A_130 : memref<16xi32, #tpu.memory_space<vmem>>) semaphore(%arg16 : memref<!tpu.dma_semaphore, #tpu.memory_space<semaphore_mem>>)
      } else {
      }
      %add3A_81 = arith.constant 2 : i32
      %add3A_82 = arith.addi %mul3A_54, %add3A_81 : i32
      %dma_wait3A_83 = arith.constant 0 : i32
      %dma_wait3A_84 = tpu.memref_slice %arg7[%add3A_82, %dma_wait3A_83] : memref<625x16xi32, #tpu.memory_space<vmem>> -> memref<1x16xi32, #tpu.memory_space<vmem>>
      %dma_wait3A_85 = tpu.memref_squeeze %dma_wait3A_84 : memref<1x16xi32, #tpu.memory_space<vmem>> -> memref<16xi32, #tpu.memory_space<vmem>>
      %dma_wait3A_86 = arith.constant 0 : i32
      %dma_wait3A_87 = arith.constant 0 : i32
      %dma_wait3A_88 = tpu.memref_slice %arg2[%dma_wait3A_86, %dma_wait3A_87] : memref<10000x144xf32, #tpu.memory_space<hbm>> -> memref<10000x144xf32, #tpu.memory_space<hbm>>
      tpu.wait_indirect_dma semaphore(%arg17 : memref<!tpu.dma_semaphore, #tpu.memory_space<semaphore_mem>>) src(%dma_wait3A_88 : memref<10000x144xf32, #tpu.memory_space<hbm>>) dst(%arg11 : memref<16x144xf32, #tpu.memory_space<vmem>>)
      "tpu.region"() ({
        %run_scoped3A = tpu.sem_alloc : memref<!tpu.dma_semaphore, #tpu.memory_space<semaphore_mem>>
        %dma_start3A_126 = arith.constant 0 : i32
        %dma_start3A_127 = tpu.memref_slice %arg8[%add3A_82, %dma_start3A_126] : memref<625x16xi32, #tpu.memory_space<vmem>> -> memref<1x16xi32, #tpu.memory_space<vmem>>
        %dma_start3A_128 = tpu.memref_squeeze %dma_start3A_127 : memref<1x16xi32, #tpu.memory_space<vmem>> -> memref<16xi32, #tpu.memory_space<vmem>>
        %dma_start3A_129 = arith.constant 0 : i32
        %dma_start3A_130 = arith.constant 0 : i32
        %dma_start3A_131 = tpu.memref_slice %arg14[%dma_start3A_129, %dma_start3A_130] : memref<10000x144xf32, #tpu.memory_space<vmem_shared>> -> memref<10000x144xf32, #tpu.memory_space<vmem_shared>>
        tpu.enqueue_indirect_dma source(%arg11 : memref<16x144xf32, #tpu.memory_space<vmem>>) target(%dma_start3A_131 : memref<10000x144xf32, #tpu.memory_space<vmem_shared>>) offsets(%dma_start3A_128 : memref<16xi32, #tpu.memory_space<vmem>>) semaphore(%run_scoped3A : memref<!tpu.dma_semaphore, #tpu.memory_space<semaphore_mem>>) {add = true}
        %dma_wait3A_132 = arith.constant 0 : i32
        %dma_wait3A_133 = tpu.memref_slice %arg8[%add3A_82, %dma_wait3A_132] : memref<625x16xi32, #tpu.memory_space<vmem>> -> memref<1x16xi32, #tpu.memory_space<vmem>>
        %dma_wait3A_134 = tpu.memref_squeeze %dma_wait3A_133 : memref<1x16xi32, #tpu.memory_space<vmem>> -> memref<16xi32, #tpu.memory_space<vmem>>
        %dma_wait3A_135 = arith.constant 0 : i32
        %dma_wait3A_136 = arith.constant 0 : i32
        %dma_wait3A_137 = tpu.memref_slice %arg14[%dma_wait3A_135, %dma_wait3A_136] : memref<10000x144xf32, #tpu.memory_space<vmem_shared>> -> memref<10000x144xf32, #tpu.memory_space<vmem_shared>>
        tpu.wait_indirect_dma semaphore(%run_scoped3A : memref<!tpu.dma_semaphore, #tpu.memory_space<semaphore_mem>>) src(%arg11 : memref<16x144xf32, #tpu.memory_space<vmem>>) dst(%dma_wait3A_137 : memref<10000x144xf32, #tpu.memory_space<vmem_shared>>)
        tpu.yield
      }) : () -> ()
      %add3A_89 = arith.constant 5 : i32
      %add3A_90 = arith.addi %add3A_82, %add3A_89 : i32
      %lt3A_91 = arith.constant 625 : i32
      %lt3A_92 = arith.cmpi slt, %add3A_90, %lt3A_91 : i32
      %convert_element_type3A_93 = arith.extui %lt3A_92 : i1 to i32
      %cond3A_94 = arith.constant 0 : i32
      %cond3A_95 = arith.cmpi ne, %convert_element_type3A_93, %cond3A_94 : i32
      scf.if %cond3A_95 {
        %add3A_126 = arith.constant 5 : i32
        %add3A_127 = arith.addi %add3A_82, %add3A_126 : i32
        %dma_start3A_128 = arith.constant 0 : i32
        %dma_start3A_129 = tpu.memref_slice %arg7[%add3A_127, %dma_start3A_128] : memref<625x16xi32, #tpu.memory_space<vmem>> -> memref<1x16xi32, #tpu.memory_space<vmem>>
        %dma_start3A_130 = tpu.memref_squeeze %dma_start3A_129 : memref<1x16xi32, #tpu.memory_space<vmem>> -> memref<16xi32, #tpu.memory_space<vmem>>
        %dma_start3A_131 = arith.constant 0 : i32
        %dma_start3A_132 = arith.constant 0 : i32
        %dma_start3A_133 = tpu.memref_slice %arg2[%dma_start3A_131, %dma_start3A_132] : memref<10000x144xf32, #tpu.memory_space<hbm>> -> memref<10000x144xf32, #tpu.memory_space<hbm>>
        tpu.enqueue_indirect_dma source(%dma_start3A_133 : memref<10000x144xf32, #tpu.memory_space<hbm>>) target(%arg11 : memref<16x144xf32, #tpu.memory_space<vmem>>) offsets(%dma_start3A_130 : memref<16xi32, #tpu.memory_space<vmem>>) semaphore(%arg17 : memref<!tpu.dma_semaphore, #tpu.memory_space<semaphore_mem>>)
      } else {
      }
      %add3A_96 = arith.constant 3 : i32
      %add3A_97 = arith.addi %mul3A_54, %add3A_96 : i32
      %dma_wait3A_98 = arith.constant 0 : i32
      %dma_wait3A_99 = tpu.memref_slice %arg7[%add3A_97, %dma_wait3A_98] : memref<625x16xi32, #tpu.memory_space<vmem>> -> memref<1x16xi32, #tpu.memory_space<vmem>>
      %dma_wait3A_100 = tpu.memref_squeeze %dma_wait3A_99 : memref<1x16xi32, #tpu.memory_space<vmem>> -> memref<16xi32, #tpu.memory_space<vmem>>
      %dma_wait3A_101 = arith.constant 0 : i32
      %dma_wait3A_102 = arith.constant 0 : i32
      %dma_wait3A_103 = tpu.memref_slice %arg2[%dma_wait3A_101, %dma_wait3A_102] : memref<10000x144xf32, #tpu.memory_space<hbm>> -> memref<10000x144xf32, #tpu.memory_space<hbm>>
      tpu.wait_indirect_dma semaphore(%arg18 : memref<!tpu.dma_semaphore, #tpu.memory_space<semaphore_mem>>) src(%dma_wait3A_103 : memref<10000x144xf32, #tpu.memory_space<hbm>>) dst(%arg12 : memref<16x144xf32, #tpu.memory_space<vmem>>)
      "tpu.region"() ({
        %run_scoped3A = tpu.sem_alloc : memref<!tpu.dma_semaphore, #tpu.memory_space<semaphore_mem>>
        %dma_start3A_126 = arith.constant 0 : i32
        %dma_start3A_127 = tpu.memref_slice %arg8[%add3A_97, %dma_start3A_126] : memref<625x16xi32, #tpu.memory_space<vmem>> -> memref<1x16xi32, #tpu.memory_space<vmem>>
        %dma_start3A_128 = tpu.memref_squeeze %dma_start3A_127 : memref<1x16xi32, #tpu.memory_space<vmem>> -> memref<16xi32, #tpu.memory_space<vmem>>
        %dma_start3A_129 = arith.constant 0 : i32
        %dma_start3A_130 = arith.constant 0 : i32
        %dma_start3A_131 = tpu.memref_slice %arg14[%dma_start3A_129, %dma_start3A_130] : memref<10000x144xf32, #tpu.memory_space<vmem_shared>> -> memref<10000x144xf32, #tpu.memory_space<vmem_shared>>
        tpu.enqueue_indirect_dma source(%arg12 : memref<16x144xf32, #tpu.memory_space<vmem>>) target(%dma_start3A_131 : memref<10000x144xf32, #tpu.memory_space<vmem_shared>>) offsets(%dma_start3A_128 : memref<16xi32, #tpu.memory_space<vmem>>) semaphore(%run_scoped3A : memref<!tpu.dma_semaphore, #tpu.memory_space<semaphore_mem>>) {add = true}
        %dma_wait3A_132 = arith.constant 0 : i32
        %dma_wait3A_133 = tpu.memref_slice %arg8[%add3A_97, %dma_wait3A_132] : memref<625x16xi32, #tpu.memory_space<vmem>> -> memref<1x16xi32, #tpu.memory_space<vmem>>
        %dma_wait3A_134 = tpu.memref_squeeze %dma_wait3A_133 : memref<1x16xi32, #tpu.memory_space<vmem>> -> memref<16xi32, #tpu.memory_space<vmem>>
        %dma_wait3A_135 = arith.constant 0 : i32
        %dma_wait3A_136 = arith.constant 0 : i32
        %dma_wait3A_137 = tpu.memref_slice %arg14[%dma_wait3A_135, %dma_wait3A_136] : memref<10000x144xf32, #tpu.memory_space<vmem_shared>> -> memref<10000x144xf32, #tpu.memory_space<vmem_shared>>
        tpu.wait_indirect_dma semaphore(%run_scoped3A : memref<!tpu.dma_semaphore, #tpu.memory_space<semaphore_mem>>) src(%arg12 : memref<16x144xf32, #tpu.memory_space<vmem>>) dst(%dma_wait3A_137 : memref<10000x144xf32, #tpu.memory_space<vmem_shared>>)
        tpu.yield
      }) : () -> ()
      %add3A_104 = arith.constant 5 : i32
      %add3A_105 = arith.addi %add3A_97, %add3A_104 : i32
      %lt3A_106 = arith.constant 625 : i32
      %lt3A_107 = arith.cmpi slt, %add3A_105, %lt3A_106 : i32
      %convert_element_type3A_108 = arith.extui %lt3A_107 : i1 to i32
      %cond3A_109 = arith.constant 0 : i32
      %cond3A_110 = arith.cmpi ne, %convert_element_type3A_108, %cond3A_109 : i32
      scf.if %cond3A_110 {
        %add3A_126 = arith.constant 5 : i32
        %add3A_127 = arith.addi %add3A_97, %add3A_126 : i32
        %dma_start3A_128 = arith.constant 0 : i32
        %dma_start3A_129 = tpu.memref_slice %arg7[%add3A_127, %dma_start3A_128] : memref<625x16xi32, #tpu.memory_space<vmem>> -> memref<1x16xi32, #tpu.memory_space<vmem>>
        %dma_start3A_130 = tpu.memref_squeeze %dma_start3A_129 : memref<1x16xi32, #tpu.memory_space<vmem>> -> memref<16xi32, #tpu.memory_space<vmem>>
        %dma_start3A_131 = arith.constant 0 : i32
        %dma_start3A_132 = arith.constant 0 : i32
        %dma_start3A_133 = tpu.memref_slice %arg2[%dma_start3A_131, %dma_start3A_132] : memref<10000x144xf32, #tpu.memory_space<hbm>> -> memref<10000x144xf32, #tpu.memory_space<hbm>>
        tpu.enqueue_indirect_dma source(%dma_start3A_133 : memref<10000x144xf32, #tpu.memory_space<hbm>>) target(%arg12 : memref<16x144xf32, #tpu.memory_space<vmem>>) offsets(%dma_start3A_130 : memref<16xi32, #tpu.memory_space<vmem>>) semaphore(%arg18 : memref<!tpu.dma_semaphore, #tpu.memory_space<semaphore_mem>>)
      } else {
      }
      %add3A_111 = arith.constant 4 : i32
      %add3A_112 = arith.addi %mul3A_54, %add3A_111 : i32
      %dma_wait3A_113 = arith.constant 0 : i32
      %dma_wait3A_114 = tpu.memref_slice %arg7[%add3A_112, %dma_wait3A_113] : memref<625x16xi32, #tpu.memory_space<vmem>> -> memref<1x16xi32, #tpu.memory_space<vmem>>
      %dma_wait3A_115 = tpu.memref_squeeze %dma_wait3A_114 : memref<1x16xi32, #tpu.memory_space<vmem>> -> memref<16xi32, #tpu.memory_space<vmem>>
      %dma_wait3A_116 = arith.constant 0 : i32
      %dma_wait3A_117 = arith.constant 0 : i32
      %dma_wait3A_118 = tpu.memref_slice %arg2[%dma_wait3A_116, %dma_wait3A_117] : memref<10000x144xf32, #tpu.memory_space<hbm>> -> memref<10000x144xf32, #tpu.memory_space<hbm>>
      tpu.wait_indirect_dma semaphore(%arg19 : memref<!tpu.dma_semaphore, #tpu.memory_space<semaphore_mem>>) src(%dma_wait3A_118 : memref<10000x144xf32, #tpu.memory_space<hbm>>) dst(%arg13 : memref<16x144xf32, #tpu.memory_space<vmem>>)
      "tpu.region"() ({
        %run_scoped3A = tpu.sem_alloc : memref<!tpu.dma_semaphore, #tpu.memory_space<semaphore_mem>>
        %dma_start3A_126 = arith.constant 0 : i32
        %dma_start3A_127 = tpu.memref_slice %arg8[%add3A_112, %dma_start3A_126] : memref<625x16xi32, #tpu.memory_space<vmem>> -> memref<1x16xi32, #tpu.memory_space<vmem>>
        %dma_start3A_128 = tpu.memref_squeeze %dma_start3A_127 : memref<1x16xi32, #tpu.memory_space<vmem>> -> memref<16xi32, #tpu.memory_space<vmem>>
        %dma_start3A_129 = arith.constant 0 : i32
        %dma_start3A_130 = arith.constant 0 : i32
        %dma_start3A_131 = tpu.memref_slice %arg14[%dma_start3A_129, %dma_start3A_130] : memref<10000x144xf32, #tpu.memory_space<vmem_shared>> -> memref<10000x144xf32, #tpu.memory_space<vmem_shared>>
        tpu.enqueue_indirect_dma source(%arg13 : memref<16x144xf32, #tpu.memory_space<vmem>>) target(%dma_start3A_131 : memref<10000x144xf32, #tpu.memory_space<vmem_shared>>) offsets(%dma_start3A_128 : memref<16xi32, #tpu.memory_space<vmem>>) semaphore(%run_scoped3A : memref<!tpu.dma_semaphore, #tpu.memory_space<semaphore_mem>>) {add = true}
        %dma_wait3A_132 = arith.constant 0 : i32
        %dma_wait3A_133 = tpu.memref_slice %arg8[%add3A_112, %dma_wait3A_132] : memref<625x16xi32, #tpu.memory_space<vmem>> -> memref<1x16xi32, #tpu.memory_space<vmem>>
        %dma_wait3A_134 = tpu.memref_squeeze %dma_wait3A_133 : memref<1x16xi32, #tpu.memory_space<vmem>> -> memref<16xi32, #tpu.memory_space<vmem>>
        %dma_wait3A_135 = arith.constant 0 : i32
        %dma_wait3A_136 = arith.constant 0 : i32
        %dma_wait3A_137 = tpu.memref_slice %arg14[%dma_wait3A_135, %dma_wait3A_136] : memref<10000x144xf32, #tpu.memory_space<vmem_shared>> -> memref<10000x144xf32, #tpu.memory_space<vmem_shared>>
        tpu.wait_indirect_dma semaphore(%run_scoped3A : memref<!tpu.dma_semaphore, #tpu.memory_space<semaphore_mem>>) src(%arg13 : memref<16x144xf32, #tpu.memory_space<vmem>>) dst(%dma_wait3A_137 : memref<10000x144xf32, #tpu.memory_space<vmem_shared>>)
        tpu.yield
      }) : () -> ()
      %add3A_119 = arith.constant 5 : i32
      %add3A_120 = arith.addi %add3A_112, %add3A_119 : i32
      %lt3A_121 = arith.constant 625 : i32
      %lt3A_122 = arith.cmpi slt, %add3A_120, %lt3A_121 : i32
      %convert_element_type3A_123 = arith.extui %lt3A_122 : i1 to i32
      %cond3A_124 = arith.constant 0 : i32
      %cond3A_125 = arith.cmpi ne, %convert_element_type3A_123, %cond3A_124 : i32
      scf.if %cond3A_125 {
        %add3A_126 = arith.constant 5 : i32
        %add3A_127 = arith.addi %add3A_112, %add3A_126 : i32
        %dma_start3A_128 = arith.constant 0 : i32
        %dma_start3A_129 = tpu.memref_slice %arg7[%add3A_127, %dma_start3A_128] : memref<625x16xi32, #tpu.memory_space<vmem>> -> memref<1x16xi32, #tpu.memory_space<vmem>>
        %dma_start3A_130 = tpu.memref_squeeze %dma_start3A_129 : memref<1x16xi32, #tpu.memory_space<vmem>> -> memref<16xi32, #tpu.memory_space<vmem>>
        %dma_start3A_131 = arith.constant 0 : i32
        %dma_start3A_132 = arith.constant 0 : i32
        %dma_start3A_133 = tpu.memref_slice %arg2[%dma_start3A_131, %dma_start3A_132] : memref<10000x144xf32, #tpu.memory_space<hbm>> -> memref<10000x144xf32, #tpu.memory_space<hbm>>
        tpu.enqueue_indirect_dma source(%dma_start3A_133 : memref<10000x144xf32, #tpu.memory_space<hbm>>) target(%arg13 : memref<16x144xf32, #tpu.memory_space<vmem>>) offsets(%dma_start3A_130 : memref<16xi32, #tpu.memory_space<vmem>>) semaphore(%arg19 : memref<!tpu.dma_semaphore, #tpu.memory_space<semaphore_mem>>)
      } else {
      }
    }
    %scan3A_43 = arith.constant 125 : i32
    %barrier3A_44 = arith.constant 0 : index
    tpu.barrier barrier_id(%barrier3A_44)
    %mul3A_45 = arith.constant 625 : i32
    %mul3A_46 = arith.muli %arg1, %mul3A_45 : i32
    %mul3A_47 = arith.constant 10000 : i32
    %mul3A_48 = arith.muli %arg0, %mul3A_47 : i32
    %mul3A_49 = arith.constant 625 : i32
    %mul3A_50 = arith.muli %arg1, %mul3A_49 : i32
    %add3A_51 = arith.addi %mul3A_48, %mul3A_50 : i32
    "tpu.region"() ({
      %run_scoped3A = tpu.sem_alloc : memref<!tpu.dma_semaphore, #tpu.memory_space<semaphore_mem>>
      %dma_start3A_52 = arith.constant 0 : i32
      %dma_start3A_53 = tpu.memref_slice %arg6[%add3A_51, %dma_start3A_52] : memref<20000x144xf32, #tpu.memory_space<hbm>> -> memref<625x144xf32, #tpu.memory_space<hbm>>
      %dma_start3A_54 = arith.constant 0 : i32
      %dma_start3A_55 = tpu.memref_slice %arg14[%mul3A_46, %dma_start3A_54] : memref<10000x144xf32, #tpu.memory_space<vmem_shared>> -> memref<625x144xf32, #tpu.memory_space<vmem_shared>>
      tpu.enqueue_dma source(%dma_start3A_55 : memref<625x144xf32, #tpu.memory_space<vmem_shared>>) target(%dma_start3A_53 : memref<625x144xf32, #tpu.memory_space<hbm>>) target_semaphore(%run_scoped3A : memref<!tpu.dma_semaphore, #tpu.memory_space<semaphore_mem>>)
      %dma_wait3A = arith.constant 0 : i32
      %dma_wait3A_56 = tpu.memref_slice %arg6[%add3A_51, %dma_wait3A] : memref<20000x144xf32, #tpu.memory_space<hbm>> -> memref<625x144xf32, #tpu.memory_space<hbm>>
      %dma_wait3A_57 = arith.constant 0 : i32
      %dma_wait3A_58 = tpu.memref_slice %arg14[%mul3A_46, %dma_wait3A_57] : memref<10000x144xf32, #tpu.memory_space<vmem_shared>> -> memref<625x144xf32, #tpu.memory_space<vmem_shared>>
      tpu.wait_dma2 semaphore(%run_scoped3A : memref<!tpu.dma_semaphore, #tpu.memory_space<semaphore_mem>>) src(%dma_wait3A_58 : memref<625x144xf32, #tpu.memory_space<vmem_shared>>) dst(%dma_wait3A_56 : memref<625x144xf32, #tpu.memory_space<hbm>>)
      tpu.yield
    }) : () -> ()
    return
  }
}

#map = affine_map<(d0, d1) -> (0, 0)>
module attributes {stable_mosaic.version = 14 : i64} {
  func.func @k(%arg0: i32, %arg1: i32, %arg2: memref<10000x144xf32, #tpu.memory_space<hbm>>, %arg3: memref<20000x16xi32, #tpu.memory_space<hbm>>, %arg4: memref<20000x16xi32, #tpu.memory_space<hbm>>, %arg5: memref<625x144xf32, #tpu.memory_space<hbm>>, %arg6: memref<20000x144xf32, #tpu.memory_space<hbm>>, %arg7: memref<625x16xi32, #tpu.memory_space<vmem>>, %arg8: memref<625x16xi32, #tpu.memory_space<vmem>>, %arg9: memref<16x144xf32, #tpu.memory_space<vmem>>, %arg10: memref<16x144xf32, #tpu.memory_space<vmem>>, %arg11: memref<16x144xf32, #tpu.memory_space<vmem>>, %arg12: memref<16x144xf32, #tpu.memory_space<vmem>>, %arg13: memref<16x144xf32, #tpu.memory_space<vmem>>, %arg14: memref<10000x144xf32, #tpu.memory_space<vmem_shared>>, %arg15: memref<!tpu.dma_semaphore, #tpu.memory_space<semaphore_mem>>, %arg16: memref<!tpu.dma_semaphore, #tpu.memory_space<semaphore_mem>>, %arg17: memref<!tpu.dma_semaphore, #tpu.memory_space<semaphore_mem>>, %arg18: memref<!tpu.dma_semaphore, #tpu.memory_space<semaphore_mem>>, %arg19: memref<!tpu.dma_semaphore, #tpu.memory_space<semaphore_mem>>) attributes {dimension_semantics = [#tpu.dimension_semantics<core_parallel>, #tpu.dimension_semantics<subcore_parallel>], iteration_bounds = array<i64: 2, 16>, scalar_prefetch = 0 : i64, scratch_operands = 13 : i64, tpu.core_type = #tpu.core_type<sc_vector_subcore>, window_params = [{transform_indices = #map}, {transform_indices = #map}, {transform_indices = #map}, {transform_indices = #map}, {transform_indices = #map}]} {
    %mul3A = arith.constant 625 : i32
    %mul3A_0 = arith.muli %arg1, %mul3A : i32
    "tpu.region"() ({
      %run_scoped3A = tpu.sem_alloc : memref<!tpu.dma_semaphore, #tpu.memory_space<semaphore_mem>>
      %dma_start3A_52 = arith.constant 0 : i32
      %dma_start3A_53 = tpu.memref_slice %arg14[%mul3A_0, %dma_start3A_52] : memref<10000x144xf32, #tpu.memory_space<vmem_shared>> -> memref<625x144xf32, #tpu.memory_space<vmem_shared>>
      tpu.enqueue_dma source(%arg5 : memref<625x144xf32, #tpu.memory_space<hbm>>) target(%dma_start3A_53 : memref<625x144xf32, #tpu.memory_space<vmem_shared>>) target_semaphore(%run_scoped3A : memref<!tpu.dma_semaphore, #tpu.memory_space<semaphore_mem>>)
      %dma_wait3A = arith.constant 0 : i32
      %dma_wait3A_54 = tpu.memref_slice %arg14[%mul3A_0, %dma_wait3A] : memref<10000x144xf32, #tpu.memory_space<vmem_shared>> -> memref<625x144xf32, #tpu.memory_space<vmem_shared>>
      tpu.wait_dma2 semaphore(%run_scoped3A : memref<!tpu.dma_semaphore, #tpu.memory_space<semaphore_mem>>) src(%arg5 : memref<625x144xf32, #tpu.memory_space<hbm>>) dst(%dma_wait3A_54 : memref<625x144xf32, #tpu.memory_space<vmem_shared>>)
      tpu.yield
    }) : () -> ()
    %mul3A_1 = arith.constant 16 : i32
    %mul3A_2 = arith.muli %arg0, %mul3A_1 : i32
    %add3A = arith.addi %mul3A_2, %arg1 : i32
    %mul3A_3 = arith.constant 625 : i32
    %mul3A_4 = arith.muli %add3A, %mul3A_3 : i32
    "tpu.region"() ({
      %run_scoped3A = tpu.sem_alloc : memref<!tpu.dma_semaphore, #tpu.memory_space<semaphore_mem>>
      %dma_start3A_52 = arith.constant 0 : i32
      %dma_start3A_53 = tpu.memref_slice %arg3[%mul3A_4, %dma_start3A_52] : memref<20000x16xi32, #tpu.memory_space<hbm>> -> memref<625x16xi32, #tpu.memory_space<hbm>>
      %dma_start3A_54 = arith.constant 0 : i32
      %dma_start3A_55 = tpu.memref_slice %arg3[%mul3A_4, %dma_start3A_54] : memref<20000x16xi32, #tpu.memory_space<hbm>> -> memref<625x16xi32, #tpu.memory_space<hbm>>
      tpu.enqueue_dma source(%dma_start3A_55 : memref<625x16xi32, #tpu.memory_space<hbm>>) target(%arg7 : memref<625x16xi32, #tpu.memory_space<vmem>>) target_semaphore(%run_scoped3A : memref<!tpu.dma_semaphore, #tpu.memory_space<semaphore_mem>>)
      %dma_wait3A = arith.constant 0 : i32
      %dma_wait3A_56 = tpu.memref_slice %arg3[%mul3A_4, %dma_wait3A] : memref<20000x16xi32, #tpu.memory_space<hbm>> -> memref<625x16xi32, #tpu.memory_space<hbm>>
      %dma_wait3A_57 = arith.constant 0 : i32
      %dma_wait3A_58 = tpu.memref_slice %arg3[%mul3A_4, %dma_wait3A_57] : memref<20000x16xi32, #tpu.memory_space<hbm>> -> memref<625x16xi32, #tpu.memory_space<hbm>>
      tpu.wait_dma2 semaphore(%run_scoped3A : memref<!tpu.dma_semaphore, #tpu.memory_space<semaphore_mem>>) src(%dma_wait3A_58 : memref<625x16xi32, #tpu.memory_space<hbm>>) dst(%arg7 : memref<625x16xi32, #tpu.memory_space<vmem>>)
      tpu.yield
    }) : () -> ()
    "tpu.region"() ({
      %run_scoped3A = tpu.sem_alloc : memref<!tpu.dma_semaphore, #tpu.memory_space<semaphore_mem>>
      %dma_start3A_52 = arith.constant 0 : i32
      %dma_start3A_53 = tpu.memref_slice %arg4[%mul3A_4, %dma_start3A_52] : memref<20000x16xi32, #tpu.memory_space<hbm>> -> memref<625x16xi32, #tpu.memory_space<hbm>>
      %dma_start3A_54 = arith.constant 0 : i32
      %dma_start3A_55 = tpu.memref_slice %arg4[%mul3A_4, %dma_start3A_54] : memref<20000x16xi32, #tpu.memory_space<hbm>> -> memref<625x16xi32, #tpu.memory_space<hbm>>
      tpu.enqueue_dma source(%dma_start3A_55 : memref<625x16xi32, #tpu.memory_space<hbm>>) target(%arg8 : memref<625x16xi32, #tpu.memory_space<vmem>>) target_semaphore(%run_scoped3A : memref<!tpu.dma_semaphore, #tpu.memory_space<semaphore_mem>>)
      %dma_wait3A = arith.constant 0 : i32
      %dma_wait3A_56 = tpu.memref_slice %arg4[%mul3A_4, %dma_wait3A] : memref<20000x16xi32, #tpu.memory_space<hbm>> -> memref<625x16xi32, #tpu.memory_space<hbm>>
      %dma_wait3A_57 = arith.constant 0 : i32
      %dma_wait3A_58 = tpu.memref_slice %arg4[%mul3A_4, %dma_wait3A_57] : memref<20000x16xi32, #tpu.memory_space<hbm>> -> memref<625x16xi32, #tpu.memory_space<hbm>>
      tpu.wait_dma2 semaphore(%run_scoped3A : memref<!tpu.dma_semaphore, #tpu.memory_space<semaphore_mem>>) src(%dma_wait3A_58 : memref<625x16xi32, #tpu.memory_space<hbm>>) dst(%arg8 : memref<625x16xi32, #tpu.memory_space<vmem>>)
      tpu.yield
    }) : () -> ()
    %barrier3A = arith.constant 0 : index
    tpu.barrier barrier_id(%barrier3A)
    %dma_start3A = arith.constant 0 : i32
    %dma_start3A_5 = arith.constant 0 : i32
    %dma_start3A_6 = tpu.memref_slice %arg7[%dma_start3A, %dma_start3A_5] : memref<625x16xi32, #tpu.memory_space<vmem>> -> memref<1x16xi32, #tpu.memory_space<vmem>>
    %dma_start3A_7 = tpu.memref_squeeze %dma_start3A_6 : memref<1x16xi32, #tpu.memory_space<vmem>> -> memref<16xi32, #tpu.memory_space<vmem>>
    %dma_start3A_8 = arith.constant 0 : i32
    %dma_start3A_9 = arith.constant 0 : i32
    %dma_start3A_10 = tpu.memref_slice %arg2[%dma_start3A_8, %dma_start3A_9] : memref<10000x144xf32, #tpu.memory_space<hbm>> -> memref<10000x144xf32, #tpu.memory_space<hbm>>
    tpu.enqueue_indirect_dma source(%dma_start3A_10 : memref<10000x144xf32, #tpu.memory_space<hbm>>) target(%arg9 : memref<16x144xf32, #tpu.memory_space<vmem>>) offsets(%dma_start3A_7 : memref<16xi32, #tpu.memory_space<vmem>>) semaphore(%arg15 : memref<!tpu.dma_semaphore, #tpu.memory_space<semaphore_mem>>)
    %dma_start3A_11 = arith.constant 1 : i32
    %dma_start3A_12 = arith.constant 0 : i32
    %dma_start3A_13 = tpu.memref_slice %arg7[%dma_start3A_11, %dma_start3A_12] : memref<625x16xi32, #tpu.memory_space<vmem>> -> memref<1x16xi32, #tpu.memory_space<vmem>>
    %dma_start3A_14 = tpu.memref_squeeze %dma_start3A_13 : memref<1x16xi32, #tpu.memory_space<vmem>> -> memref<16xi32, #tpu.memory_space<vmem>>
    %dma_start3A_15 = arith.constant 0 : i32
    %dma_start3A_16 = arith.constant 0 : i32
    %dma_start3A_17 = tpu.memref_slice %arg2[%dma_start3A_15, %dma_start3A_16] : memref<10000x144xf32, #tpu.memory_space<hbm>> -> memref<10000x144xf32, #tpu.memory_space<hbm>>
    tpu.enqueue_indirect_dma source(%dma_start3A_17 : memref<10000x144xf32, #tpu.memory_space<hbm>>) target(%arg10 : memref<16x144xf32, #tpu.memory_space<vmem>>) offsets(%dma_start3A_14 : memref<16xi32, #tpu.memory_space<vmem>>) semaphore(%arg16 : memref<!tpu.dma_semaphore, #tpu.memory_space<semaphore_mem>>)
    %dma_start3A_18 = arith.constant 2 : i32
    %dma_start3A_19 = arith.constant 0 : i32
    %dma_start3A_20 = tpu.memref_slice %arg7[%dma_start3A_18, %dma_start3A_19] : memref<625x16xi32, #tpu.memory_space<vmem>> -> memref<1x16xi32, #tpu.memory_space<vmem>>
    %dma_start3A_21 = tpu.memref_squeeze %dma_start3A_20 : memref<1x16xi32, #tpu.memory_space<vmem>> -> memref<16xi32, #tpu.memory_space<vmem>>
    %dma_start3A_22 = arith.constant 0 : i32
    %dma_start3A_23 = arith.constant 0 : i32
    %dma_start3A_24 = tpu.memref_slice %arg2[%dma_start3A_22, %dma_start3A_23] : memref<10000x144xf32, #tpu.memory_space<hbm>> -> memref<10000x144xf32, #tpu.memory_space<hbm>>
    tpu.enqueue_indirect_dma source(%dma_start3A_24 : memref<10000x144xf32, #tpu.memory_space<hbm>>) target(%arg11 : memref<16x144xf32, #tpu.memory_space<vmem>>) offsets(%dma_start3A_21 : memref<16xi32, #tpu.memory_space<vmem>>) semaphore(%arg17 : memref<!tpu.dma_semaphore, #tpu.memory_space<semaphore_mem>>)
    %dma_start3A_25 = arith.constant 3 : i32
    %dma_start3A_26 = arith.constant 0 : i32
    %dma_start3A_27 = tpu.memref_slice %arg7[%dma_start3A_25, %dma_start3A_26] : memref<625x16xi32, #tpu.memory_space<vmem>> -> memref<1x16xi32, #tpu.memory_space<vmem>>
    %dma_start3A_28 = tpu.memref_squeeze %dma_start3A_27 : memref<1x16xi32, #tpu.memory_space<vmem>> -> memref<16xi32, #tpu.memory_space<vmem>>
    %dma_start3A_29 = arith.constant 0 : i32
    %dma_start3A_30 = arith.constant 0 : i32
    %dma_start3A_31 = tpu.memref_slice %arg2[%dma_start3A_29, %dma_start3A_30] : memref<10000x144xf32, #tpu.memory_space<hbm>> -> memref<10000x144xf32, #tpu.memory_space<hbm>>
    tpu.enqueue_indirect_dma source(%dma_start3A_31 : memref<10000x144xf32, #tpu.memory_space<hbm>>) target(%arg12 : memref<16x144xf32, #tpu.memory_space<vmem>>) offsets(%dma_start3A_28 : memref<16xi32, #tpu.memory_space<vmem>>) semaphore(%arg18 : memref<!tpu.dma_semaphore, #tpu.memory_space<semaphore_mem>>)
    %dma_start3A_32 = arith.constant 4 : i32
    %dma_start3A_33 = arith.constant 0 : i32
    %dma_start3A_34 = tpu.memref_slice %arg7[%dma_start3A_32, %dma_start3A_33] : memref<625x16xi32, #tpu.memory_space<vmem>> -> memref<1x16xi32, #tpu.memory_space<vmem>>
    %dma_start3A_35 = tpu.memref_squeeze %dma_start3A_34 : memref<1x16xi32, #tpu.memory_space<vmem>> -> memref<16xi32, #tpu.memory_space<vmem>>
    %dma_start3A_36 = arith.constant 0 : i32
    %dma_start3A_37 = arith.constant 0 : i32
    %dma_start3A_38 = tpu.memref_slice %arg2[%dma_start3A_36, %dma_start3A_37] : memref<10000x144xf32, #tpu.memory_space<hbm>> -> memref<10000x144xf32, #tpu.memory_space<hbm>>
    tpu.enqueue_indirect_dma source(%dma_start3A_38 : memref<10000x144xf32, #tpu.memory_space<hbm>>) target(%arg13 : memref<16x144xf32, #tpu.memory_space<vmem>>) offsets(%dma_start3A_35 : memref<16xi32, #tpu.memory_space<vmem>>) semaphore(%arg19 : memref<!tpu.dma_semaphore, #tpu.memory_space<semaphore_mem>>)
    %scan3A = arith.constant 0 : i32
    %scan3A_39 = arith.constant 0 : i32
    %scan3A_40 = arith.constant 125 : i32
    %scan3A_41 = arith.addi %scan3A_39, %scan3A_40 : i32
    %scan3A_42 = arith.constant 1 : i32
    scf.for %scan3A_52 = %scan3A_39 to %scan3A_41 step %scan3A_42  : i32 {
      %mul3A_53 = arith.constant 5 : i32
      %mul3A_54 = arith.muli %mul3A_53, %scan3A_52 : i32
      %add3A_55 = arith.constant 0 : i32
      %add3A_56 = arith.addi %mul3A_54, %add3A_55 : i32
      %dma_wait3A = arith.constant 0 : i32
      %dma_wait3A_57 = tpu.memref_slice %arg7[%add3A_56, %dma_wait3A] : memref<625x16xi32, #tpu.memory_space<vmem>> -> memref<1x16xi32, #tpu.memory_space<vmem>>
      %dma_wait3A_58 = tpu.memref_squeeze %dma_wait3A_57 : memref<1x16xi32, #tpu.memory_space<vmem>> -> memref<16xi32, #tpu.memory_space<vmem>>
      %dma_wait3A_59 = arith.constant 0 : i32
      %dma_wait3A_60 = arith.constant 0 : i32
      %dma_wait3A_61 = tpu.memref_slice %arg2[%dma_wait3A_59, %dma_wait3A_60] : memref<10000x144xf32, #tpu.memory_space<hbm>> -> memref<10000x144xf32, #tpu.memory_space<hbm>>
      tpu.wait_indirect_dma semaphore(%arg15 : memref<!tpu.dma_semaphore, #tpu.memory_space<semaphore_mem>>) src(%dma_wait3A_61 : memref<10000x144xf32, #tpu.memory_space<hbm>>) dst(%arg9 : memref<16x144xf32, #tpu.memory_space<vmem>>)
      "tpu.region"() ({
        %run_scoped3A = tpu.sem_alloc : memref<!tpu.dma_semaphore, #tpu.memory_space<semaphore_mem>>
        %dma_start3A_126 = arith.constant 0 : i32
        %dma_start3A_127 = tpu.memref_slice %arg8[%add3A_56, %dma_start3A_126] : memref<625x16xi32, #tpu.memory_space<vmem>> -> memref<1x16xi32, #tpu.memory_space<vmem>>
        %dma_start3A_128 = tpu.memref_squeeze %dma_start3A_127 : memref<1x16xi32, #tpu.memory_space<vmem>> -> memref<16xi32, #tpu.memory_space<vmem>>
        %dma_start3A_129 = arith.constant 0 : i32
        %dma_start3A_130 = arith.constant 0 : i32
        %dma_start3A_131 = tpu.memref_slice %arg14[%dma_start3A_129, %dma_start3A_130] : memref<10000x144xf32, #tpu.memory_space<vmem_shared>> -> memref<10000x144xf32, #tpu.memory_space<vmem_shared>>
        tpu.enqueue_indirect_dma source(%arg9 : memref<16x144xf32, #tpu.memory_space<vmem>>) target(%dma_start3A_131 : memref<10000x144xf32, #tpu.memory_space<vmem_shared>>) offsets(%dma_start3A_128 : memref<16xi32, #tpu.memory_space<vmem>>) semaphore(%run_scoped3A : memref<!tpu.dma_semaphore, #tpu.memory_space<semaphore_mem>>) {add = true}
        %dma_wait3A_132 = arith.constant 0 : i32
        %dma_wait3A_133 = tpu.memref_slice %arg8[%add3A_56, %dma_wait3A_132] : memref<625x16xi32, #tpu.memory_space<vmem>> -> memref<1x16xi32, #tpu.memory_space<vmem>>
        %dma_wait3A_134 = tpu.memref_squeeze %dma_wait3A_133 : memref<1x16xi32, #tpu.memory_space<vmem>> -> memref<16xi32, #tpu.memory_space<vmem>>
        %dma_wait3A_135 = arith.constant 0 : i32
        %dma_wait3A_136 = arith.constant 0 : i32
        %dma_wait3A_137 = tpu.memref_slice %arg14[%dma_wait3A_135, %dma_wait3A_136] : memref<10000x144xf32, #tpu.memory_space<vmem_shared>> -> memref<10000x144xf32, #tpu.memory_space<vmem_shared>>
        tpu.wait_indirect_dma semaphore(%run_scoped3A : memref<!tpu.dma_semaphore, #tpu.memory_space<semaphore_mem>>) src(%arg9 : memref<16x144xf32, #tpu.memory_space<vmem>>) dst(%dma_wait3A_137 : memref<10000x144xf32, #tpu.memory_space<vmem_shared>>)
        tpu.yield
      }) : () -> ()
      %add3A_62 = arith.constant 5 : i32
      %add3A_63 = arith.addi %add3A_56, %add3A_62 : i32
      %lt3A = arith.constant 625 : i32
      %lt3A_64 = arith.cmpi slt, %add3A_63, %lt3A : i32
      %convert_element_type3A = arith.extui %lt3A_64 : i1 to i32
      %cond3A = arith.constant 0 : i32
      %cond3A_65 = arith.cmpi ne, %convert_element_type3A, %cond3A : i32
      scf.if %cond3A_65 {
        %add3A_126 = arith.constant 5 : i32
        %add3A_127 = arith.addi %add3A_56, %add3A_126 : i32
        %dma_start3A_128 = arith.constant 0 : i32
        %dma_start3A_129 = tpu.memref_slice %arg7[%add3A_127, %dma_start3A_128] : memref<625x16xi32, #tpu.memory_space<vmem>> -> memref<1x16xi32, #tpu.memory_space<vmem>>
        %dma_start3A_130 = tpu.memref_squeeze %dma_start3A_129 : memref<1x16xi32, #tpu.memory_space<vmem>> -> memref<16xi32, #tpu.memory_space<vmem>>
        %dma_start3A_131 = arith.constant 0 : i32
        %dma_start3A_132 = arith.constant 0 : i32
        %dma_start3A_133 = tpu.memref_slice %arg2[%dma_start3A_131, %dma_start3A_132] : memref<10000x144xf32, #tpu.memory_space<hbm>> -> memref<10000x144xf32, #tpu.memory_space<hbm>>
        tpu.enqueue_indirect_dma source(%dma_start3A_133 : memref<10000x144xf32, #tpu.memory_space<hbm>>) target(%arg9 : memref<16x144xf32, #tpu.memory_space<vmem>>) offsets(%dma_start3A_130 : memref<16xi32, #tpu.memory_space<vmem>>) semaphore(%arg15 : memref<!tpu.dma_semaphore, #tpu.memory_space<semaphore_mem>>)
      } else {
      }
      %add3A_66 = arith.constant 1 : i32
      %add3A_67 = arith.addi %mul3A_54, %add3A_66 : i32
      %dma_wait3A_68 = arith.constant 0 : i32
      %dma_wait3A_69 = tpu.memref_slice %arg7[%add3A_67, %dma_wait3A_68] : memref<625x16xi32, #tpu.memory_space<vmem>> -> memref<1x16xi32, #tpu.memory_space<vmem>>
      %dma_wait3A_70 = tpu.memref_squeeze %dma_wait3A_69 : memref<1x16xi32, #tpu.memory_space<vmem>> -> memref<16xi32, #tpu.memory_space<vmem>>
      %dma_wait3A_71 = arith.constant 0 : i32
      %dma_wait3A_72 = arith.constant 0 : i32
      %dma_wait3A_73 = tpu.memref_slice %arg2[%dma_wait3A_71, %dma_wait3A_72] : memref<10000x144xf32, #tpu.memory_space<hbm>> -> memref<10000x144xf32, #tpu.memory_space<hbm>>
      tpu.wait_indirect_dma semaphore(%arg16 : memref<!tpu.dma_semaphore, #tpu.memory_space<semaphore_mem>>) src(%dma_wait3A_73 : memref<10000x144xf32, #tpu.memory_space<hbm>>) dst(%arg10 : memref<16x144xf32, #tpu.memory_space<vmem>>)
      "tpu.region"() ({
        %run_scoped3A = tpu.sem_alloc : memref<!tpu.dma_semaphore, #tpu.memory_space<semaphore_mem>>
        %dma_start3A_126 = arith.constant 0 : i32
        %dma_start3A_127 = tpu.memref_slice %arg8[%add3A_67, %dma_start3A_126] : memref<625x16xi32, #tpu.memory_space<vmem>> -> memref<1x16xi32, #tpu.memory_space<vmem>>
        %dma_start3A_128 = tpu.memref_squeeze %dma_start3A_127 : memref<1x16xi32, #tpu.memory_space<vmem>> -> memref<16xi32, #tpu.memory_space<vmem>>
        %dma_start3A_129 = arith.constant 0 : i32
        %dma_start3A_130 = arith.constant 0 : i32
        %dma_start3A_131 = tpu.memref_slice %arg14[%dma_start3A_129, %dma_start3A_130] : memref<10000x144xf32, #tpu.memory_space<vmem_shared>> -> memref<10000x144xf32, #tpu.memory_space<vmem_shared>>
        tpu.enqueue_indirect_dma source(%arg10 : memref<16x144xf32, #tpu.memory_space<vmem>>) target(%dma_start3A_131 : memref<10000x144xf32, #tpu.memory_space<vmem_shared>>) offsets(%dma_start3A_128 : memref<16xi32, #tpu.memory_space<vmem>>) semaphore(%run_scoped3A : memref<!tpu.dma_semaphore, #tpu.memory_space<semaphore_mem>>) {add = true}
        %dma_wait3A_132 = arith.constant 0 : i32
        %dma_wait3A_133 = tpu.memref_slice %arg8[%add3A_67, %dma_wait3A_132] : memref<625x16xi32, #tpu.memory_space<vmem>> -> memref<1x16xi32, #tpu.memory_space<vmem>>
        %dma_wait3A_134 = tpu.memref_squeeze %dma_wait3A_133 : memref<1x16xi32, #tpu.memory_space<vmem>> -> memref<16xi32, #tpu.memory_space<vmem>>
        %dma_wait3A_135 = arith.constant 0 : i32
        %dma_wait3A_136 = arith.constant 0 : i32
        %dma_wait3A_137 = tpu.memref_slice %arg14[%dma_wait3A_135, %dma_wait3A_136] : memref<10000x144xf32, #tpu.memory_space<vmem_shared>> -> memref<10000x144xf32, #tpu.memory_space<vmem_shared>>
        tpu.wait_indirect_dma semaphore(%run_scoped3A : memref<!tpu.dma_semaphore, #tpu.memory_space<semaphore_mem>>) src(%arg10 : memref<16x144xf32, #tpu.memory_space<vmem>>) dst(%dma_wait3A_137 : memref<10000x144xf32, #tpu.memory_space<vmem_shared>>)
        tpu.yield
      }) : () -> ()
      %add3A_74 = arith.constant 5 : i32
      %add3A_75 = arith.addi %add3A_67, %add3A_74 : i32
      %lt3A_76 = arith.constant 625 : i32
      %lt3A_77 = arith.cmpi slt, %add3A_75, %lt3A_76 : i32
      %convert_element_type3A_78 = arith.extui %lt3A_77 : i1 to i32
      %cond3A_79 = arith.constant 0 : i32
      %cond3A_80 = arith.cmpi ne, %convert_element_type3A_78, %cond3A_79 : i32
      scf.if %cond3A_80 {
        %add3A_126 = arith.constant 5 : i32
        %add3A_127 = arith.addi %add3A_67, %add3A_126 : i32
        %dma_start3A_128 = arith.constant 0 : i32
        %dma_start3A_129 = tpu.memref_slice %arg7[%add3A_127, %dma_start3A_128] : memref<625x16xi32, #tpu.memory_space<vmem>> -> memref<1x16xi32, #tpu.memory_space<vmem>>
        %dma_start3A_130 = tpu.memref_squeeze %dma_start3A_129 : memref<1x16xi32, #tpu.memory_space<vmem>> -> memref<16xi32, #tpu.memory_space<vmem>>
        %dma_start3A_131 = arith.constant 0 : i32
        %dma_start3A_132 = arith.constant 0 : i32
        %dma_start3A_133 = tpu.memref_slice %arg2[%dma_start3A_131, %dma_start3A_132] : memref<10000x144xf32, #tpu.memory_space<hbm>> -> memref<10000x144xf32, #tpu.memory_space<hbm>>
        tpu.enqueue_indirect_dma source(%dma_start3A_133 : memref<10000x144xf32, #tpu.memory_space<hbm>>) target(%arg10 : memref<16x144xf32, #tpu.memory_space<vmem>>) offsets(%dma_start3A_130 : memref<16xi32, #tpu.memory_space<vmem>>) semaphore(%arg16 : memref<!tpu.dma_semaphore, #tpu.memory_space<semaphore_mem>>)
      } else {
      }
      %add3A_81 = arith.constant 2 : i32
      %add3A_82 = arith.addi %mul3A_54, %add3A_81 : i32
      %dma_wait3A_83 = arith.constant 0 : i32
      %dma_wait3A_84 = tpu.memref_slice %arg7[%add3A_82, %dma_wait3A_83] : memref<625x16xi32, #tpu.memory_space<vmem>> -> memref<1x16xi32, #tpu.memory_space<vmem>>
      %dma_wait3A_85 = tpu.memref_squeeze %dma_wait3A_84 : memref<1x16xi32, #tpu.memory_space<vmem>> -> memref<16xi32, #tpu.memory_space<vmem>>
      %dma_wait3A_86 = arith.constant 0 : i32
      %dma_wait3A_87 = arith.constant 0 : i32
      %dma_wait3A_88 = tpu.memref_slice %arg2[%dma_wait3A_86, %dma_wait3A_87] : memref<10000x144xf32, #tpu.memory_space<hbm>> -> memref<10000x144xf32, #tpu.memory_space<hbm>>
      tpu.wait_indirect_dma semaphore(%arg17 : memref<!tpu.dma_semaphore, #tpu.memory_space<semaphore_mem>>) src(%dma_wait3A_88 : memref<10000x144xf32, #tpu.memory_space<hbm>>) dst(%arg11 : memref<16x144xf32, #tpu.memory_space<vmem>>)
      "tpu.region"() ({
        %run_scoped3A = tpu.sem_alloc : memref<!tpu.dma_semaphore, #tpu.memory_space<semaphore_mem>>
        %dma_start3A_126 = arith.constant 0 : i32
        %dma_start3A_127 = tpu.memref_slice %arg8[%add3A_82, %dma_start3A_126] : memref<625x16xi32, #tpu.memory_space<vmem>> -> memref<1x16xi32, #tpu.memory_space<vmem>>
        %dma_start3A_128 = tpu.memref_squeeze %dma_start3A_127 : memref<1x16xi32, #tpu.memory_space<vmem>> -> memref<16xi32, #tpu.memory_space<vmem>>
        %dma_start3A_129 = arith.constant 0 : i32
        %dma_start3A_130 = arith.constant 0 : i32
        %dma_start3A_131 = tpu.memref_slice %arg14[%dma_start3A_129, %dma_start3A_130] : memref<10000x144xf32, #tpu.memory_space<vmem_shared>> -> memref<10000x144xf32, #tpu.memory_space<vmem_shared>>
        tpu.enqueue_indirect_dma source(%arg11 : memref<16x144xf32, #tpu.memory_space<vmem>>) target(%dma_start3A_131 : memref<10000x144xf32, #tpu.memory_space<vmem_shared>>) offsets(%dma_start3A_128 : memref<16xi32, #tpu.memory_space<vmem>>) semaphore(%run_scoped3A : memref<!tpu.dma_semaphore, #tpu.memory_space<semaphore_mem>>) {add = true}
        %dma_wait3A_132 = arith.constant 0 : i32
        %dma_wait3A_133 = tpu.memref_slice %arg8[%add3A_82, %dma_wait3A_132] : memref<625x16xi32, #tpu.memory_space<vmem>> -> memref<1x16xi32, #tpu.memory_space<vmem>>
        %dma_wait3A_134 = tpu.memref_squeeze %dma_wait3A_133 : memref<1x16xi32, #tpu.memory_space<vmem>> -> memref<16xi32, #tpu.memory_space<vmem>>
        %dma_wait3A_135 = arith.constant 0 : i32
        %dma_wait3A_136 = arith.constant 0 : i32
        %dma_wait3A_137 = tpu.memref_slice %arg14[%dma_wait3A_135, %dma_wait3A_136] : memref<10000x144xf32, #tpu.memory_space<vmem_shared>> -> memref<10000x144xf32, #tpu.memory_space<vmem_shared>>
        tpu.wait_indirect_dma semaphore(%run_scoped3A : memref<!tpu.dma_semaphore, #tpu.memory_space<semaphore_mem>>) src(%arg11 : memref<16x144xf32, #tpu.memory_space<vmem>>) dst(%dma_wait3A_137 : memref<10000x144xf32, #tpu.memory_space<vmem_shared>>)
        tpu.yield
      }) : () -> ()
      %add3A_89 = arith.constant 5 : i32
      %add3A_90 = arith.addi %add3A_82, %add3A_89 : i32
      %lt3A_91 = arith.constant 625 : i32
      %lt3A_92 = arith.cmpi slt, %add3A_90, %lt3A_91 : i32
      %convert_element_type3A_93 = arith.extui %lt3A_92 : i1 to i32
      %cond3A_94 = arith.constant 0 : i32
      %cond3A_95 = arith.cmpi ne, %convert_element_type3A_93, %cond3A_94 : i32
      scf.if %cond3A_95 {
        %add3A_126 = arith.constant 5 : i32
        %add3A_127 = arith.addi %add3A_82, %add3A_126 : i32
        %dma_start3A_128 = arith.constant 0 : i32
        %dma_start3A_129 = tpu.memref_slice %arg7[%add3A_127, %dma_start3A_128] : memref<625x16xi32, #tpu.memory_space<vmem>> -> memref<1x16xi32, #tpu.memory_space<vmem>>
        %dma_start3A_130 = tpu.memref_squeeze %dma_start3A_129 : memref<1x16xi32, #tpu.memory_space<vmem>> -> memref<16xi32, #tpu.memory_space<vmem>>
        %dma_start3A_131 = arith.constant 0 : i32
        %dma_start3A_132 = arith.constant 0 : i32
        %dma_start3A_133 = tpu.memref_slice %arg2[%dma_start3A_131, %dma_start3A_132] : memref<10000x144xf32, #tpu.memory_space<hbm>> -> memref<10000x144xf32, #tpu.memory_space<hbm>>
        tpu.enqueue_indirect_dma source(%dma_start3A_133 : memref<10000x144xf32, #tpu.memory_space<hbm>>) target(%arg11 : memref<16x144xf32, #tpu.memory_space<vmem>>) offsets(%dma_start3A_130 : memref<16xi32, #tpu.memory_space<vmem>>) semaphore(%arg17 : memref<!tpu.dma_semaphore, #tpu.memory_space<semaphore_mem>>)
      } else {
      }
      %add3A_96 = arith.constant 3 : i32
      %add3A_97 = arith.addi %mul3A_54, %add3A_96 : i32
      %dma_wait3A_98 = arith.constant 0 : i32
      %dma_wait3A_99 = tpu.memref_slice %arg7[%add3A_97, %dma_wait3A_98] : memref<625x16xi32, #tpu.memory_space<vmem>> -> memref<1x16xi32, #tpu.memory_space<vmem>>
      %dma_wait3A_100 = tpu.memref_squeeze %dma_wait3A_99 : memref<1x16xi32, #tpu.memory_space<vmem>> -> memref<16xi32, #tpu.memory_space<vmem>>
      %dma_wait3A_101 = arith.constant 0 : i32
      %dma_wait3A_102 = arith.constant 0 : i32
      %dma_wait3A_103 = tpu.memref_slice %arg2[%dma_wait3A_101, %dma_wait3A_102] : memref<10000x144xf32, #tpu.memory_space<hbm>> -> memref<10000x144xf32, #tpu.memory_space<hbm>>
      tpu.wait_indirect_dma semaphore(%arg18 : memref<!tpu.dma_semaphore, #tpu.memory_space<semaphore_mem>>) src(%dma_wait3A_103 : memref<10000x144xf32, #tpu.memory_space<hbm>>) dst(%arg12 : memref<16x144xf32, #tpu.memory_space<vmem>>)
      "tpu.region"() ({
        %run_scoped3A = tpu.sem_alloc : memref<!tpu.dma_semaphore, #tpu.memory_space<semaphore_mem>>
        %dma_start3A_126 = arith.constant 0 : i32
        %dma_start3A_127 = tpu.memref_slice %arg8[%add3A_97, %dma_start3A_126] : memref<625x16xi32, #tpu.memory_space<vmem>> -> memref<1x16xi32, #tpu.memory_space<vmem>>
        %dma_start3A_128 = tpu.memref_squeeze %dma_start3A_127 : memref<1x16xi32, #tpu.memory_space<vmem>> -> memref<16xi32, #tpu.memory_space<vmem>>
        %dma_start3A_129 = arith.constant 0 : i32
        %dma_start3A_130 = arith.constant 0 : i32
        %dma_start3A_131 = tpu.memref_slice %arg14[%dma_start3A_129, %dma_start3A_130] : memref<10000x144xf32, #tpu.memory_space<vmem_shared>> -> memref<10000x144xf32, #tpu.memory_space<vmem_shared>>
        tpu.enqueue_indirect_dma source(%arg12 : memref<16x144xf32, #tpu.memory_space<vmem>>) target(%dma_start3A_131 : memref<10000x144xf32, #tpu.memory_space<vmem_shared>>) offsets(%dma_start3A_128 : memref<16xi32, #tpu.memory_space<vmem>>) semaphore(%run_scoped3A : memref<!tpu.dma_semaphore, #tpu.memory_space<semaphore_mem>>) {add = true}
        %dma_wait3A_132 = arith.constant 0 : i32
        %dma_wait3A_133 = tpu.memref_slice %arg8[%add3A_97, %dma_wait3A_132] : memref<625x16xi32, #tpu.memory_space<vmem>> -> memref<1x16xi32, #tpu.memory_space<vmem>>
        %dma_wait3A_134 = tpu.memref_squeeze %dma_wait3A_133 : memref<1x16xi32, #tpu.memory_space<vmem>> -> memref<16xi32, #tpu.memory_space<vmem>>
        %dma_wait3A_135 = arith.constant 0 : i32
        %dma_wait3A_136 = arith.constant 0 : i32
        %dma_wait3A_137 = tpu.memref_slice %arg14[%dma_wait3A_135, %dma_wait3A_136] : memref<10000x144xf32, #tpu.memory_space<vmem_shared>> -> memref<10000x144xf32, #tpu.memory_space<vmem_shared>>
        tpu.wait_indirect_dma semaphore(%run_scoped3A : memref<!tpu.dma_semaphore, #tpu.memory_space<semaphore_mem>>) src(%arg12 : memref<16x144xf32, #tpu.memory_space<vmem>>) dst(%dma_wait3A_137 : memref<10000x144xf32, #tpu.memory_space<vmem_shared>>)
        tpu.yield
      }) : () -> ()
      %add3A_104 = arith.constant 5 : i32
      %add3A_105 = arith.addi %add3A_97, %add3A_104 : i32
      %lt3A_106 = arith.constant 625 : i32
      %lt3A_107 = arith.cmpi slt, %add3A_105, %lt3A_106 : i32
      %convert_element_type3A_108 = arith.extui %lt3A_107 : i1 to i32
      %cond3A_109 = arith.constant 0 : i32
      %cond3A_110 = arith.cmpi ne, %convert_element_type3A_108, %cond3A_109 : i32
      scf.if %cond3A_110 {
        %add3A_126 = arith.constant 5 : i32
        %add3A_127 = arith.addi %add3A_97, %add3A_126 : i32
        %dma_start3A_128 = arith.constant 0 : i32
        %dma_start3A_129 = tpu.memref_slice %arg7[%add3A_127, %dma_start3A_128] : memref<625x16xi32, #tpu.memory_space<vmem>> -> memref<1x16xi32, #tpu.memory_space<vmem>>
        %dma_start3A_130 = tpu.memref_squeeze %dma_start3A_129 : memref<1x16xi32, #tpu.memory_space<vmem>> -> memref<16xi32, #tpu.memory_space<vmem>>
        %dma_start3A_131 = arith.constant 0 : i32
        %dma_start3A_132 = arith.constant 0 : i32
        %dma_start3A_133 = tpu.memref_slice %arg2[%dma_start3A_131, %dma_start3A_132] : memref<10000x144xf32, #tpu.memory_space<hbm>> -> memref<10000x144xf32, #tpu.memory_space<hbm>>
        tpu.enqueue_indirect_dma source(%dma_start3A_133 : memref<10000x144xf32, #tpu.memory_space<hbm>>) target(%arg12 : memref<16x144xf32, #tpu.memory_space<vmem>>) offsets(%dma_start3A_130 : memref<16xi32, #tpu.memory_space<vmem>>) semaphore(%arg18 : memref<!tpu.dma_semaphore, #tpu.memory_space<semaphore_mem>>)
      } else {
      }
      %add3A_111 = arith.constant 4 : i32
      %add3A_112 = arith.addi %mul3A_54, %add3A_111 : i32
      %dma_wait3A_113 = arith.constant 0 : i32
      %dma_wait3A_114 = tpu.memref_slice %arg7[%add3A_112, %dma_wait3A_113] : memref<625x16xi32, #tpu.memory_space<vmem>> -> memref<1x16xi32, #tpu.memory_space<vmem>>
      %dma_wait3A_115 = tpu.memref_squeeze %dma_wait3A_114 : memref<1x16xi32, #tpu.memory_space<vmem>> -> memref<16xi32, #tpu.memory_space<vmem>>
      %dma_wait3A_116 = arith.constant 0 : i32
      %dma_wait3A_117 = arith.constant 0 : i32
      %dma_wait3A_118 = tpu.memref_slice %arg2[%dma_wait3A_116, %dma_wait3A_117] : memref<10000x144xf32, #tpu.memory_space<hbm>> -> memref<10000x144xf32, #tpu.memory_space<hbm>>
      tpu.wait_indirect_dma semaphore(%arg19 : memref<!tpu.dma_semaphore, #tpu.memory_space<semaphore_mem>>) src(%dma_wait3A_118 : memref<10000x144xf32, #tpu.memory_space<hbm>>) dst(%arg13 : memref<16x144xf32, #tpu.memory_space<vmem>>)
      "tpu.region"() ({
        %run_scoped3A = tpu.sem_alloc : memref<!tpu.dma_semaphore, #tpu.memory_space<semaphore_mem>>
        %dma_start3A_126 = arith.constant 0 : i32
        %dma_start3A_127 = tpu.memref_slice %arg8[%add3A_112, %dma_start3A_126] : memref<625x16xi32, #tpu.memory_space<vmem>> -> memref<1x16xi32, #tpu.memory_space<vmem>>
        %dma_start3A_128 = tpu.memref_squeeze %dma_start3A_127 : memref<1x16xi32, #tpu.memory_space<vmem>> -> memref<16xi32, #tpu.memory_space<vmem>>
        %dma_start3A_129 = arith.constant 0 : i32
        %dma_start3A_130 = arith.constant 0 : i32
        %dma_start3A_131 = tpu.memref_slice %arg14[%dma_start3A_129, %dma_start3A_130] : memref<10000x144xf32, #tpu.memory_space<vmem_shared>> -> memref<10000x144xf32, #tpu.memory_space<vmem_shared>>
        tpu.enqueue_indirect_dma source(%arg13 : memref<16x144xf32, #tpu.memory_space<vmem>>) target(%dma_start3A_131 : memref<10000x144xf32, #tpu.memory_space<vmem_shared>>) offsets(%dma_start3A_128 : memref<16xi32, #tpu.memory_space<vmem>>) semaphore(%run_scoped3A : memref<!tpu.dma_semaphore, #tpu.memory_space<semaphore_mem>>) {add = true}
        %dma_wait3A_132 = arith.constant 0 : i32
        %dma_wait3A_133 = tpu.memref_slice %arg8[%add3A_112, %dma_wait3A_132] : memref<625x16xi32, #tpu.memory_space<vmem>> -> memref<1x16xi32, #tpu.memory_space<vmem>>
        %dma_wait3A_134 = tpu.memref_squeeze %dma_wait3A_133 : memref<1x16xi32, #tpu.memory_space<vmem>> -> memref<16xi32, #tpu.memory_space<vmem>>
        %dma_wait3A_135 = arith.constant 0 : i32
        %dma_wait3A_136 = arith.constant 0 : i32
        %dma_wait3A_137 = tpu.memref_slice %arg14[%dma_wait3A_135, %dma_wait3A_136] : memref<10000x144xf32, #tpu.memory_space<vmem_shared>> -> memref<10000x144xf32, #tpu.memory_space<vmem_shared>>
        tpu.wait_indirect_dma semaphore(%run_scoped3A : memref<!tpu.dma_semaphore, #tpu.memory_space<semaphore_mem>>) src(%arg13 : memref<16x144xf32, #tpu.memory_space<vmem>>) dst(%dma_wait3A_137 : memref<10000x144xf32, #tpu.memory_space<vmem_shared>>)
        tpu.yield
      }) : () -> ()
      %add3A_119 = arith.constant 5 : i32
      %add3A_120 = arith.addi %add3A_112, %add3A_119 : i32
      %lt3A_121 = arith.constant 625 : i32
      %lt3A_122 = arith.cmpi slt, %add3A_120, %lt3A_121 : i32
      %convert_element_type3A_123 = arith.extui %lt3A_122 : i1 to i32
      %cond3A_124 = arith.constant 0 : i32
      %cond3A_125 = arith.cmpi ne, %convert_element_type3A_123, %cond3A_124 : i32
      scf.if %cond3A_125 {
        %add3A_126 = arith.constant 5 : i32
        %add3A_127 = arith.addi %add3A_112, %add3A_126 : i32
        %dma_start3A_128 = arith.constant 0 : i32
        %dma_start3A_129 = tpu.memref_slice %arg7[%add3A_127, %dma_start3A_128] : memref<625x16xi32, #tpu.memory_space<vmem>> -> memref<1x16xi32, #tpu.memory_space<vmem>>
        %dma_start3A_130 = tpu.memref_squeeze %dma_start3A_129 : memref<1x16xi32, #tpu.memory_space<vmem>> -> memref<16xi32, #tpu.memory_space<vmem>>
        %dma_start3A_131 = arith.constant 0 : i32
        %dma_start3A_132 = arith.constant 0 : i32
        %dma_start3A_133 = tpu.memref_slice %arg2[%dma_start3A_131, %dma_start3A_132] : memref<10000x144xf32, #tpu.memory_space<hbm>> -> memref<10000x144xf32, #tpu.memory_space<hbm>>
        tpu.enqueue_indirect_dma source(%dma_start3A_133 : memref<10000x144xf32, #tpu.memory_space<hbm>>) target(%arg13 : memref<16x144xf32, #tpu.memory_space<vmem>>) offsets(%dma_start3A_130 : memref<16xi32, #tpu.memory_space<vmem>>) semaphore(%arg19 : memref<!tpu.dma_semaphore, #tpu.memory_space<semaphore_mem>>)
      } else {
      }
    }
    %scan3A_43 = arith.constant 125 : i32
    %barrier3A_44 = arith.constant 0 : index
    tpu.barrier barrier_id(%barrier3A_44)
    %mul3A_45 = arith.constant 625 : i32
    %mul3A_46 = arith.muli %arg1, %mul3A_45 : i32
    %mul3A_47 = arith.constant 10000 : i32
    %mul3A_48 = arith.muli %arg0, %mul3A_47 : i32
    %mul3A_49 = arith.constant 625 : i32
    %mul3A_50 = arith.muli %arg1, %mul3A_49 : i32
    %add3A_51 = arith.addi %mul3A_48, %mul3A_50 : i32
    "tpu.region"() ({
      %run_scoped3A = tpu.sem_alloc : memref<!tpu.dma_semaphore, #tpu.memory_space<semaphore_mem>>
      %dma_start3A_52 = arith.constant 0 : i32
      %dma_start3A_53 = tpu.memref_slice %arg6[%add3A_51, %dma_start3A_52] : memref<20000x144xf32, #tpu.memory_space<hbm>> -> memref<625x144xf32, #tpu.memory_space<hbm>>
      %dma_start3A_54 = arith.constant 0 : i32
      %dma_start3A_55 = tpu.memref_slice %arg14[%mul3A_46, %dma_start3A_54] : memref<10000x144xf32, #tpu.memory_space<vmem_shared>> -> memref<625x144xf32, #tpu.memory_space<vmem_shared>>
      tpu.enqueue_dma source(%dma_start3A_55 : memref<625x144xf32, #tpu.memory_space<vmem_shared>>) target(%dma_start3A_53 : memref<625x144xf32, #tpu.memory_space<hbm>>) target_semaphore(%run_scoped3A : memref<!tpu.dma_semaphore, #tpu.memory_space<semaphore_mem>>)
      %dma_wait3A = arith.constant 0 : i32
      %dma_wait3A_56 = tpu.memref_slice %arg6[%add3A_51, %dma_wait3A] : memref<20000x144xf32, #tpu.memory_space<hbm>> -> memref<625x144xf32, #tpu.memory_space<hbm>>
      %dma_wait3A_57 = arith.constant 0 : i32
      %dma_wait3A_58 = tpu.memref_slice %arg14[%mul3A_46, %dma_wait3A_57] : memref<10000x144xf32, #tpu.memory_space<vmem_shared>> -> memref<625x144xf32, #tpu.memory_space<vmem_shared>>
      tpu.wait_dma2 semaphore(%run_scoped3A : memref<!tpu.dma_semaphore, #tpu.memory_space<semaphore_mem>>) src(%dma_wait3A_58 : memref<625x144xf32, #tpu.memory_space<vmem_shared>>) dst(%dma_wait3A_56 : memref<625x144xf32, #tpu.memory_space<hbm>>)
      tpu.yield
    }) : () -> ()
    return
  }
}

#map = affine_map<(d0, d1) -> (0, 0)>
module attributes {stable_mosaic.version = 14 : i64} {
  func.func @k(%arg0: i32, %arg1: i32, %arg2: memref<10000x80xf32, #tpu.memory_space<hbm>>, %arg3: memref<20000x16xi32, #tpu.memory_space<hbm>>, %arg4: memref<20000x16xi32, #tpu.memory_space<hbm>>, %arg5: memref<625x80xf32, #tpu.memory_space<hbm>>, %arg6: memref<20000x80xf32, #tpu.memory_space<hbm>>, %arg7: memref<625x16xi32, #tpu.memory_space<vmem>>, %arg8: memref<625x16xi32, #tpu.memory_space<vmem>>, %arg9: memref<16x80xf32, #tpu.memory_space<vmem>>, %arg10: memref<16x80xf32, #tpu.memory_space<vmem>>, %arg11: memref<16x80xf32, #tpu.memory_space<vmem>>, %arg12: memref<16x80xf32, #tpu.memory_space<vmem>>, %arg13: memref<16x80xf32, #tpu.memory_space<vmem>>, %arg14: memref<10000x80xf32, #tpu.memory_space<vmem_shared>>, %arg15: memref<!tpu.dma_semaphore, #tpu.memory_space<semaphore_mem>>, %arg16: memref<!tpu.dma_semaphore, #tpu.memory_space<semaphore_mem>>, %arg17: memref<!tpu.dma_semaphore, #tpu.memory_space<semaphore_mem>>, %arg18: memref<!tpu.dma_semaphore, #tpu.memory_space<semaphore_mem>>, %arg19: memref<!tpu.dma_semaphore, #tpu.memory_space<semaphore_mem>>) attributes {dimension_semantics = [#tpu.dimension_semantics<core_parallel>, #tpu.dimension_semantics<subcore_parallel>], iteration_bounds = array<i64: 2, 16>, scalar_prefetch = 0 : i64, scratch_operands = 13 : i64, tpu.core_type = #tpu.core_type<sc_vector_subcore>, window_params = [{transform_indices = #map}, {transform_indices = #map}, {transform_indices = #map}, {transform_indices = #map}, {transform_indices = #map}]} {
    %mul3A = arith.constant 625 : i32
    %mul3A_0 = arith.muli %arg1, %mul3A : i32
    "tpu.region"() ({
      %run_scoped3A = tpu.sem_alloc : memref<!tpu.dma_semaphore, #tpu.memory_space<semaphore_mem>>
      %dma_start3A_52 = arith.constant 0 : i32
      %dma_start3A_53 = tpu.memref_slice %arg14[%mul3A_0, %dma_start3A_52] : memref<10000x80xf32, #tpu.memory_space<vmem_shared>> -> memref<625x80xf32, #tpu.memory_space<vmem_shared>>
      tpu.enqueue_dma source(%arg5 : memref<625x80xf32, #tpu.memory_space<hbm>>) target(%dma_start3A_53 : memref<625x80xf32, #tpu.memory_space<vmem_shared>>) target_semaphore(%run_scoped3A : memref<!tpu.dma_semaphore, #tpu.memory_space<semaphore_mem>>)
      %dma_wait3A = arith.constant 0 : i32
      %dma_wait3A_54 = tpu.memref_slice %arg14[%mul3A_0, %dma_wait3A] : memref<10000x80xf32, #tpu.memory_space<vmem_shared>> -> memref<625x80xf32, #tpu.memory_space<vmem_shared>>
      tpu.wait_dma2 semaphore(%run_scoped3A : memref<!tpu.dma_semaphore, #tpu.memory_space<semaphore_mem>>) src(%arg5 : memref<625x80xf32, #tpu.memory_space<hbm>>) dst(%dma_wait3A_54 : memref<625x80xf32, #tpu.memory_space<vmem_shared>>)
      tpu.yield
    }) : () -> ()
    %mul3A_1 = arith.constant 16 : i32
    %mul3A_2 = arith.muli %arg0, %mul3A_1 : i32
    %add3A = arith.addi %mul3A_2, %arg1 : i32
    %mul3A_3 = arith.constant 625 : i32
    %mul3A_4 = arith.muli %add3A, %mul3A_3 : i32
    "tpu.region"() ({
      %run_scoped3A = tpu.sem_alloc : memref<!tpu.dma_semaphore, #tpu.memory_space<semaphore_mem>>
      %dma_start3A_52 = arith.constant 0 : i32
      %dma_start3A_53 = tpu.memref_slice %arg3[%mul3A_4, %dma_start3A_52] : memref<20000x16xi32, #tpu.memory_space<hbm>> -> memref<625x16xi32, #tpu.memory_space<hbm>>
      %dma_start3A_54 = arith.constant 0 : i32
      %dma_start3A_55 = tpu.memref_slice %arg3[%mul3A_4, %dma_start3A_54] : memref<20000x16xi32, #tpu.memory_space<hbm>> -> memref<625x16xi32, #tpu.memory_space<hbm>>
      tpu.enqueue_dma source(%dma_start3A_55 : memref<625x16xi32, #tpu.memory_space<hbm>>) target(%arg7 : memref<625x16xi32, #tpu.memory_space<vmem>>) target_semaphore(%run_scoped3A : memref<!tpu.dma_semaphore, #tpu.memory_space<semaphore_mem>>)
      %dma_wait3A = arith.constant 0 : i32
      %dma_wait3A_56 = tpu.memref_slice %arg3[%mul3A_4, %dma_wait3A] : memref<20000x16xi32, #tpu.memory_space<hbm>> -> memref<625x16xi32, #tpu.memory_space<hbm>>
      %dma_wait3A_57 = arith.constant 0 : i32
      %dma_wait3A_58 = tpu.memref_slice %arg3[%mul3A_4, %dma_wait3A_57] : memref<20000x16xi32, #tpu.memory_space<hbm>> -> memref<625x16xi32, #tpu.memory_space<hbm>>
      tpu.wait_dma2 semaphore(%run_scoped3A : memref<!tpu.dma_semaphore, #tpu.memory_space<semaphore_mem>>) src(%dma_wait3A_58 : memref<625x16xi32, #tpu.memory_space<hbm>>) dst(%arg7 : memref<625x16xi32, #tpu.memory_space<vmem>>)
      tpu.yield
    }) : () -> ()
    "tpu.region"() ({
      %run_scoped3A = tpu.sem_alloc : memref<!tpu.dma_semaphore, #tpu.memory_space<semaphore_mem>>
      %dma_start3A_52 = arith.constant 0 : i32
      %dma_start3A_53 = tpu.memref_slice %arg4[%mul3A_4, %dma_start3A_52] : memref<20000x16xi32, #tpu.memory_space<hbm>> -> memref<625x16xi32, #tpu.memory_space<hbm>>
      %dma_start3A_54 = arith.constant 0 : i32
      %dma_start3A_55 = tpu.memref_slice %arg4[%mul3A_4, %dma_start3A_54] : memref<20000x16xi32, #tpu.memory_space<hbm>> -> memref<625x16xi32, #tpu.memory_space<hbm>>
      tpu.enqueue_dma source(%dma_start3A_55 : memref<625x16xi32, #tpu.memory_space<hbm>>) target(%arg8 : memref<625x16xi32, #tpu.memory_space<vmem>>) target_semaphore(%run_scoped3A : memref<!tpu.dma_semaphore, #tpu.memory_space<semaphore_mem>>)
      %dma_wait3A = arith.constant 0 : i32
      %dma_wait3A_56 = tpu.memref_slice %arg4[%mul3A_4, %dma_wait3A] : memref<20000x16xi32, #tpu.memory_space<hbm>> -> memref<625x16xi32, #tpu.memory_space<hbm>>
      %dma_wait3A_57 = arith.constant 0 : i32
      %dma_wait3A_58 = tpu.memref_slice %arg4[%mul3A_4, %dma_wait3A_57] : memref<20000x16xi32, #tpu.memory_space<hbm>> -> memref<625x16xi32, #tpu.memory_space<hbm>>
      tpu.wait_dma2 semaphore(%run_scoped3A : memref<!tpu.dma_semaphore, #tpu.memory_space<semaphore_mem>>) src(%dma_wait3A_58 : memref<625x16xi32, #tpu.memory_space<hbm>>) dst(%arg8 : memref<625x16xi32, #tpu.memory_space<vmem>>)
      tpu.yield
    }) : () -> ()
    %barrier3A = arith.constant 0 : index
    tpu.barrier barrier_id(%barrier3A)
    %dma_start3A = arith.constant 0 : i32
    %dma_start3A_5 = arith.constant 0 : i32
    %dma_start3A_6 = tpu.memref_slice %arg7[%dma_start3A, %dma_start3A_5] : memref<625x16xi32, #tpu.memory_space<vmem>> -> memref<1x16xi32, #tpu.memory_space<vmem>>
    %dma_start3A_7 = tpu.memref_squeeze %dma_start3A_6 : memref<1x16xi32, #tpu.memory_space<vmem>> -> memref<16xi32, #tpu.memory_space<vmem>>
    %dma_start3A_8 = arith.constant 0 : i32
    %dma_start3A_9 = arith.constant 0 : i32
    %dma_start3A_10 = tpu.memref_slice %arg2[%dma_start3A_8, %dma_start3A_9] : memref<10000x80xf32, #tpu.memory_space<hbm>> -> memref<10000x80xf32, #tpu.memory_space<hbm>>
    tpu.enqueue_indirect_dma source(%dma_start3A_10 : memref<10000x80xf32, #tpu.memory_space<hbm>>) target(%arg9 : memref<16x80xf32, #tpu.memory_space<vmem>>) offsets(%dma_start3A_7 : memref<16xi32, #tpu.memory_space<vmem>>) semaphore(%arg15 : memref<!tpu.dma_semaphore, #tpu.memory_space<semaphore_mem>>)
    %dma_start3A_11 = arith.constant 1 : i32
    %dma_start3A_12 = arith.constant 0 : i32
    %dma_start3A_13 = tpu.memref_slice %arg7[%dma_start3A_11, %dma_start3A_12] : memref<625x16xi32, #tpu.memory_space<vmem>> -> memref<1x16xi32, #tpu.memory_space<vmem>>
    %dma_start3A_14 = tpu.memref_squeeze %dma_start3A_13 : memref<1x16xi32, #tpu.memory_space<vmem>> -> memref<16xi32, #tpu.memory_space<vmem>>
    %dma_start3A_15 = arith.constant 0 : i32
    %dma_start3A_16 = arith.constant 0 : i32
    %dma_start3A_17 = tpu.memref_slice %arg2[%dma_start3A_15, %dma_start3A_16] : memref<10000x80xf32, #tpu.memory_space<hbm>> -> memref<10000x80xf32, #tpu.memory_space<hbm>>
    tpu.enqueue_indirect_dma source(%dma_start3A_17 : memref<10000x80xf32, #tpu.memory_space<hbm>>) target(%arg10 : memref<16x80xf32, #tpu.memory_space<vmem>>) offsets(%dma_start3A_14 : memref<16xi32, #tpu.memory_space<vmem>>) semaphore(%arg16 : memref<!tpu.dma_semaphore, #tpu.memory_space<semaphore_mem>>)
    %dma_start3A_18 = arith.constant 2 : i32
    %dma_start3A_19 = arith.constant 0 : i32
    %dma_start3A_20 = tpu.memref_slice %arg7[%dma_start3A_18, %dma_start3A_19] : memref<625x16xi32, #tpu.memory_space<vmem>> -> memref<1x16xi32, #tpu.memory_space<vmem>>
    %dma_start3A_21 = tpu.memref_squeeze %dma_start3A_20 : memref<1x16xi32, #tpu.memory_space<vmem>> -> memref<16xi32, #tpu.memory_space<vmem>>
    %dma_start3A_22 = arith.constant 0 : i32
    %dma_start3A_23 = arith.constant 0 : i32
    %dma_start3A_24 = tpu.memref_slice %arg2[%dma_start3A_22, %dma_start3A_23] : memref<10000x80xf32, #tpu.memory_space<hbm>> -> memref<10000x80xf32, #tpu.memory_space<hbm>>
    tpu.enqueue_indirect_dma source(%dma_start3A_24 : memref<10000x80xf32, #tpu.memory_space<hbm>>) target(%arg11 : memref<16x80xf32, #tpu.memory_space<vmem>>) offsets(%dma_start3A_21 : memref<16xi32, #tpu.memory_space<vmem>>) semaphore(%arg17 : memref<!tpu.dma_semaphore, #tpu.memory_space<semaphore_mem>>)
    %dma_start3A_25 = arith.constant 3 : i32
    %dma_start3A_26 = arith.constant 0 : i32
    %dma_start3A_27 = tpu.memref_slice %arg7[%dma_start3A_25, %dma_start3A_26] : memref<625x16xi32, #tpu.memory_space<vmem>> -> memref<1x16xi32, #tpu.memory_space<vmem>>
    %dma_start3A_28 = tpu.memref_squeeze %dma_start3A_27 : memref<1x16xi32, #tpu.memory_space<vmem>> -> memref<16xi32, #tpu.memory_space<vmem>>
    %dma_start3A_29 = arith.constant 0 : i32
    %dma_start3A_30 = arith.constant 0 : i32
    %dma_start3A_31 = tpu.memref_slice %arg2[%dma_start3A_29, %dma_start3A_30] : memref<10000x80xf32, #tpu.memory_space<hbm>> -> memref<10000x80xf32, #tpu.memory_space<hbm>>
    tpu.enqueue_indirect_dma source(%dma_start3A_31 : memref<10000x80xf32, #tpu.memory_space<hbm>>) target(%arg12 : memref<16x80xf32, #tpu.memory_space<vmem>>) offsets(%dma_start3A_28 : memref<16xi32, #tpu.memory_space<vmem>>) semaphore(%arg18 : memref<!tpu.dma_semaphore, #tpu.memory_space<semaphore_mem>>)
    %dma_start3A_32 = arith.constant 4 : i32
    %dma_start3A_33 = arith.constant 0 : i32
    %dma_start3A_34 = tpu.memref_slice %arg7[%dma_start3A_32, %dma_start3A_33] : memref<625x16xi32, #tpu.memory_space<vmem>> -> memref<1x16xi32, #tpu.memory_space<vmem>>
    %dma_start3A_35 = tpu.memref_squeeze %dma_start3A_34 : memref<1x16xi32, #tpu.memory_space<vmem>> -> memref<16xi32, #tpu.memory_space<vmem>>
    %dma_start3A_36 = arith.constant 0 : i32
    %dma_start3A_37 = arith.constant 0 : i32
    %dma_start3A_38 = tpu.memref_slice %arg2[%dma_start3A_36, %dma_start3A_37] : memref<10000x80xf32, #tpu.memory_space<hbm>> -> memref<10000x80xf32, #tpu.memory_space<hbm>>
    tpu.enqueue_indirect_dma source(%dma_start3A_38 : memref<10000x80xf32, #tpu.memory_space<hbm>>) target(%arg13 : memref<16x80xf32, #tpu.memory_space<vmem>>) offsets(%dma_start3A_35 : memref<16xi32, #tpu.memory_space<vmem>>) semaphore(%arg19 : memref<!tpu.dma_semaphore, #tpu.memory_space<semaphore_mem>>)
    %scan3A = arith.constant 0 : i32
    %scan3A_39 = arith.constant 0 : i32
    %scan3A_40 = arith.constant 125 : i32
    %scan3A_41 = arith.addi %scan3A_39, %scan3A_40 : i32
    %scan3A_42 = arith.constant 1 : i32
    scf.for %scan3A_52 = %scan3A_39 to %scan3A_41 step %scan3A_42  : i32 {
      %mul3A_53 = arith.constant 5 : i32
      %mul3A_54 = arith.muli %mul3A_53, %scan3A_52 : i32
      %add3A_55 = arith.constant 0 : i32
      %add3A_56 = arith.addi %mul3A_54, %add3A_55 : i32
      %dma_wait3A = arith.constant 0 : i32
      %dma_wait3A_57 = tpu.memref_slice %arg7[%add3A_56, %dma_wait3A] : memref<625x16xi32, #tpu.memory_space<vmem>> -> memref<1x16xi32, #tpu.memory_space<vmem>>
      %dma_wait3A_58 = tpu.memref_squeeze %dma_wait3A_57 : memref<1x16xi32, #tpu.memory_space<vmem>> -> memref<16xi32, #tpu.memory_space<vmem>>
      %dma_wait3A_59 = arith.constant 0 : i32
      %dma_wait3A_60 = arith.constant 0 : i32
      %dma_wait3A_61 = tpu.memref_slice %arg2[%dma_wait3A_59, %dma_wait3A_60] : memref<10000x80xf32, #tpu.memory_space<hbm>> -> memref<10000x80xf32, #tpu.memory_space<hbm>>
      tpu.wait_indirect_dma semaphore(%arg15 : memref<!tpu.dma_semaphore, #tpu.memory_space<semaphore_mem>>) src(%dma_wait3A_61 : memref<10000x80xf32, #tpu.memory_space<hbm>>) dst(%arg9 : memref<16x80xf32, #tpu.memory_space<vmem>>)
      "tpu.region"() ({
        %run_scoped3A = tpu.sem_alloc : memref<!tpu.dma_semaphore, #tpu.memory_space<semaphore_mem>>
        %dma_start3A_126 = arith.constant 0 : i32
        %dma_start3A_127 = tpu.memref_slice %arg8[%add3A_56, %dma_start3A_126] : memref<625x16xi32, #tpu.memory_space<vmem>> -> memref<1x16xi32, #tpu.memory_space<vmem>>
        %dma_start3A_128 = tpu.memref_squeeze %dma_start3A_127 : memref<1x16xi32, #tpu.memory_space<vmem>> -> memref<16xi32, #tpu.memory_space<vmem>>
        %dma_start3A_129 = arith.constant 0 : i32
        %dma_start3A_130 = arith.constant 0 : i32
        %dma_start3A_131 = tpu.memref_slice %arg14[%dma_start3A_129, %dma_start3A_130] : memref<10000x80xf32, #tpu.memory_space<vmem_shared>> -> memref<10000x80xf32, #tpu.memory_space<vmem_shared>>
        tpu.enqueue_indirect_dma source(%arg9 : memref<16x80xf32, #tpu.memory_space<vmem>>) target(%dma_start3A_131 : memref<10000x80xf32, #tpu.memory_space<vmem_shared>>) offsets(%dma_start3A_128 : memref<16xi32, #tpu.memory_space<vmem>>) semaphore(%run_scoped3A : memref<!tpu.dma_semaphore, #tpu.memory_space<semaphore_mem>>) {add = true}
        %dma_wait3A_132 = arith.constant 0 : i32
        %dma_wait3A_133 = tpu.memref_slice %arg8[%add3A_56, %dma_wait3A_132] : memref<625x16xi32, #tpu.memory_space<vmem>> -> memref<1x16xi32, #tpu.memory_space<vmem>>
        %dma_wait3A_134 = tpu.memref_squeeze %dma_wait3A_133 : memref<1x16xi32, #tpu.memory_space<vmem>> -> memref<16xi32, #tpu.memory_space<vmem>>
        %dma_wait3A_135 = arith.constant 0 : i32
        %dma_wait3A_136 = arith.constant 0 : i32
        %dma_wait3A_137 = tpu.memref_slice %arg14[%dma_wait3A_135, %dma_wait3A_136] : memref<10000x80xf32, #tpu.memory_space<vmem_shared>> -> memref<10000x80xf32, #tpu.memory_space<vmem_shared>>
        tpu.wait_indirect_dma semaphore(%run_scoped3A : memref<!tpu.dma_semaphore, #tpu.memory_space<semaphore_mem>>) src(%arg9 : memref<16x80xf32, #tpu.memory_space<vmem>>) dst(%dma_wait3A_137 : memref<10000x80xf32, #tpu.memory_space<vmem_shared>>)
        tpu.yield
      }) : () -> ()
      %add3A_62 = arith.constant 5 : i32
      %add3A_63 = arith.addi %add3A_56, %add3A_62 : i32
      %lt3A = arith.constant 625 : i32
      %lt3A_64 = arith.cmpi slt, %add3A_63, %lt3A : i32
      %convert_element_type3A = arith.extui %lt3A_64 : i1 to i32
      %cond3A = arith.constant 0 : i32
      %cond3A_65 = arith.cmpi ne, %convert_element_type3A, %cond3A : i32
      scf.if %cond3A_65 {
        %add3A_126 = arith.constant 5 : i32
        %add3A_127 = arith.addi %add3A_56, %add3A_126 : i32
        %dma_start3A_128 = arith.constant 0 : i32
        %dma_start3A_129 = tpu.memref_slice %arg7[%add3A_127, %dma_start3A_128] : memref<625x16xi32, #tpu.memory_space<vmem>> -> memref<1x16xi32, #tpu.memory_space<vmem>>
        %dma_start3A_130 = tpu.memref_squeeze %dma_start3A_129 : memref<1x16xi32, #tpu.memory_space<vmem>> -> memref<16xi32, #tpu.memory_space<vmem>>
        %dma_start3A_131 = arith.constant 0 : i32
        %dma_start3A_132 = arith.constant 0 : i32
        %dma_start3A_133 = tpu.memref_slice %arg2[%dma_start3A_131, %dma_start3A_132] : memref<10000x80xf32, #tpu.memory_space<hbm>> -> memref<10000x80xf32, #tpu.memory_space<hbm>>
        tpu.enqueue_indirect_dma source(%dma_start3A_133 : memref<10000x80xf32, #tpu.memory_space<hbm>>) target(%arg9 : memref<16x80xf32, #tpu.memory_space<vmem>>) offsets(%dma_start3A_130 : memref<16xi32, #tpu.memory_space<vmem>>) semaphore(%arg15 : memref<!tpu.dma_semaphore, #tpu.memory_space<semaphore_mem>>)
      } else {
      }
      %add3A_66 = arith.constant 1 : i32
      %add3A_67 = arith.addi %mul3A_54, %add3A_66 : i32
      %dma_wait3A_68 = arith.constant 0 : i32
      %dma_wait3A_69 = tpu.memref_slice %arg7[%add3A_67, %dma_wait3A_68] : memref<625x16xi32, #tpu.memory_space<vmem>> -> memref<1x16xi32, #tpu.memory_space<vmem>>
      %dma_wait3A_70 = tpu.memref_squeeze %dma_wait3A_69 : memref<1x16xi32, #tpu.memory_space<vmem>> -> memref<16xi32, #tpu.memory_space<vmem>>
      %dma_wait3A_71 = arith.constant 0 : i32
      %dma_wait3A_72 = arith.constant 0 : i32
      %dma_wait3A_73 = tpu.memref_slice %arg2[%dma_wait3A_71, %dma_wait3A_72] : memref<10000x80xf32, #tpu.memory_space<hbm>> -> memref<10000x80xf32, #tpu.memory_space<hbm>>
      tpu.wait_indirect_dma semaphore(%arg16 : memref<!tpu.dma_semaphore, #tpu.memory_space<semaphore_mem>>) src(%dma_wait3A_73 : memref<10000x80xf32, #tpu.memory_space<hbm>>) dst(%arg10 : memref<16x80xf32, #tpu.memory_space<vmem>>)
      "tpu.region"() ({
        %run_scoped3A = tpu.sem_alloc : memref<!tpu.dma_semaphore, #tpu.memory_space<semaphore_mem>>
        %dma_start3A_126 = arith.constant 0 : i32
        %dma_start3A_127 = tpu.memref_slice %arg8[%add3A_67, %dma_start3A_126] : memref<625x16xi32, #tpu.memory_space<vmem>> -> memref<1x16xi32, #tpu.memory_space<vmem>>
        %dma_start3A_128 = tpu.memref_squeeze %dma_start3A_127 : memref<1x16xi32, #tpu.memory_space<vmem>> -> memref<16xi32, #tpu.memory_space<vmem>>
        %dma_start3A_129 = arith.constant 0 : i32
        %dma_start3A_130 = arith.constant 0 : i32
        %dma_start3A_131 = tpu.memref_slice %arg14[%dma_start3A_129, %dma_start3A_130] : memref<10000x80xf32, #tpu.memory_space<vmem_shared>> -> memref<10000x80xf32, #tpu.memory_space<vmem_shared>>
        tpu.enqueue_indirect_dma source(%arg10 : memref<16x80xf32, #tpu.memory_space<vmem>>) target(%dma_start3A_131 : memref<10000x80xf32, #tpu.memory_space<vmem_shared>>) offsets(%dma_start3A_128 : memref<16xi32, #tpu.memory_space<vmem>>) semaphore(%run_scoped3A : memref<!tpu.dma_semaphore, #tpu.memory_space<semaphore_mem>>) {add = true}
        %dma_wait3A_132 = arith.constant 0 : i32
        %dma_wait3A_133 = tpu.memref_slice %arg8[%add3A_67, %dma_wait3A_132] : memref<625x16xi32, #tpu.memory_space<vmem>> -> memref<1x16xi32, #tpu.memory_space<vmem>>
        %dma_wait3A_134 = tpu.memref_squeeze %dma_wait3A_133 : memref<1x16xi32, #tpu.memory_space<vmem>> -> memref<16xi32, #tpu.memory_space<vmem>>
        %dma_wait3A_135 = arith.constant 0 : i32
        %dma_wait3A_136 = arith.constant 0 : i32
        %dma_wait3A_137 = tpu.memref_slice %arg14[%dma_wait3A_135, %dma_wait3A_136] : memref<10000x80xf32, #tpu.memory_space<vmem_shared>> -> memref<10000x80xf32, #tpu.memory_space<vmem_shared>>
        tpu.wait_indirect_dma semaphore(%run_scoped3A : memref<!tpu.dma_semaphore, #tpu.memory_space<semaphore_mem>>) src(%arg10 : memref<16x80xf32, #tpu.memory_space<vmem>>) dst(%dma_wait3A_137 : memref<10000x80xf32, #tpu.memory_space<vmem_shared>>)
        tpu.yield
      }) : () -> ()
      %add3A_74 = arith.constant 5 : i32
      %add3A_75 = arith.addi %add3A_67, %add3A_74 : i32
      %lt3A_76 = arith.constant 625 : i32
      %lt3A_77 = arith.cmpi slt, %add3A_75, %lt3A_76 : i32
      %convert_element_type3A_78 = arith.extui %lt3A_77 : i1 to i32
      %cond3A_79 = arith.constant 0 : i32
      %cond3A_80 = arith.cmpi ne, %convert_element_type3A_78, %cond3A_79 : i32
      scf.if %cond3A_80 {
        %add3A_126 = arith.constant 5 : i32
        %add3A_127 = arith.addi %add3A_67, %add3A_126 : i32
        %dma_start3A_128 = arith.constant 0 : i32
        %dma_start3A_129 = tpu.memref_slice %arg7[%add3A_127, %dma_start3A_128] : memref<625x16xi32, #tpu.memory_space<vmem>> -> memref<1x16xi32, #tpu.memory_space<vmem>>
        %dma_start3A_130 = tpu.memref_squeeze %dma_start3A_129 : memref<1x16xi32, #tpu.memory_space<vmem>> -> memref<16xi32, #tpu.memory_space<vmem>>
        %dma_start3A_131 = arith.constant 0 : i32
        %dma_start3A_132 = arith.constant 0 : i32
        %dma_start3A_133 = tpu.memref_slice %arg2[%dma_start3A_131, %dma_start3A_132] : memref<10000x80xf32, #tpu.memory_space<hbm>> -> memref<10000x80xf32, #tpu.memory_space<hbm>>
        tpu.enqueue_indirect_dma source(%dma_start3A_133 : memref<10000x80xf32, #tpu.memory_space<hbm>>) target(%arg10 : memref<16x80xf32, #tpu.memory_space<vmem>>) offsets(%dma_start3A_130 : memref<16xi32, #tpu.memory_space<vmem>>) semaphore(%arg16 : memref<!tpu.dma_semaphore, #tpu.memory_space<semaphore_mem>>)
      } else {
      }
      %add3A_81 = arith.constant 2 : i32
      %add3A_82 = arith.addi %mul3A_54, %add3A_81 : i32
      %dma_wait3A_83 = arith.constant 0 : i32
      %dma_wait3A_84 = tpu.memref_slice %arg7[%add3A_82, %dma_wait3A_83] : memref<625x16xi32, #tpu.memory_space<vmem>> -> memref<1x16xi32, #tpu.memory_space<vmem>>
      %dma_wait3A_85 = tpu.memref_squeeze %dma_wait3A_84 : memref<1x16xi32, #tpu.memory_space<vmem>> -> memref<16xi32, #tpu.memory_space<vmem>>
      %dma_wait3A_86 = arith.constant 0 : i32
      %dma_wait3A_87 = arith.constant 0 : i32
      %dma_wait3A_88 = tpu.memref_slice %arg2[%dma_wait3A_86, %dma_wait3A_87] : memref<10000x80xf32, #tpu.memory_space<hbm>> -> memref<10000x80xf32, #tpu.memory_space<hbm>>
      tpu.wait_indirect_dma semaphore(%arg17 : memref<!tpu.dma_semaphore, #tpu.memory_space<semaphore_mem>>) src(%dma_wait3A_88 : memref<10000x80xf32, #tpu.memory_space<hbm>>) dst(%arg11 : memref<16x80xf32, #tpu.memory_space<vmem>>)
      "tpu.region"() ({
        %run_scoped3A = tpu.sem_alloc : memref<!tpu.dma_semaphore, #tpu.memory_space<semaphore_mem>>
        %dma_start3A_126 = arith.constant 0 : i32
        %dma_start3A_127 = tpu.memref_slice %arg8[%add3A_82, %dma_start3A_126] : memref<625x16xi32, #tpu.memory_space<vmem>> -> memref<1x16xi32, #tpu.memory_space<vmem>>
        %dma_start3A_128 = tpu.memref_squeeze %dma_start3A_127 : memref<1x16xi32, #tpu.memory_space<vmem>> -> memref<16xi32, #tpu.memory_space<vmem>>
        %dma_start3A_129 = arith.constant 0 : i32
        %dma_start3A_130 = arith.constant 0 : i32
        %dma_start3A_131 = tpu.memref_slice %arg14[%dma_start3A_129, %dma_start3A_130] : memref<10000x80xf32, #tpu.memory_space<vmem_shared>> -> memref<10000x80xf32, #tpu.memory_space<vmem_shared>>
        tpu.enqueue_indirect_dma source(%arg11 : memref<16x80xf32, #tpu.memory_space<vmem>>) target(%dma_start3A_131 : memref<10000x80xf32, #tpu.memory_space<vmem_shared>>) offsets(%dma_start3A_128 : memref<16xi32, #tpu.memory_space<vmem>>) semaphore(%run_scoped3A : memref<!tpu.dma_semaphore, #tpu.memory_space<semaphore_mem>>) {add = true}
        %dma_wait3A_132 = arith.constant 0 : i32
        %dma_wait3A_133 = tpu.memref_slice %arg8[%add3A_82, %dma_wait3A_132] : memref<625x16xi32, #tpu.memory_space<vmem>> -> memref<1x16xi32, #tpu.memory_space<vmem>>
        %dma_wait3A_134 = tpu.memref_squeeze %dma_wait3A_133 : memref<1x16xi32, #tpu.memory_space<vmem>> -> memref<16xi32, #tpu.memory_space<vmem>>
        %dma_wait3A_135 = arith.constant 0 : i32
        %dma_wait3A_136 = arith.constant 0 : i32
        %dma_wait3A_137 = tpu.memref_slice %arg14[%dma_wait3A_135, %dma_wait3A_136] : memref<10000x80xf32, #tpu.memory_space<vmem_shared>> -> memref<10000x80xf32, #tpu.memory_space<vmem_shared>>
        tpu.wait_indirect_dma semaphore(%run_scoped3A : memref<!tpu.dma_semaphore, #tpu.memory_space<semaphore_mem>>) src(%arg11 : memref<16x80xf32, #tpu.memory_space<vmem>>) dst(%dma_wait3A_137 : memref<10000x80xf32, #tpu.memory_space<vmem_shared>>)
        tpu.yield
      }) : () -> ()
      %add3A_89 = arith.constant 5 : i32
      %add3A_90 = arith.addi %add3A_82, %add3A_89 : i32
      %lt3A_91 = arith.constant 625 : i32
      %lt3A_92 = arith.cmpi slt, %add3A_90, %lt3A_91 : i32
      %convert_element_type3A_93 = arith.extui %lt3A_92 : i1 to i32
      %cond3A_94 = arith.constant 0 : i32
      %cond3A_95 = arith.cmpi ne, %convert_element_type3A_93, %cond3A_94 : i32
      scf.if %cond3A_95 {
        %add3A_126 = arith.constant 5 : i32
        %add3A_127 = arith.addi %add3A_82, %add3A_126 : i32
        %dma_start3A_128 = arith.constant 0 : i32
        %dma_start3A_129 = tpu.memref_slice %arg7[%add3A_127, %dma_start3A_128] : memref<625x16xi32, #tpu.memory_space<vmem>> -> memref<1x16xi32, #tpu.memory_space<vmem>>
        %dma_start3A_130 = tpu.memref_squeeze %dma_start3A_129 : memref<1x16xi32, #tpu.memory_space<vmem>> -> memref<16xi32, #tpu.memory_space<vmem>>
        %dma_start3A_131 = arith.constant 0 : i32
        %dma_start3A_132 = arith.constant 0 : i32
        %dma_start3A_133 = tpu.memref_slice %arg2[%dma_start3A_131, %dma_start3A_132] : memref<10000x80xf32, #tpu.memory_space<hbm>> -> memref<10000x80xf32, #tpu.memory_space<hbm>>
        tpu.enqueue_indirect_dma source(%dma_start3A_133 : memref<10000x80xf32, #tpu.memory_space<hbm>>) target(%arg11 : memref<16x80xf32, #tpu.memory_space<vmem>>) offsets(%dma_start3A_130 : memref<16xi32, #tpu.memory_space<vmem>>) semaphore(%arg17 : memref<!tpu.dma_semaphore, #tpu.memory_space<semaphore_mem>>)
      } else {
      }
      %add3A_96 = arith.constant 3 : i32
      %add3A_97 = arith.addi %mul3A_54, %add3A_96 : i32
      %dma_wait3A_98 = arith.constant 0 : i32
      %dma_wait3A_99 = tpu.memref_slice %arg7[%add3A_97, %dma_wait3A_98] : memref<625x16xi32, #tpu.memory_space<vmem>> -> memref<1x16xi32, #tpu.memory_space<vmem>>
      %dma_wait3A_100 = tpu.memref_squeeze %dma_wait3A_99 : memref<1x16xi32, #tpu.memory_space<vmem>> -> memref<16xi32, #tpu.memory_space<vmem>>
      %dma_wait3A_101 = arith.constant 0 : i32
      %dma_wait3A_102 = arith.constant 0 : i32
      %dma_wait3A_103 = tpu.memref_slice %arg2[%dma_wait3A_101, %dma_wait3A_102] : memref<10000x80xf32, #tpu.memory_space<hbm>> -> memref<10000x80xf32, #tpu.memory_space<hbm>>
      tpu.wait_indirect_dma semaphore(%arg18 : memref<!tpu.dma_semaphore, #tpu.memory_space<semaphore_mem>>) src(%dma_wait3A_103 : memref<10000x80xf32, #tpu.memory_space<hbm>>) dst(%arg12 : memref<16x80xf32, #tpu.memory_space<vmem>>)
      "tpu.region"() ({
        %run_scoped3A = tpu.sem_alloc : memref<!tpu.dma_semaphore, #tpu.memory_space<semaphore_mem>>
        %dma_start3A_126 = arith.constant 0 : i32
        %dma_start3A_127 = tpu.memref_slice %arg8[%add3A_97, %dma_start3A_126] : memref<625x16xi32, #tpu.memory_space<vmem>> -> memref<1x16xi32, #tpu.memory_space<vmem>>
        %dma_start3A_128 = tpu.memref_squeeze %dma_start3A_127 : memref<1x16xi32, #tpu.memory_space<vmem>> -> memref<16xi32, #tpu.memory_space<vmem>>
        %dma_start3A_129 = arith.constant 0 : i32
        %dma_start3A_130 = arith.constant 0 : i32
        %dma_start3A_131 = tpu.memref_slice %arg14[%dma_start3A_129, %dma_start3A_130] : memref<10000x80xf32, #tpu.memory_space<vmem_shared>> -> memref<10000x80xf32, #tpu.memory_space<vmem_shared>>
        tpu.enqueue_indirect_dma source(%arg12 : memref<16x80xf32, #tpu.memory_space<vmem>>) target(%dma_start3A_131 : memref<10000x80xf32, #tpu.memory_space<vmem_shared>>) offsets(%dma_start3A_128 : memref<16xi32, #tpu.memory_space<vmem>>) semaphore(%run_scoped3A : memref<!tpu.dma_semaphore, #tpu.memory_space<semaphore_mem>>) {add = true}
        %dma_wait3A_132 = arith.constant 0 : i32
        %dma_wait3A_133 = tpu.memref_slice %arg8[%add3A_97, %dma_wait3A_132] : memref<625x16xi32, #tpu.memory_space<vmem>> -> memref<1x16xi32, #tpu.memory_space<vmem>>
        %dma_wait3A_134 = tpu.memref_squeeze %dma_wait3A_133 : memref<1x16xi32, #tpu.memory_space<vmem>> -> memref<16xi32, #tpu.memory_space<vmem>>
        %dma_wait3A_135 = arith.constant 0 : i32
        %dma_wait3A_136 = arith.constant 0 : i32
        %dma_wait3A_137 = tpu.memref_slice %arg14[%dma_wait3A_135, %dma_wait3A_136] : memref<10000x80xf32, #tpu.memory_space<vmem_shared>> -> memref<10000x80xf32, #tpu.memory_space<vmem_shared>>
        tpu.wait_indirect_dma semaphore(%run_scoped3A : memref<!tpu.dma_semaphore, #tpu.memory_space<semaphore_mem>>) src(%arg12 : memref<16x80xf32, #tpu.memory_space<vmem>>) dst(%dma_wait3A_137 : memref<10000x80xf32, #tpu.memory_space<vmem_shared>>)
        tpu.yield
      }) : () -> ()
      %add3A_104 = arith.constant 5 : i32
      %add3A_105 = arith.addi %add3A_97, %add3A_104 : i32
      %lt3A_106 = arith.constant 625 : i32
      %lt3A_107 = arith.cmpi slt, %add3A_105, %lt3A_106 : i32
      %convert_element_type3A_108 = arith.extui %lt3A_107 : i1 to i32
      %cond3A_109 = arith.constant 0 : i32
      %cond3A_110 = arith.cmpi ne, %convert_element_type3A_108, %cond3A_109 : i32
      scf.if %cond3A_110 {
        %add3A_126 = arith.constant 5 : i32
        %add3A_127 = arith.addi %add3A_97, %add3A_126 : i32
        %dma_start3A_128 = arith.constant 0 : i32
        %dma_start3A_129 = tpu.memref_slice %arg7[%add3A_127, %dma_start3A_128] : memref<625x16xi32, #tpu.memory_space<vmem>> -> memref<1x16xi32, #tpu.memory_space<vmem>>
        %dma_start3A_130 = tpu.memref_squeeze %dma_start3A_129 : memref<1x16xi32, #tpu.memory_space<vmem>> -> memref<16xi32, #tpu.memory_space<vmem>>
        %dma_start3A_131 = arith.constant 0 : i32
        %dma_start3A_132 = arith.constant 0 : i32
        %dma_start3A_133 = tpu.memref_slice %arg2[%dma_start3A_131, %dma_start3A_132] : memref<10000x80xf32, #tpu.memory_space<hbm>> -> memref<10000x80xf32, #tpu.memory_space<hbm>>
        tpu.enqueue_indirect_dma source(%dma_start3A_133 : memref<10000x80xf32, #tpu.memory_space<hbm>>) target(%arg12 : memref<16x80xf32, #tpu.memory_space<vmem>>) offsets(%dma_start3A_130 : memref<16xi32, #tpu.memory_space<vmem>>) semaphore(%arg18 : memref<!tpu.dma_semaphore, #tpu.memory_space<semaphore_mem>>)
      } else {
      }
      %add3A_111 = arith.constant 4 : i32
      %add3A_112 = arith.addi %mul3A_54, %add3A_111 : i32
      %dma_wait3A_113 = arith.constant 0 : i32
      %dma_wait3A_114 = tpu.memref_slice %arg7[%add3A_112, %dma_wait3A_113] : memref<625x16xi32, #tpu.memory_space<vmem>> -> memref<1x16xi32, #tpu.memory_space<vmem>>
      %dma_wait3A_115 = tpu.memref_squeeze %dma_wait3A_114 : memref<1x16xi32, #tpu.memory_space<vmem>> -> memref<16xi32, #tpu.memory_space<vmem>>
      %dma_wait3A_116 = arith.constant 0 : i32
      %dma_wait3A_117 = arith.constant 0 : i32
      %dma_wait3A_118 = tpu.memref_slice %arg2[%dma_wait3A_116, %dma_wait3A_117] : memref<10000x80xf32, #tpu.memory_space<hbm>> -> memref<10000x80xf32, #tpu.memory_space<hbm>>
      tpu.wait_indirect_dma semaphore(%arg19 : memref<!tpu.dma_semaphore, #tpu.memory_space<semaphore_mem>>) src(%dma_wait3A_118 : memref<10000x80xf32, #tpu.memory_space<hbm>>) dst(%arg13 : memref<16x80xf32, #tpu.memory_space<vmem>>)
      "tpu.region"() ({
        %run_scoped3A = tpu.sem_alloc : memref<!tpu.dma_semaphore, #tpu.memory_space<semaphore_mem>>
        %dma_start3A_126 = arith.constant 0 : i32
        %dma_start3A_127 = tpu.memref_slice %arg8[%add3A_112, %dma_start3A_126] : memref<625x16xi32, #tpu.memory_space<vmem>> -> memref<1x16xi32, #tpu.memory_space<vmem>>
        %dma_start3A_128 = tpu.memref_squeeze %dma_start3A_127 : memref<1x16xi32, #tpu.memory_space<vmem>> -> memref<16xi32, #tpu.memory_space<vmem>>
        %dma_start3A_129 = arith.constant 0 : i32
        %dma_start3A_130 = arith.constant 0 : i32
        %dma_start3A_131 = tpu.memref_slice %arg14[%dma_start3A_129, %dma_start3A_130] : memref<10000x80xf32, #tpu.memory_space<vmem_shared>> -> memref<10000x80xf32, #tpu.memory_space<vmem_shared>>
        tpu.enqueue_indirect_dma source(%arg13 : memref<16x80xf32, #tpu.memory_space<vmem>>) target(%dma_start3A_131 : memref<10000x80xf32, #tpu.memory_space<vmem_shared>>) offsets(%dma_start3A_128 : memref<16xi32, #tpu.memory_space<vmem>>) semaphore(%run_scoped3A : memref<!tpu.dma_semaphore, #tpu.memory_space<semaphore_mem>>) {add = true}
        %dma_wait3A_132 = arith.constant 0 : i32
        %dma_wait3A_133 = tpu.memref_slice %arg8[%add3A_112, %dma_wait3A_132] : memref<625x16xi32, #tpu.memory_space<vmem>> -> memref<1x16xi32, #tpu.memory_space<vmem>>
        %dma_wait3A_134 = tpu.memref_squeeze %dma_wait3A_133 : memref<1x16xi32, #tpu.memory_space<vmem>> -> memref<16xi32, #tpu.memory_space<vmem>>
        %dma_wait3A_135 = arith.constant 0 : i32
        %dma_wait3A_136 = arith.constant 0 : i32
        %dma_wait3A_137 = tpu.memref_slice %arg14[%dma_wait3A_135, %dma_wait3A_136] : memref<10000x80xf32, #tpu.memory_space<vmem_shared>> -> memref<10000x80xf32, #tpu.memory_space<vmem_shared>>
        tpu.wait_indirect_dma semaphore(%run_scoped3A : memref<!tpu.dma_semaphore, #tpu.memory_space<semaphore_mem>>) src(%arg13 : memref<16x80xf32, #tpu.memory_space<vmem>>) dst(%dma_wait3A_137 : memref<10000x80xf32, #tpu.memory_space<vmem_shared>>)
        tpu.yield
      }) : () -> ()
      %add3A_119 = arith.constant 5 : i32
      %add3A_120 = arith.addi %add3A_112, %add3A_119 : i32
      %lt3A_121 = arith.constant 625 : i32
      %lt3A_122 = arith.cmpi slt, %add3A_120, %lt3A_121 : i32
      %convert_element_type3A_123 = arith.extui %lt3A_122 : i1 to i32
      %cond3A_124 = arith.constant 0 : i32
      %cond3A_125 = arith.cmpi ne, %convert_element_type3A_123, %cond3A_124 : i32
      scf.if %cond3A_125 {
        %add3A_126 = arith.constant 5 : i32
        %add3A_127 = arith.addi %add3A_112, %add3A_126 : i32
        %dma_start3A_128 = arith.constant 0 : i32
        %dma_start3A_129 = tpu.memref_slice %arg7[%add3A_127, %dma_start3A_128] : memref<625x16xi32, #tpu.memory_space<vmem>> -> memref<1x16xi32, #tpu.memory_space<vmem>>
        %dma_start3A_130 = tpu.memref_squeeze %dma_start3A_129 : memref<1x16xi32, #tpu.memory_space<vmem>> -> memref<16xi32, #tpu.memory_space<vmem>>
        %dma_start3A_131 = arith.constant 0 : i32
        %dma_start3A_132 = arith.constant 0 : i32
        %dma_start3A_133 = tpu.memref_slice %arg2[%dma_start3A_131, %dma_start3A_132] : memref<10000x80xf32, #tpu.memory_space<hbm>> -> memref<10000x80xf32, #tpu.memory_space<hbm>>
        tpu.enqueue_indirect_dma source(%dma_start3A_133 : memref<10000x80xf32, #tpu.memory_space<hbm>>) target(%arg13 : memref<16x80xf32, #tpu.memory_space<vmem>>) offsets(%dma_start3A_130 : memref<16xi32, #tpu.memory_space<vmem>>) semaphore(%arg19 : memref<!tpu.dma_semaphore, #tpu.memory_space<semaphore_mem>>)
      } else {
      }
    }
    %scan3A_43 = arith.constant 125 : i32
    %barrier3A_44 = arith.constant 0 : index
    tpu.barrier barrier_id(%barrier3A_44)
    %mul3A_45 = arith.constant 625 : i32
    %mul3A_46 = arith.muli %arg1, %mul3A_45 : i32
    %mul3A_47 = arith.constant 10000 : i32
    %mul3A_48 = arith.muli %arg0, %mul3A_47 : i32
    %mul3A_49 = arith.constant 625 : i32
    %mul3A_50 = arith.muli %arg1, %mul3A_49 : i32
    %add3A_51 = arith.addi %mul3A_48, %mul3A_50 : i32
    "tpu.region"() ({
      %run_scoped3A = tpu.sem_alloc : memref<!tpu.dma_semaphore, #tpu.memory_space<semaphore_mem>>
      %dma_start3A_52 = arith.constant 0 : i32
      %dma_start3A_53 = tpu.memref_slice %arg6[%add3A_51, %dma_start3A_52] : memref<20000x80xf32, #tpu.memory_space<hbm>> -> memref<625x80xf32, #tpu.memory_space<hbm>>
      %dma_start3A_54 = arith.constant 0 : i32
      %dma_start3A_55 = tpu.memref_slice %arg14[%mul3A_46, %dma_start3A_54] : memref<10000x80xf32, #tpu.memory_space<vmem_shared>> -> memref<625x80xf32, #tpu.memory_space<vmem_shared>>
      tpu.enqueue_dma source(%dma_start3A_55 : memref<625x80xf32, #tpu.memory_space<vmem_shared>>) target(%dma_start3A_53 : memref<625x80xf32, #tpu.memory_space<hbm>>) target_semaphore(%run_scoped3A : memref<!tpu.dma_semaphore, #tpu.memory_space<semaphore_mem>>)
      %dma_wait3A = arith.constant 0 : i32
      %dma_wait3A_56 = tpu.memref_slice %arg6[%add3A_51, %dma_wait3A] : memref<20000x80xf32, #tpu.memory_space<hbm>> -> memref<625x80xf32, #tpu.memory_space<hbm>>
      %dma_wait3A_57 = arith.constant 0 : i32
      %dma_wait3A_58 = tpu.memref_slice %arg14[%mul3A_46, %dma_wait3A_57] : memref<10000x80xf32, #tpu.memory_space<vmem_shared>> -> memref<625x80xf32, #tpu.memory_space<vmem_shared>>
      tpu.wait_dma2 semaphore(%run_scoped3A : memref<!tpu.dma_semaphore, #tpu.memory_space<semaphore_mem>>) src(%dma_wait3A_58 : memref<625x80xf32, #tpu.memory_space<vmem_shared>>) dst(%dma_wait3A_56 : memref<625x80xf32, #tpu.memory_space<hbm>>)
      tpu.yield
    }) : () -> ()
    return
  }
}

module attributes {stable_mosaic.version = 14 : i64} {
  func.func @body(%arg0: i32, %arg1: memref<1000x128xf32, #tpu.memory_space<vmem>>, %arg2: memref<128x128xf32, #tpu.memory_space<vmem>>, %arg3: memref<1x128xf32, #tpu.memory_space<vmem>>, %arg4: memref<1000x128xf32, #tpu.memory_space<vmem>>, %arg5: memref<1000x2xf32, #tpu.memory_space<vmem>>) attributes {dimension_semantics = [#tpu.dimension_semantics<arbitrary>], iteration_bounds = array<i64: 10>, scalar_prefetch = 0 : i64, scratch_operands = 0 : i64, tpu.core_type = #tpu.core_type<tc>, window_params = [{transform_indices = @transform_0, window_bounds = array<i64: 1000, 128>}, {pipeline_mode = #tpu.pipeline_mode<synchronous>, transform_indices = @transform_1, window_bounds = array<i64: 128, 128>}, {pipeline_mode = #tpu.pipeline_mode<synchronous>, transform_indices = @transform_2, window_bounds = array<i64: 1, 128>}, {transform_indices = @transform_3, window_bounds = array<i64: 1000, 128>}, {transform_indices = @transform_4, window_bounds = array<i64: 1000, 2>}]} {
    %get3A = arith.constant 0 : index
    %get3A_0 = arith.constant 0 : index
    %get3A_1 = vector.load %arg1[%get3A, %get3A_0] : memref<1000x128xf32, #tpu.memory_space<vmem>>, vector<1000x128xf32>
    %get3A_2 = arith.constant 0 : index
    %get3A_3 = arith.constant 0 : index
    %get3A_4 = vector.load %arg2[%get3A_2, %get3A_3] : memref<128x128xf32, #tpu.memory_space<vmem>>, vector<128x128xf32>
    %dot_general3A = arith.constant dense<0.000000e+00> : vector<1000x128xf32>
    %dot_general3A_5 = tpu.matmul %get3A_1, %get3A_4, %dot_general3A {dimension_numbers = #tpu.dot_dimension_numbers<[1], [0], [0], [1], [0, 0, 1, 1], [], []>, transpose_lhs_hint = false} : vector<1000x128xf32>, vector<128x128xf32>, vector<1000x128xf32> -> vector<1000x128xf32>
    %swap3A = arith.constant 0 : index
    %swap3A_6 = arith.constant 0 : index
    %swap3A_7 = vector.load %arg4[%swap3A, %swap3A_6] : memref<1000x128xf32, #tpu.memory_space<vmem>>, vector<1000x128xf32>
    tpu.vector_store %arg4[%swap3A, %swap3A_6], %dot_general3A_5 {strides = array<i32>} : memref<1000x128xf32, #tpu.memory_space<vmem>>, vector<1000x128xf32>,
    %get3A_8 = arith.constant 0 : index
    %get3A_9 = arith.constant 0 : index
    %get3A_10 = vector.load %arg3[%get3A_8, %get3A_9] : memref<1x128xf32, #tpu.memory_space<vmem>>, vector<1x128xf32>
    %mul3A = vector.broadcast %get3A_10 : vector<1x128xf32> to vector<1000x128xf32>
    %mul3A_11 = arith.mulf %dot_general3A_5, %mul3A : vector<1000x128xf32>
    %slice3A = vector.extract_strided_slice %mul3A_11 {offsets = [0, 0], sizes = [1000, 64], strides = [1, 1]} : vector<1000x128xf32> to vector<1000x64xf32>
    %reduce_sum3A = arith.constant dense<0.000000e+00> : vector<1000xf32>
    %reduce_sum3A_12 = vector.multi_reduction <add>, %slice3A, %reduce_sum3A [1] : vector<1000x64xf32> to vector<1000xf32>
    %broadcast_in_dim3A = vector.shape_cast %reduce_sum3A_12 : vector<1000xf32> to vector<1000x1xf32>
    %slice3A_13 = vector.extract_strided_slice %mul3A_11 {offsets = [0, 64], sizes = [1000, 64], strides = [1, 1]} : vector<1000x128xf32> to vector<1000x64xf32>
    %reduce_sum3A_14 = arith.constant dense<0.000000e+00> : vector<1000xf32>
    %reduce_sum3A_15 = vector.multi_reduction <add>, %slice3A_13, %reduce_sum3A_14 [1] : vector<1000x64xf32> to vector<1000xf32>
    %broadcast_in_dim3A_16 = vector.shape_cast %reduce_sum3A_15 : vector<1000xf32> to vector<1000x1xf32>
    %concatenate3A = tpu.concatenate %broadcast_in_dim3A, %broadcast_in_dim3A_16 in 1 : vector<1000x1xf32>, vector<1000x1xf32> -> vector<1000x2xf32>
    %swap3A_17 = arith.constant 0 : index
    %swap3A_18 = arith.constant 0 : index
    %swap3A_19 = vector.load %arg5[%swap3A_17, %swap3A_18] : memref<1000x2xf32, #tpu.memory_space<vmem>>, vector<1000x2xf32>
    tpu.vector_store %arg5[%swap3A_17, %swap3A_18], %concatenate3A {strides = array<i32>} : memref<1000x2xf32, #tpu.memory_space<vmem>>, vector<1000x2xf32>,
    return
  }
  func.func @transform_0(%arg0: i32) -> (i32, i32) {
    %c0_i32 = arith.constant 0 : i32
    %c0_i32_0 = arith.constant 0 : i32
    return %arg0, %c0_i32 : i32, i32
  }
  func.func @transform_1(%arg0: i32) -> (i32, i32) {
    %c0_i32 = arith.constant 0 : i32
    %c0_i32_0 = arith.constant 0 : i32
    %c0_i32_1 = arith.constant 0 : i32
    return %c0_i32, %c0_i32_0 : i32, i32
  }
  func.func @transform_2(%arg0: i32) -> (i32, i32) {
    %c0_i32 = arith.constant 0 : i32
    %c0_i32_0 = arith.constant 0 : i32
    %c0_i32_1 = arith.constant 0 : i32
    return %c0_i32, %c0_i32_0 : i32, i32
  }
  func.func @transform_3(%arg0: i32) -> (i32, i32) {
    %c0_i32 = arith.constant 0 : i32
    %c0_i32_0 = arith.constant 0 : i32
    return %arg0, %c0_i32 : i32, i32
  }
  func.func @transform_4(%arg0: i32) -> (i32, i32) {
    %c0_i32 = arith.constant 0 : i32
    %c0_i32_0 = arith.constant 0 : i32
    return %arg0, %c0_i32 : i32, i32
  }
}

module attributes {stable_mosaic.version = 14 : i64} {
  func.func @body(%arg0: i32, %arg1: memref<1000x128xf32, #tpu.memory_space<vmem>>, %arg2: memref<1000x2xf32, #tpu.memory_space<vmem>>, %arg3: memref<1x2xf32, #tpu.memory_space<vmem>>, %arg4: memref<1000x144xf32, #tpu.memory_space<vmem>>) attributes {dimension_semantics = [#tpu.dimension_semantics<arbitrary>], iteration_bounds = array<i64: 10>, scalar_prefetch = 0 : i64, scratch_operands = 0 : i64, tpu.core_type = #tpu.core_type<tc>, window_params = [{transform_indices = @transform_0, window_bounds = array<i64: 1000, 128>}, {transform_indices = @transform_1, window_bounds = array<i64: 1000, 2>}, {pipeline_mode = #tpu.pipeline_mode<synchronous>, transform_indices = @transform_2, window_bounds = array<i64: 1, 2>}, {transform_indices = @transform_3, window_bounds = array<i64: 1000, 144>}]} {
    %get3A = arith.constant 0 : index
    %get3A_0 = arith.constant 0 : index
    %get3A_1 = vector.load %arg2[%get3A, %get3A_0] : memref<1000x2xf32, #tpu.memory_space<vmem>>, vector<1000x2xf32>
    %get3A_2 = arith.constant 0 : index
    %get3A_3 = arith.constant 0 : index
    %get3A_4 = vector.load %arg3[%get3A_2, %get3A_3] : memref<1x2xf32, #tpu.memory_space<vmem>>, vector<1x2xf32>
    %sub3A = vector.broadcast %get3A_4 : vector<1x2xf32> to vector<1000x2xf32>
    %sub3A_5 = arith.subf %get3A_1, %sub3A : vector<1000x2xf32>
    %exp3A = math.exp %sub3A_5 : vector<1000x2xf32>
    %slice3A = vector.extract_strided_slice %exp3A {offsets = [0, 0], sizes = [1000, 1], strides = [1, 1]} : vector<1000x2xf32> to vector<1000x1xf32>
    %broadcast_in_dim3A = vector.shape_cast %slice3A : vector<1000x1xf32> to vector<1000x1xf32>
    %broadcast_in_dim3A_6 = vector.broadcast %broadcast_in_dim3A : vector<1000x1xf32> to vector<1000x64xf32>
    %slice3A_7 = vector.extract_strided_slice %exp3A {offsets = [0, 1], sizes = [1000, 1], strides = [1, 1]} : vector<1000x2xf32> to vector<1000x1xf32>
    %broadcast_in_dim3A_8 = vector.shape_cast %slice3A_7 : vector<1000x1xf32> to vector<1000x1xf32>
    %broadcast_in_dim3A_9 = vector.broadcast %broadcast_in_dim3A_8 : vector<1000x1xf32> to vector<1000x64xf32>
    %concatenate3A = tpu.concatenate %broadcast_in_dim3A_6, %broadcast_in_dim3A_9 in 1 : vector<1000x64xf32>, vector<1000x64xf32> -> vector<1000x128xf32>
    %broadcast_in_dim3A_10 = arith.constant 0.000000e+00 : f32
    %broadcast_in_dim3A_11 = vector.broadcast %broadcast_in_dim3A_10 : f32 to vector<1000x14xf32>
    %get3A_12 = arith.constant 0 : index
    %get3A_13 = arith.constant 0 : index
    %get3A_14 = vector.load %arg1[%get3A_12, %get3A_13] : memref<1000x128xf32, #tpu.memory_space<vmem>>, vector<1000x128xf32>
    %mul3A = arith.mulf %get3A_14, %concatenate3A : vector<1000x128xf32>
    %concatenate3A_15 = tpu.concatenate %mul3A, %exp3A, %broadcast_in_dim3A_11 in 1 : vector<1000x128xf32>, vector<1000x2xf32>, vector<1000x14xf32> -> vector<1000x144xf32>
    %swap3A = arith.constant 0 : index
    %swap3A_16 = arith.constant 0 : index
    %swap3A_17 = vector.load %arg4[%swap3A, %swap3A_16] : memref<1000x144xf32, #tpu.memory_space<vmem>>, vector<1000x144xf32>
    tpu.vector_store %arg4[%swap3A, %swap3A_16], %concatenate3A_15 {strides = array<i32>} : memref<1000x144xf32, #tpu.memory_space<vmem>>, vector<1000x144xf32>,
    return
  }
  func.func @transform_0(%arg0: i32) -> (i32, i32) {
    %c0_i32 = arith.constant 0 : i32
    %c0_i32_0 = arith.constant 0 : i32
    return %arg0, %c0_i32 : i32, i32
  }
  func.func @transform_1(%arg0: i32) -> (i32, i32) {
    %c0_i32 = arith.constant 0 : i32
    %c0_i32_0 = arith.constant 0 : i32
    return %arg0, %c0_i32 : i32, i32
  }
  func.func @transform_2(%arg0: i32) -> (i32, i32) {
    %c0_i32 = arith.constant 0 : i32
    %c0_i32_0 = arith.constant 0 : i32
    %c0_i32_1 = arith.constant 0 : i32
    return %c0_i32, %c0_i32_0 : i32, i32
  }
  func.func @transform_3(%arg0: i32) -> (i32, i32) {
    %c0_i32 = arith.constant 0 : i32
    %c0_i32_0 = arith.constant 0 : i32
    return %arg0, %c0_i32 : i32, i32
  }
}

module attributes {stable_mosaic.version = 14 : i64} {
  func.func @body(%arg0: i32, %arg1: memref<1000x144xf32, #tpu.memory_space<vmem>>, %arg2: memref<1000x144xf32, #tpu.memory_space<vmem>>, %arg3: memref<1000x144xf32, #tpu.memory_space<vmem>>, %arg4: memref<128x128xf32, #tpu.memory_space<vmem>>, %arg5: memref<1x128xf32, #tpu.memory_space<vmem>>, %arg6: memref<1000x128xf32, #tpu.memory_space<vmem>>, %arg7: memref<1000x2xf32, #tpu.memory_space<vmem>>) attributes {dimension_semantics = [#tpu.dimension_semantics<arbitrary>], iteration_bounds = array<i64: 10>, scalar_prefetch = 0 : i64, scratch_operands = 0 : i64, tpu.core_type = #tpu.core_type<tc>, window_params = [{transform_indices = @transform_0, window_bounds = array<i64: 1000, 144>}, {transform_indices = @transform_1, window_bounds = array<i64: 1000, 144>}, {transform_indices = @transform_2, window_bounds = array<i64: 1000, 144>}, {pipeline_mode = #tpu.pipeline_mode<synchronous>, transform_indices = @transform_3, window_bounds = array<i64: 128, 128>}, {pipeline_mode = #tpu.pipeline_mode<synchronous>, transform_indices = @transform_4, window_bounds = array<i64: 1, 128>}, {transform_indices = @transform_5, window_bounds = array<i64: 1000, 128>}, {transform_indices = @transform_6, window_bounds = array<i64: 1000, 2>}]} {
    %get3A = arith.constant 0 : index
    %get3A_0 = arith.constant 0 : index
    %get3A_1 = vector.load %arg1[%get3A, %get3A_0] : memref<1000x144xf32, #tpu.memory_space<vmem>>, vector<1000x144xf32>
    %get3A_2 = arith.constant 0 : index
    %get3A_3 = arith.constant 0 : index
    %get3A_4 = vector.load %arg2[%get3A_2, %get3A_3] : memref<1000x144xf32, #tpu.memory_space<vmem>>, vector<1000x144xf32>
    %get3A_5 = arith.constant 0 : index
    %get3A_6 = arith.constant 0 : index
    %get3A_7 = vector.load %arg3[%get3A_5, %get3A_6] : memref<1000x144xf32, #tpu.memory_space<vmem>>, vector<1000x144xf32>
    %add3A = arith.addf %get3A_1, %get3A_4 : vector<1000x144xf32>
    %add3A_8 = arith.addf %add3A, %get3A_7 : vector<1000x144xf32>
    %slice3A = vector.extract_strided_slice %add3A_8 {offsets = [0, 128], sizes = [1000, 2], strides = [1, 1]} : vector<1000x144xf32> to vector<1000x2xf32>
    %add3A_9 = arith.constant 1.000000e-16 : f32
    %add3A_10 = vector.broadcast %add3A_9 : f32 to vector<1000x2xf32>
    %add3A_11 = arith.addf %slice3A, %add3A_10 : vector<1000x2xf32>
    %slice3A_12 = vector.extract_strided_slice %add3A_11 {offsets = [0, 0], sizes = [1000, 1], strides = [1, 1]} : vector<1000x2xf32> to vector<1000x1xf32>
    %broadcast_in_dim3A = vector.shape_cast %slice3A_12 : vector<1000x1xf32> to vector<1000x1xf32>
    %broadcast_in_dim3A_13 = vector.broadcast %broadcast_in_dim3A : vector<1000x1xf32> to vector<1000x64xf32>
    %slice3A_14 = vector.extract_strided_slice %add3A_11 {offsets = [0, 1], sizes = [1000, 1], strides = [1, 1]} : vector<1000x2xf32> to vector<1000x1xf32>
    %broadcast_in_dim3A_15 = vector.shape_cast %slice3A_14 : vector<1000x1xf32> to vector<1000x1xf32>
    %broadcast_in_dim3A_16 = vector.broadcast %broadcast_in_dim3A_15 : vector<1000x1xf32> to vector<1000x64xf32>
    %concatenate3A = tpu.concatenate %broadcast_in_dim3A_13, %broadcast_in_dim3A_16 in 1 : vector<1000x64xf32>, vector<1000x64xf32> -> vector<1000x128xf32>
    %slice3A_17 = vector.extract_strided_slice %add3A_8 {offsets = [0, 0], sizes = [1000, 128], strides = [1, 1]} : vector<1000x144xf32> to vector<1000x128xf32>
    %div3A = arith.divf %slice3A_17, %concatenate3A : vector<1000x128xf32>
    %get3A_18 = arith.constant 0 : index
    %get3A_19 = arith.constant 0 : index
    %get3A_20 = vector.load %arg4[%get3A_18, %get3A_19] : memref<128x128xf32, #tpu.memory_space<vmem>>, vector<128x128xf32>
    %dot_general3A = arith.constant dense<0.000000e+00> : vector<1000x128xf32>
    %dot_general3A_21 = tpu.matmul %div3A, %get3A_20, %dot_general3A {dimension_numbers = #tpu.dot_dimension_numbers<[1], [0], [0], [1], [0, 0, 1, 1], [], []>, transpose_lhs_hint = false} : vector<1000x128xf32>, vector<128x128xf32>, vector<1000x128xf32> -> vector<1000x128xf32>
    %swap3A = arith.constant 0 : index
    %swap3A_22 = arith.constant 0 : index
    %swap3A_23 = vector.load %arg6[%swap3A, %swap3A_22] : memref<1000x128xf32, #tpu.memory_space<vmem>>, vector<1000x128xf32>
    tpu.vector_store %arg6[%swap3A, %swap3A_22], %dot_general3A_21 {strides = array<i32>} : memref<1000x128xf32, #tpu.memory_space<vmem>>, vector<1000x128xf32>,
    %get3A_24 = arith.constant 0 : index
    %get3A_25 = arith.constant 0 : index
    %get3A_26 = vector.load %arg5[%get3A_24, %get3A_25] : memref<1x128xf32, #tpu.memory_space<vmem>>, vector<1x128xf32>
    %mul3A = vector.broadcast %get3A_26 : vector<1x128xf32> to vector<1000x128xf32>
    %mul3A_27 = arith.mulf %dot_general3A_21, %mul3A : vector<1000x128xf32>
    %slice3A_28 = vector.extract_strided_slice %mul3A_27 {offsets = [0, 0], sizes = [1000, 64], strides = [1, 1]} : vector<1000x128xf32> to vector<1000x64xf32>
    %reduce_sum3A = arith.constant dense<0.000000e+00> : vector<1000xf32>
    %reduce_sum3A_29 = vector.multi_reduction <add>, %slice3A_28, %reduce_sum3A [1] : vector<1000x64xf32> to vector<1000xf32>
    %broadcast_in_dim3A_30 = vector.shape_cast %reduce_sum3A_29 : vector<1000xf32> to vector<1000x1xf32>
    %slice3A_31 = vector.extract_strided_slice %mul3A_27 {offsets = [0, 64], sizes = [1000, 64], strides = [1, 1]} : vector<1000x128xf32> to vector<1000x64xf32>
    %reduce_sum3A_32 = arith.constant dense<0.000000e+00> : vector<1000xf32>
    %reduce_sum3A_33 = vector.multi_reduction <add>, %slice3A_31, %reduce_sum3A_32 [1] : vector<1000x64xf32> to vector<1000xf32>
    %broadcast_in_dim3A_34 = vector.shape_cast %reduce_sum3A_33 : vector<1000xf32> to vector<1000x1xf32>
    %concatenate3A_35 = tpu.concatenate %broadcast_in_dim3A_30, %broadcast_in_dim3A_34 in 1 : vector<1000x1xf32>, vector<1000x1xf32> -> vector<1000x2xf32>
    %swap3A_36 = arith.constant 0 : index
    %swap3A_37 = arith.constant 0 : index
    %swap3A_38 = vector.load %arg7[%swap3A_36, %swap3A_37] : memref<1000x2xf32, #tpu.memory_space<vmem>>, vector<1000x2xf32>
    tpu.vector_store %arg7[%swap3A_36, %swap3A_37], %concatenate3A_35 {strides = array<i32>} : memref<1000x2xf32, #tpu.memory_space<vmem>>, vector<1000x2xf32>,
    return
  }
  func.func @transform_0(%arg0: i32) -> (i32, i32) {
    %c0_i32 = arith.constant 0 : i32
    %c0_i32_0 = arith.constant 0 : i32
    return %arg0, %c0_i32 : i32, i32
  }
  func.func @transform_1(%arg0: i32) -> (i32, i32) {
    %add3A = arith.constant 10 : i32
    %add3A_0 = arith.addi %arg0, %add3A : i32
    %c0_i32 = arith.constant 0 : i32
    %c0_i32_1 = arith.constant 0 : i32
    return %add3A_0, %c0_i32 : i32, i32
  }
  func.func @transform_2(%arg0: i32) -> (i32, i32) {
    %c0_i32 = arith.constant 0 : i32
    %c0_i32_0 = arith.constant 0 : i32
    return %arg0, %c0_i32 : i32, i32
  }
  func.func @transform_3(%arg0: i32) -> (i32, i32) {
    %c0_i32 = arith.constant 0 : i32
    %c0_i32_0 = arith.constant 0 : i32
    %c0_i32_1 = arith.constant 0 : i32
    return %c0_i32, %c0_i32_0 : i32, i32
  }
  func.func @transform_4(%arg0: i32) -> (i32, i32) {
    %c0_i32 = arith.constant 0 : i32
    %c0_i32_0 = arith.constant 0 : i32
    %c0_i32_1 = arith.constant 0 : i32
    return %c0_i32, %c0_i32_0 : i32, i32
  }
  func.func @transform_5(%arg0: i32) -> (i32, i32) {
    %c0_i32 = arith.constant 0 : i32
    %c0_i32_0 = arith.constant 0 : i32
    return %arg0, %c0_i32 : i32, i32
  }
  func.func @transform_6(%arg0: i32) -> (i32, i32) {
    %c0_i32 = arith.constant 0 : i32
    %c0_i32_0 = arith.constant 0 : i32
    return %arg0, %c0_i32 : i32, i32
  }
}

module attributes {stable_mosaic.version = 14 : i64} {
  func.func @body(%arg0: i32, %arg1: memref<1000x144xf32, #tpu.memory_space<vmem>>, %arg2: memref<1000x144xf32, #tpu.memory_space<vmem>>, %arg3: memref<1000x144xf32, #tpu.memory_space<vmem>>, %arg4: memref<128x64xf32, #tpu.memory_space<vmem>>, %arg5: memref<1x64xf32, #tpu.memory_space<vmem>>, %arg6: memref<1000x64xf32, #tpu.memory_space<vmem>>, %arg7: memref<1000x1xf32, #tpu.memory_space<vmem>>) attributes {dimension_semantics = [#tpu.dimension_semantics<arbitrary>], iteration_bounds = array<i64: 10>, scalar_prefetch = 0 : i64, scratch_operands = 0 : i64, tpu.core_type = #tpu.core_type<tc>, window_params = [{transform_indices = @transform_0, window_bounds = array<i64: 1000, 144>}, {transform_indices = @transform_1, window_bounds = array<i64: 1000, 144>}, {transform_indices = @transform_2, window_bounds = array<i64: 1000, 144>}, {pipeline_mode = #tpu.pipeline_mode<synchronous>, transform_indices = @transform_3, window_bounds = array<i64: 128, 64>}, {pipeline_mode = #tpu.pipeline_mode<synchronous>, transform_indices = @transform_4, window_bounds = array<i64: 1, 64>}, {transform_indices = @transform_5, window_bounds = array<i64: 1000, 64>}, {transform_indices = @transform_6, window_bounds = array<i64: 1000, 1>}]} {
    %get3A = arith.constant 0 : index
    %get3A_0 = arith.constant 0 : index
    %get3A_1 = vector.load %arg1[%get3A, %get3A_0] : memref<1000x144xf32, #tpu.memory_space<vmem>>, vector<1000x144xf32>
    %get3A_2 = arith.constant 0 : index
    %get3A_3 = arith.constant 0 : index
    %get3A_4 = vector.load %arg2[%get3A_2, %get3A_3] : memref<1000x144xf32, #tpu.memory_space<vmem>>, vector<1000x144xf32>
    %get3A_5 = arith.constant 0 : index
    %get3A_6 = arith.constant 0 : index
    %get3A_7 = vector.load %arg3[%get3A_5, %get3A_6] : memref<1000x144xf32, #tpu.memory_space<vmem>>, vector<1000x144xf32>
    %add3A = arith.addf %get3A_1, %get3A_4 : vector<1000x144xf32>
    %add3A_8 = arith.addf %add3A, %get3A_7 : vector<1000x144xf32>
    %slice3A = vector.extract_strided_slice %add3A_8 {offsets = [0, 128], sizes = [1000, 2], strides = [1, 1]} : vector<1000x144xf32> to vector<1000x2xf32>
    %add3A_9 = arith.constant 1.000000e-16 : f32
    %add3A_10 = vector.broadcast %add3A_9 : f32 to vector<1000x2xf32>
    %add3A_11 = arith.addf %slice3A, %add3A_10 : vector<1000x2xf32>
    %slice3A_12 = vector.extract_strided_slice %add3A_11 {offsets = [0, 0], sizes = [1000, 1], strides = [1, 1]} : vector<1000x2xf32> to vector<1000x1xf32>
    %broadcast_in_dim3A = vector.shape_cast %slice3A_12 : vector<1000x1xf32> to vector<1000x1xf32>
    %broadcast_in_dim3A_13 = vector.broadcast %broadcast_in_dim3A : vector<1000x1xf32> to vector<1000x64xf32>
    %slice3A_14 = vector.extract_strided_slice %add3A_11 {offsets = [0, 1], sizes = [1000, 1], strides = [1, 1]} : vector<1000x2xf32> to vector<1000x1xf32>
    %broadcast_in_dim3A_15 = vector.shape_cast %slice3A_14 : vector<1000x1xf32> to vector<1000x1xf32>
    %broadcast_in_dim3A_16 = vector.broadcast %broadcast_in_dim3A_15 : vector<1000x1xf32> to vector<1000x64xf32>
    %concatenate3A = tpu.concatenate %broadcast_in_dim3A_13, %broadcast_in_dim3A_16 in 1 : vector<1000x64xf32>, vector<1000x64xf32> -> vector<1000x128xf32>
    %slice3A_17 = vector.extract_strided_slice %add3A_8 {offsets = [0, 0], sizes = [1000, 128], strides = [1, 1]} : vector<1000x144xf32> to vector<1000x128xf32>
    %div3A = arith.divf %slice3A_17, %concatenate3A : vector<1000x128xf32>
    %get3A_18 = arith.constant 0 : index
    %get3A_19 = arith.constant 0 : index
    %get3A_20 = vector.load %arg4[%get3A_18, %get3A_19] : memref<128x64xf32, #tpu.memory_space<vmem>>, vector<128x64xf32>
    %dot_general3A = arith.constant dense<0.000000e+00> : vector<1000x64xf32>
    %dot_general3A_21 = tpu.matmul %div3A, %get3A_20, %dot_general3A {dimension_numbers = #tpu.dot_dimension_numbers<[1], [0], [0], [1], [0, 0, 1, 1], [], []>, transpose_lhs_hint = false} : vector<1000x128xf32>, vector<128x64xf32>, vector<1000x64xf32> -> vector<1000x64xf32>
    %swap3A = arith.constant 0 : index
    %swap3A_22 = arith.constant 0 : index
    %swap3A_23 = vector.load %arg6[%swap3A, %swap3A_22] : memref<1000x64xf32, #tpu.memory_space<vmem>>, vector<1000x64xf32>
    tpu.vector_store %arg6[%swap3A, %swap3A_22], %dot_general3A_21 {strides = array<i32>} : memref<1000x64xf32, #tpu.memory_space<vmem>>, vector<1000x64xf32>,
    %get3A_24 = arith.constant 0 : index
    %get3A_25 = arith.constant 0 : index
    %get3A_26 = vector.load %arg5[%get3A_24, %get3A_25] : memref<1x64xf32, #tpu.memory_space<vmem>>, vector<1x64xf32>
    %mul3A = vector.broadcast %get3A_26 : vector<1x64xf32> to vector<1000x64xf32>
    %mul3A_27 = arith.mulf %dot_general3A_21, %mul3A : vector<1000x64xf32>
    %reduce_sum3A = arith.constant dense<0.000000e+00> : vector<1000xf32>
    %reduce_sum3A_28 = vector.multi_reduction <add>, %mul3A_27, %reduce_sum3A [1] : vector<1000x64xf32> to vector<1000xf32>
    %broadcast_in_dim3A_29 = vector.shape_cast %reduce_sum3A_28 : vector<1000xf32> to vector<1000x1xf32>
    %swap3A_30 = arith.constant 0 : index
    %swap3A_31 = arith.constant 0 : index
    %swap3A_32 = vector.load %arg7[%swap3A_30, %swap3A_31] : memref<1000x1xf32, #tpu.memory_space<vmem>>, vector<1000x1xf32>
    tpu.vector_store %arg7[%swap3A_30, %swap3A_31], %broadcast_in_dim3A_29 {strides = array<i32>} : memref<1000x1xf32, #tpu.memory_space<vmem>>, vector<1000x1xf32>,
    return
  }
  func.func @transform_0(%arg0: i32) -> (i32, i32) {
    %c0_i32 = arith.constant 0 : i32
    %c0_i32_0 = arith.constant 0 : i32
    return %arg0, %c0_i32 : i32, i32
  }
  func.func @transform_1(%arg0: i32) -> (i32, i32) {
    %add3A = arith.constant 10 : i32
    %add3A_0 = arith.addi %arg0, %add3A : i32
    %c0_i32 = arith.constant 0 : i32
    %c0_i32_1 = arith.constant 0 : i32
    return %add3A_0, %c0_i32 : i32, i32
  }
  func.func @transform_2(%arg0: i32) -> (i32, i32) {
    %c0_i32 = arith.constant 0 : i32
    %c0_i32_0 = arith.constant 0 : i32
    return %arg0, %c0_i32 : i32, i32
  }
  func.func @transform_3(%arg0: i32) -> (i32, i32) {
    %c0_i32 = arith.constant 0 : i32
    %c0_i32_0 = arith.constant 0 : i32
    %c0_i32_1 = arith.constant 0 : i32
    return %c0_i32, %c0_i32_0 : i32, i32
  }
  func.func @transform_4(%arg0: i32) -> (i32, i32) {
    %c0_i32 = arith.constant 0 : i32
    %c0_i32_0 = arith.constant 0 : i32
    %c0_i32_1 = arith.constant 0 : i32
    return %c0_i32, %c0_i32_0 : i32, i32
  }
  func.func @transform_5(%arg0: i32) -> (i32, i32) {
    %c0_i32 = arith.constant 0 : i32
    %c0_i32_0 = arith.constant 0 : i32
    return %arg0, %c0_i32 : i32, i32
  }
  func.func @transform_6(%arg0: i32) -> (i32, i32) {
    %c0_i32 = arith.constant 0 : i32
    %c0_i32_0 = arith.constant 0 : i32
    return %arg0, %c0_i32 : i32, i32
  }
}

module attributes {stable_mosaic.version = 14 : i64} {
  func.func @body(%arg0: i32, %arg1: memref<1000x64xf32, #tpu.memory_space<vmem>>, %arg2: memref<1000x1xf32, #tpu.memory_space<vmem>>, %arg3: memref<1x1xf32, #tpu.memory_space<vmem>>, %arg4: memref<1000x80xf32, #tpu.memory_space<vmem>>) attributes {dimension_semantics = [#tpu.dimension_semantics<arbitrary>], iteration_bounds = array<i64: 10>, scalar_prefetch = 0 : i64, scratch_operands = 0 : i64, tpu.core_type = #tpu.core_type<tc>, window_params = [{transform_indices = @transform_0, window_bounds = array<i64: 1000, 64>}, {transform_indices = @transform_1, window_bounds = array<i64: 1000, 1>}, {pipeline_mode = #tpu.pipeline_mode<synchronous>, transform_indices = @transform_2, window_bounds = array<i64: 1, 1>}, {transform_indices = @transform_3, window_bounds = array<i64: 1000, 80>}]} {
    %get3A = arith.constant 0 : index
    %get3A_0 = arith.constant 0 : index
    %get3A_1 = vector.load %arg2[%get3A, %get3A_0] : memref<1000x1xf32, #tpu.memory_space<vmem>>, vector<1000x1xf32>
    %get3A_2 = arith.constant 0 : index
    %get3A_3 = arith.constant 0 : index
    %get3A_4 = vector.load %arg3[%get3A_2, %get3A_3] : memref<1x1xf32, #tpu.memory_space<vmem>>, vector<1x1xf32>
    %sub3A = vector.broadcast %get3A_4 : vector<1x1xf32> to vector<1000x1xf32>
    %sub3A_5 = arith.subf %get3A_1, %sub3A : vector<1000x1xf32>
    %exp3A = math.exp %sub3A_5 : vector<1000x1xf32>
    %broadcast_in_dim3A = vector.shape_cast %exp3A : vector<1000x1xf32> to vector<1000x1xf32>
    %broadcast_in_dim3A_6 = vector.broadcast %broadcast_in_dim3A : vector<1000x1xf32> to vector<1000x64xf32>
    %broadcast_in_dim3A_7 = arith.constant 0.000000e+00 : f32
    %broadcast_in_dim3A_8 = vector.broadcast %broadcast_in_dim3A_7 : f32 to vector<1000x15xf32>
    %get3A_9 = arith.constant 0 : index
    %get3A_10 = arith.constant 0 : index
    %get3A_11 = vector.load %arg1[%get3A_9, %get3A_10] : memref<1000x64xf32, #tpu.memory_space<vmem>>, vector<1000x64xf32>
    %mul3A = arith.mulf %get3A_11, %broadcast_in_dim3A_6 : vector<1000x64xf32>
    %concatenate3A = tpu.concatenate %mul3A, %exp3A, %broadcast_in_dim3A_8 in 1 : vector<1000x64xf32>, vector<1000x1xf32>, vector<1000x15xf32> -> vector<1000x80xf32>
    %swap3A = arith.constant 0 : index
    %swap3A_12 = arith.constant 0 : index
    %swap3A_13 = vector.load %arg4[%swap3A, %swap3A_12] : memref<1000x80xf32, #tpu.memory_space<vmem>>, vector<1000x80xf32>
    tpu.vector_store %arg4[%swap3A, %swap3A_12], %concatenate3A {strides = array<i32>} : memref<1000x80xf32, #tpu.memory_space<vmem>>, vector<1000x80xf32>,
    return
  }
  func.func @transform_0(%arg0: i32) -> (i32, i32) {
    %c0_i32 = arith.constant 0 : i32
    %c0_i32_0 = arith.constant 0 : i32
    return %arg0, %c0_i32 : i32, i32
  }
  func.func @transform_1(%arg0: i32) -> (i32, i32) {
    %c0_i32 = arith.constant 0 : i32
    %c0_i32_0 = arith.constant 0 : i32
    return %arg0, %c0_i32 : i32, i32
  }
  func.func @transform_2(%arg0: i32) -> (i32, i32) {
    %c0_i32 = arith.constant 0 : i32
    %c0_i32_0 = arith.constant 0 : i32
    %c0_i32_1 = arith.constant 0 : i32
    return %c0_i32, %c0_i32_0 : i32, i32
  }
  func.func @transform_3(%arg0: i32) -> (i32, i32) {
    %c0_i32 = arith.constant 0 : i32
    %c0_i32_0 = arith.constant 0 : i32
    return %arg0, %c0_i32 : i32, i32
  }
}

module attributes {stable_mosaic.version = 14 : i64} {
  func.func @body(%arg0: i32, %arg1: memref<1000x80xf32, #tpu.memory_space<vmem>>, %arg2: memref<1000x80xf32, #tpu.memory_space<vmem>>, %arg3: memref<1000x80xf32, #tpu.memory_space<vmem>>, %arg4: memref<1000x64xf32, #tpu.memory_space<vmem>>) attributes {dimension_semantics = [#tpu.dimension_semantics<arbitrary>], iteration_bounds = array<i64: 10>, scalar_prefetch = 0 : i64, scratch_operands = 0 : i64, tpu.core_type = #tpu.core_type<tc>, window_params = [{transform_indices = @transform_0, window_bounds = array<i64: 1000, 80>}, {transform_indices = @transform_1, window_bounds = array<i64: 1000, 80>}, {transform_indices = @transform_2, window_bounds = array<i64: 1000, 80>}, {transform_indices = @transform_3, window_bounds = array<i64: 1000, 64>}]} {
    %get3A = arith.constant 0 : index
    %get3A_0 = arith.constant 0 : index
    %get3A_1 = vector.load %arg1[%get3A, %get3A_0] : memref<1000x80xf32, #tpu.memory_space<vmem>>, vector<1000x80xf32>
    %get3A_2 = arith.constant 0 : index
    %get3A_3 = arith.constant 0 : index
    %get3A_4 = vector.load %arg2[%get3A_2, %get3A_3] : memref<1000x80xf32, #tpu.memory_space<vmem>>, vector<1000x80xf32>
    %get3A_5 = arith.constant 0 : index
    %get3A_6 = arith.constant 0 : index
    %get3A_7 = vector.load %arg3[%get3A_5, %get3A_6] : memref<1000x80xf32, #tpu.memory_space<vmem>>, vector<1000x80xf32>
    %add3A = arith.addf %get3A_1, %get3A_4 : vector<1000x80xf32>
    %add3A_8 = arith.addf %add3A, %get3A_7 : vector<1000x80xf32>
    %slice3A = vector.extract_strided_slice %add3A_8 {offsets = [0, 64], sizes = [1000, 1], strides = [1, 1]} : vector<1000x80xf32> to vector<1000x1xf32>
    %add3A_9 = arith.constant 1.000000e-16 : f32
    %add3A_10 = vector.broadcast %add3A_9 : f32 to vector<1000x1xf32>
    %add3A_11 = arith.addf %slice3A, %add3A_10 : vector<1000x1xf32>
    %broadcast_in_dim3A = vector.shape_cast %add3A_11 : vector<1000x1xf32> to vector<1000x1xf32>
    %broadcast_in_dim3A_12 = vector.broadcast %broadcast_in_dim3A : vector<1000x1xf32> to vector<1000x64xf32>
    %slice3A_13 = vector.extract_strided_slice %add3A_8 {offsets = [0, 0], sizes = [1000, 64], strides = [1, 1]} : vector<1000x80xf32> to vector<1000x64xf32>
    %div3A = arith.divf %slice3A_13, %broadcast_in_dim3A_12 : vector<1000x64xf32>
    %swap3A = arith.constant 0 : index
    %swap3A_14 = arith.constant 0 : index
    %swap3A_15 = vector.load %arg4[%swap3A, %swap3A_14] : memref<1000x64xf32, #tpu.memory_space<vmem>>, vector<1000x64xf32>
    tpu.vector_store %arg4[%swap3A, %swap3A_14], %div3A {strides = array<i32>} : memref<1000x64xf32, #tpu.memory_space<vmem>>, vector<1000x64xf32>,
    return
  }
  func.func @transform_0(%arg0: i32) -> (i32, i32) {
    %c0_i32 = arith.constant 0 : i32
    %c0_i32_0 = arith.constant 0 : i32
    return %arg0, %c0_i32 : i32, i32
  }
  func.func @transform_1(%arg0: i32) -> (i32, i32) {
    %add3A = arith.constant 10 : i32
    %add3A_0 = arith.addi %arg0, %add3A : i32
    %c0_i32 = arith.constant 0 : i32
    %c0_i32_1 = arith.constant 0 : i32
    return %add3A_0, %c0_i32 : i32, i32
  }
  func.func @transform_2(%arg0: i32) -> (i32, i32) {
    %c0_i32 = arith.constant 0 : i32
    %c0_i32_0 = arith.constant 0 : i32
    return %arg0, %c0_i32 : i32, i32
  }
  func.func @transform_3(%arg0: i32) -> (i32, i32) {
    %c0_i32 = arith.constant 0 : i32
    %c0_i32_0 = arith.constant 0 : i32
    return %arg0, %c0_i32 : i32, i32
  }
}

</mosaic_0001>

<sc_bundles>
// kernel: kernel.12.cloned.1.call-start
scs
__scs_entry_jumppad:
0x0: {  	(pc) =	sbr.rel $0x88, $3  }
0x1: {  	(tag) =	ssettag $0x0;
	lr =	simm.s32 $0x1  }
0x2: {  	[smem:$0x3F99] =	sst lr;
	_ =	strace $0xD0000000  }
0x3: {  	_ = 	snop  }
0x4: {  	_ = 	snop  }
0x5: {  	_ = 	snop  }
0x6: {  	_ = 	snop  }
0x7: {  	_ = 	snop  }
__scs_overlays_trampoline_lowered:
0x8: {  	[smem:$0x3FA8] =	sst s0  }
0x9: {  	[smem:$0x3FA9] =	sst s1  }
0xa: {  	[smem:$0x3FAA] =	sst s2  }
0xb: {  	[smem:$0x3FAB] =	sst s3  }
0xc: {  	[smem:$0x3FAC] =	sst s4  }
0xd: {  	[smem:$0x3FAD] =	sst s5  }
0xe: {  	[smem:$0x3FAE] =	sst s6  }
0xf: {  	[smem:$0x3FAF] =	sst s7  }
0x10: {  	[smem:$0x3FB0] =	sst s8  }
0x11: {  	[smem:$0x3FB1] =	sst s9;
	s0 =	simm.s32 @!p0 $0x0  }
0x12: {  	s1 =	sld [smem:$0x3F97];
	s0 =	simm.s32 @p0 $0x1  }
0x13: {  	[smem:$0x3FB2] =	sst s0;
	s0 =	simm.s32 @!p1 $0x0  }
0x14: {  	s2 =	sld [smem:$0x3F96];
	s0 =	simm.s32 @p1 $0x1  }
0x15: {  	[smem:$0x3FB3] =	sst s0;
	s0 =	simm.s32 @!p2 $0x0  }
0x16: {  	s3 =	sld [smem:$0x3FDB];
	s0 =	simm.s32 @p2 $0x1  }
0x17: {  	s4 =	simm.s32 $0x1BF5;
	[smem:$0x3FB5] =	sst s0  }
0x18: {  	s0 =	sld [smem:$0x3F98];
	_ =	swait.ge [sflag:s4], $0x0  }
0x19: {  	s7 =	sld [smem:$0x3F99]  }
0x1a: {  	s8 =	sadd.s32 $0xFFFFE003, lr  }
0x1b: {  	s9 =	sadd.s32 $0xFFFFFEF7, lr;
	s5 =	simm.s32 $0xFFFFFFFF;
	p2 =	slt.u32 s8, $0xFFFFF086  }
0x1c: {  	p1 =	slt.u32 s9, $0xF7A;
	s5 =	simm.s32 @!p2 $0x0  }
0x1d: {  	s5 =	simm.s32 @p1 $0x1;
	p0 =	seq.s32 s7, s2  }
0x1e: {  	s7 =	smul.u32 @!p0 $0xF7A, s2;
	p2 =	seq.s32 @!p0 s5, $0x0  }
0x1f: {  	s9 =	smul.u32 $0xF7A, s1;
	s8 =	simm.s32 @!p0 $0x1BF5;
	p2 =	por !p2, p0  }
0x20: {  	[sflag:s8] =	ssyncset.s32 @!p0 $0xFFFFF086;
	s6 =	sadd.s32 @!p0 s3, s7;
	s7 =	simm.s32 @!p0 $0x108  }
0x21: {  	s3 =	sadd.s32 s3, s9;
	s6 =	sadd.s32 @!p0 $0x88, s6;
	s7 =	simm.s32 @p2 $0x1082  }
0x22: {  	[simem:s7], [sflag:s8] =	dma.local @!p0 [hbm:s6], $0xF7A  }
0x23: {  	s9 =	sor.u32 $0xD0000000, s2;
	s6 =	simm.s32 $0x108;
	_ =	swait.ge @!p0 [sflag:s8], $0x0  }
0x24: {  	s3 =	sadd.s32 $0x88, s3;
	s6 =	simm.s32 @!p1 $0x1082;
	[sflag:s4] =	ssyncset.s32 $0xFFFFF086  }
0x25: {  	[simem:s6], [sflag:s4] =	dma.local [hbm:s3], $0xF7A  }
0x26: {  	[smem:$0x3F99] =	sst s1;
	(tag) =	ssettag s2;
	_ =	strace s9  }
0x27: {  	s1 =	sld [smem:$0x3FA9]  }
0x28: {  	s2 =	sld [smem:$0x3FAA]  }
0x29: {  	s4 =	sld [smem:$0x3FAC]  }
0x2a: {  	p0 =	seq.s32 s5, $0x0;
	s5 =	sld [smem:$0x3FAD]  }
0x2b: {  	s6 =	sld [smem:$0x3FAE]  }
0x2c: {  	s7 =	sld [smem:$0x3FAF]  }
0x2d: {  	s3 =	simm.s32 $0x108;
	s8 =	sld [smem:$0x3FB0]  }
0x2e: {  	s3 =	simm.s32 @!p0 $0x1082;
	s9 =	sld [smem:$0x3FB1]  }
0x2f: {  	lr =	sadd.s32 s0, s3;
	s0 =	sld [smem:$0x3FA8]  }
0x30: {  	s3 =	sld [smem:$0x3FAB]  }
0x31: {  	[smem:$0x3FB4] =	sst s10  }
0x32: {  	s10 =	sld [smem:$0x3FB2];
	_ =	sdelay $0x3  }
0x33: {  	p0 =	seq.s32 s10, $0x1;
	s10 =	sld [smem:$0x3FB4];
	_ =	sdelay $0x3  }
0x34: {  	[smem:$0x3FB4] =	sst s10  }
0x35: {  	s10 =	sld [smem:$0x3FB3];
	_ =	sdelay $0x3  }
0x36: {  	p1 =	seq.s32 s10, $0x1;
	s10 =	sld [smem:$0x3FB4];
	_ =	sdelay $0x3  }
0x37: {  	[smem:$0x3FB4] =	sst s10  }
0x38: {  	s10 =	sld [smem:$0x3FB5]  }
0x39: {  	_ = 	snop;
	(pc) =	sbr.ind lr, $3  }
0x3a: {  	_ = 	snop  }
0x3b: {  	_ = 	snop  }
0x3c: {  	p2 =	seq.s32 s10, $0x1;
	s10 =	sld [smem:$0x3FB4]  }
0x3d: {  	_ =	shalt  }
0x3e: {  	_ =	shalt  }
0x3f: {  	_ =	shalt  }
0x40: {  	_ =	shalt  }
0x41: {  	_ =	shalt  }
0x42: {  	_ =	shalt  }
0x43: {  	_ =	shalt  }
0x44: {  	_ =	shalt  }
0x45: {  	_ =	shalt  }
0x46: {  	_ =	shalt  }
0x47: {  	_ =	shalt  }
0x48: {  	_ =	shalt  }
0x49: {  	_ =	shalt  }
0x4a: {  	_ =	shalt  }
0x4b: {  	_ =	shalt  }
0x4c: {  	_ =	shalt  }
0x4d: {  	_ =	shalt  }
0x4e: {  	_ =	shalt  }
0x4f: {  	_ =	shalt  }
0x50: {  	_ =	shalt  }
0x51: {  	_ =	shalt  }
0x52: {  	_ =	shalt  }
0x53: {  	_ =	shalt  }
0x54: {  	_ =	shalt  }
0x55: {  	_ =	shalt  }
0x56: {  	_ =	shalt  }
0x57: {  	_ =	shalt  }
0x58: {  	_ =	shalt  }
0x59: {  	_ =	shalt  }
0x5a: {  	_ =	shalt  }
0x5b: {  	_ =	shalt  }
0x5c: {  	_ =	shalt  }
0x5d: {  	_ =	shalt  }
0x5e: {  	_ =	shalt  }
0x5f: {  	_ =	shalt  }
0x60: {  	_ =	shalt  }
0x61: {  	_ =	shalt  }
0x62: {  	_ =	shalt  }
0x63: {  	_ =	shalt  }
0x64: {  	_ =	shalt  }
0x65: {  	_ =	shalt  }
0x66: {  	_ =	shalt  }
0x67: {  	_ =	shalt  }
0x68: {  	_ =	shalt  }
0x69: {  	_ =	shalt  }
0x6a: {  	_ =	shalt  }
0x6b: {  	_ =	shalt  }
0x6c: {  	_ =	shalt  }
0x6d: {  	_ =	shalt  }
0x6e: {  	_ =	shalt  }
0x6f: {  	_ =	shalt  }
0x70: {  	_ =	shalt  }
0x71: {  	_ =	shalt  }
0x72: {  	_ =	shalt  }
0x73: {  	_ =	shalt  }
0x74: {  	_ =	shalt  }
0x75: {  	_ =	shalt  }
0x76: {  	_ =	shalt  }
0x77: {  	_ =	shalt  }
0x78: {  	_ =	shalt  }
0x79: {  	_ =	shalt  }
0x7a: {  	_ =	shalt  }
0x7b: {  	_ =	shalt  }
0x7c: {  	_ =	shalt  }
0x7d: {  	_ =	shalt  }
0x7e: {  	_ =	shalt  }
0x7f: {  	_ =	shalt  }
0x80: {  	_ =	shalt  }
0x81: {  	_ =	shalt  }
0x82: {  	_ =	shalt  }
0x83: {  	_ =	shalt  }
0x84: {  	_ =	shalt  }
0x85: {  	_ =	shalt  }
0x86: {  	_ =	shalt  }
0x87: {  	_ =	shalt  }
.Lfunc_end0:
.L_simem_size_0:
called_computation_lowered:
.L_overlay_start_0:
0x88: {  	s2 =	sld [smem:$0x3FD9]  }
0x89: {  	s3 =	sld [smem:$0x3FFE];
	_ =	sdelay $0x1  }
0x8a: {  	s1 =	srdreg.scid  }
0x8b: {  	s0 =	sand.u32 $0x1, s1  }
0x8c: {  	s17 =	sshll.u32 s0, $0xA;
	s2 =	sadd.s32 s3, s2  }
0x8d: {  	s2 =	sadd.s32 s2, s17  }
0x8e: {  	[smem:$0x3FC0] =	sst s2  }
0x8f: {  	_ = 	snop  }
0x90: {  	s2 =	sld [smem:$0x3FD0];
	(tm) =	ssettm $0x1  }
0x91: {  	s18 =	sld [smem:$0x3FFB];
	_ =	sdelay $0x3  }
0x92: {  	_ =	strace s18  }
0x93: {  	s3 =	sld [smem:$0x3FFC];
	_ =	sdelay $0x3  }
0x94: {  	_ =	strace s3  }
0x95: {  	s3 =	sld [smem:$0x3FFD];
	_ =	sdelay $0x3  }
0x96: {  	_ =	strace s3  }
0x97: {  	_ =	strace $0x8FFFFFFF  }
0x98: {  	s19 =	sld [smem:$0x3FDB];
	_ =	sdelay $0x1  }
0x99: {  	s4 =	simm.s32 $_scs_section_size  }
0x9a: {  	s5 =	simm.s32 $_size__tile_overlayer_lowered;
	s6 =	simm.s32 $_tile_overlayer_lowered  }
0x9b: {  	s22 =	simm.s32 $0x1BFF;
	s21 =	sshll.u32 s6, $0x1;
	s3 =	sadd.s32 s4, s19  }
0x9c: {  	s7 =	simm.s32 $0x0;
	s20 =	sshll.u32 s5, $0x1;
	s5 =	sadd.s32 s21, s3  }
0x9d: {  	[timem:s7], [sflag:s22] =	dma.local [hbm:s5], s20  }
0x9e: {  	_ =	swait.ge [sflag:s22], s20  }
0x9f: {  	s4 =	ssub.s32 $0x0, s20;
	[sflag:s22] =	ssyncset.done $0x0  }
0xa0: {  	[sflag:s22] =	ssyncadd.s32 s4;
	_ =	sdelay $0x1  }
0xa1: {  	s23 =	simm.s32 $0x1B8B  }
0xa2: {  	_ =	swait.ge [sflag:s23], $0x1  }
0xa3: {  	[sflag:s23] =	ssyncset.done $0x0  }
0xa4: {  	s25 =	simm.s32 $0x1B8E;
	s24 =	sld [smem:$0x3FFE];
	[sflag:s23] =	ssyncadd.s32 $0xFFFFFFFF  }
0xa5: {  	s26 =	simm.s32 $execute0_lowered;
	[smem:$0x3FD2] =	sst s25  }
0xa6: {  	s5 =	sshll.u32 s26, $0x1;
	_ =	strace $0x80000046;
	[dreg:$0x1] =	wrdreg $0xFFFFFFFF  }
0xa7: {  	s28 =	simm.s32 $_size_execute0_lowered;
	s3 =	sadd.s32 s3, s5;
	[dreg:$0x0] =	wrdreg $0x0  }
0xa8: {  	s5 =	sshll.u32 s28, $0x1;
	[dreg:$0x2] =	wrdreg s3  }
0xa9: {  	[dreg:$0x3] =	wrdreg s5  }
0xaa: {  	[dreg:$0x4] =	wrdreg $0xC0  }
0xab: {  	_ =	task [dreg:s7], $0x5FFFF  }
0xac: {  	[dreg:$0x1] =	wrdreg $0xFFFFFFFF  }
0xad: {  	[dreg:$0x0] =	wrdreg $0x60  }
0xae: {  	[dreg:$0x2] =	wrdreg s24  }
0xaf: {  	[dreg:$0x3] =	wrdreg s2  }
0xb0: {  	[dreg:$0x4] =	wrdreg $0x7B200  }
0xb1: {  	[dreg:$0x5] =	wrdreg $0x9  }
0xb2: {  	_ =	task.clear_ibuf [dreg:s7], $0x6FFFF;
	_ =	strace $0x90000046  }
0xb3: {  	s29 =	simm.s32 $0x9;
	_ =	strace $0x80000048  }
0xb4: {  	_ =	swait.ge [sflag:s29], $0x1  }
0xb5: {  	[sflag:s29] =	ssyncadd.s32 $0xFFFFFFFF  }
0xb6: {  	_ =	strace $0x90000048  }
0xb7: {  	_ =	sfence  }
0xb8: {  	s30 =	sld [smem:$0x0];
	_ =	sdelay $0x2  }
0xb9: {  	s31 =	sshll.u32 s1, $0xD;
	s1 =	sshrl.u32 s1, $0x2  }
0xba: {  	s3 =	sand.u32 $0x4000, s31;
	s1 =	sadd.s32 s1, s30  }
0xbb: {  	s0 =	sor.u32 s3, s0;
	s1 =	sshll.u32 s1, $0x11  }
0xbc: {  	s0 =	sor.u32 s1, s0  }
0xbd: {  	s0 =	sadd.s32 $0x8F2B, s0  }
0xbe: {  	[sflag:s0] =	ssyncadd.remote.s32 $0x1  }
0xbf: {  	_ =	sfence.sel $0xFFFF  }
0xc0: {  	[dreg:$0x0] =	wrdreg $0xFFFFFFFF;
	(pc) =	sbr.abs _section_cstart, $3  }
0xc1: {  	[dreg:$0x1] =	wrdreg $0xFFFFFFFF  }
0xc2: {  	_ =	task.clear_ibuf [dreg:s7], $0x2FFFF;
	_ =	strace $0x9FFFFFFF  }
0xc3: {  	(tm) =	ssettm $0x7FFFFFFF  }
tec
execute0_lowered:
.L_overlay_start_1:
0x0: {  	(tag) =	ssettag $0x1  }
0x1: {  	s0 =	srdreg.scid;
	s1 =	rddreg [dreg:$0x0]  }
0x2: {  	s11 =	stileid.u32;
	s8 =	rddreg [dreg:$0x1];
	s14 =	simm.s32 $0x10  }
0x3: {  	s15 =	simm.s32 $0x4E20;
	s16 =	simm.s32 $0x5720;
	s18 =	simm.s32 $0x6020  }
0x4: {  	s20 =	simm.s32 $0x6920;
	s22 =	simm.s32 $0x7220;
	s23 =	simm.s32 $0x1  }
0x5: {  	s24 =	simm.s32 $0x2;
	s25 =	simm.s32 $0x3;
	s28 =	simm.s32 $0x5  }
0x6: {  	s29 =	simm.s32 $0x4DD0;
	s30 =	simm.s32 $0x4DE0;
	s31 =	simm.s32 $0x4DF0  }
0x7: {  	s13 =	simm.s32 $0x0;
	s0 =	sand.u32 $0x1, s0;
	s5 =	smul.u32 $0x2BF2, s11  }
0x8: {  	s4 =	sadd.s32 $0xA00, s1;
	s10 =	smul.u32 $0x57E40, s11;
	s2 =	sshll.u32 s0, $0x4  }
0x9: {  	s6 =	smul.u32 $0x2BF20, s0;
	s0 =	ssub.s32 $0x2, s0;
	s3 =	sor.u32 s11, s2  }
0xa: {  	s2 =	rddreg [dreg:$0x2];
	s26 =	sshrl.u32 s0, $0x1;
	s10 =	sshrl.u32 s10, $0x2  }
0xb: {  	s11 =	sshll.u32 s11, $0x6;
	s9 =	smul.u32 $0x4E2, s3;
	s3 =	simm.s32 $0x0  }
0xc: {  	s6 =	sadd.s32 s5, s6;
	s5 =	sadd.s32 $0x36800, s1;
	s0 =	ssub.s32 s0, s26  }
0xd: {  	s12 =	sadd.s32 s10, s2;
	s26 =	simm.s32 $0x4;
	[smem:$0x7FF] =	sst s3  }
0xe: {  	s10 =	smax.u32 s0, $0x1;
	s0 =	simm.s32 $0x4E10;
	_ =	strace $0x80000047  }
0xf: {  	s7 =	sadd.s32 s9, s1;
	s1 =	sadd.s32 s6, s1;
	s6 =	sor.u32 $0x1C06, s11  }
0x10: {  	s8 =	sadd.s32 s8, s9;
	s11 =	sshrl.u32 s12, $0x3;
	s12 =	simm.s32 $0x6  }
0x11: {  	s7 =	sadd.s32 $0x2CA00, s7;
	s9 =	sadd.s32 $0x39400, s1;
	s1 =	simm.s32 $0x4E00  }
.LBB2_1:
0x12: {  	[spmem:s11], [sflag:s6] =	dma.local [hbm:s5], $0x2BF2  }
0x13: {  	_ =	swait.ge [sflag:s12], $0x2BF2  }
0x14: {  	[sflag:s12] =	ssyncset.done $0x0  }
0x15: {  	[sflag:s12] =	ssyncadd.s32 $0xFFFFD40E  }
0x16: {  	[tilespmem:s3], [sflag:$0x6] =	stream.linear.gather [hbm4b:s7+s3], $0x2710, $0x38;
	[tilespmem:$0x1DAB0] =	vst v63  }
0x17: {  	_ =	swait.ge [sflag:s12], $0x2710  }
0x18: {  	[sflag:s12] =	ssyncset.done $0x0  }
0x19: {  	s17 =	simm.s32 $0x2710;
	[sflag:s12] =	ssyncadd.s32 $0xFFFFD8F0  }
0x1a: {  	[tilespmem:s17], [sflag:$0x6] =	stream.linear.gather [hbm4b:s8+s3], $0x2710, $0x38;
	[tilespmem:$0x1DAB0] =	vst v63  }
0x1b: {  	_ =	swait.ge [sflag:s12], $0x2710  }
0x1c: {  	[sflag:s12] =	ssyncset.done $0x0  }
0x1d: {  	[sflag:s12] =	ssyncadd.s32 $0xFFFFD8F0  }
0x1e: {  	[bflag:$0x0] =	sbarrier.arrive $0xFFFF  }
0x1f: {  	[tilespmem:s15], [sflag:$0x1] =	stream.indirect.gather [hbm4b:s4+s14], $0x90, s3, s14, $0xb8;
	[tilespmem:$0x1DAB0] =	vst v63  }
0x20: {  	_ = 	snop  }
0x21: {  	[tilespmem:s16], [sflag:$0x2] =	stream.indirect.gather [hbm4b:s4+s14], $0x90, s14, s14, $0xb8;
	[tilespmem:$0x1DAB0] =	vst v63  }
0x22: {  	s19 =	simm.s32 $0x20  }
0x23: {  	[tilespmem:s18], [sflag:$0x3] =	stream.indirect.gather [hbm4b:s4+s14], $0x90, s19, s14, $0xb8;
	[tilespmem:$0x1DAB0] =	vst v63  }
0x24: {  	s21 =	simm.s32 $0x30  }
0x25: {  	[tilespmem:s20], [sflag:$0x4] =	stream.indirect.gather [hbm4b:s4+s14], $0x90, s21, s14, $0xb8;
	[tilespmem:$0x1DAB0] =	vst v63  }
0x26: {  	s19 =	simm.s32 $0x40  }
0x27: {  	[tilespmem:s22], [sflag:$0x5] =	stream.indirect.gather [hbm4b:s4+s14], $0x90, s19, s14, $0xb8;
	[tilespmem:$0x1DAB0] =	vst v63  }
0x28: {  	_ =	swait.ge [sflag:s23], $0x900  }
0x29: {  	[sflag:s23] =	ssyncset.done $0x0  }
0x2a: {  	s21 =	simm.s32 $0x2710;
	[sflag:s23] =	ssyncadd.s32 $0xFFFFF700  }
0x2b: {  	[spmem:s2] =	stream.indirect.scatter.add.f32 [tilespmem:s15], [sflag:$0x6], $0x90, s21, s14, $0xb8;
	[tilespmem:$0x1DAB0] =	vst v63  }
0x2c: {  	_ =	swait.ge [sflag:s12], $0x900  }
0x2d: {  	[sflag:s12] =	ssyncset.done $0x0  }
0x2e: {  	s19 =	simm.s32 $0x50;
	[sflag:s12] =	ssyncadd.s32 $0xFFFFF700  }
0x2f: {  	[tilespmem:s15], [sflag:$0x1] =	stream.indirect.gather [hbm4b:s4+s14], $0x90, s19, s14, $0xb8;
	[tilespmem:$0x1DAB0] =	vst v63  }
0x30: {  	_ =	swait.ge [sflag:s24], $0x900  }
0x31: {  	[sflag:s24] =	ssyncset.done $0x0  }
0x32: {  	s21 =	simm.s32 $0x2720;
	[sflag:s24] =	ssyncadd.s32 $0xFFFFF700  }
0x33: {  	[spmem:s2] =	stream.indirect.scatter.add.f32 [tilespmem:s16], [sflag:$0x6], $0x90, s21, s14, $0xb8;
	[tilespmem:$0x1DAB0] =	vst v63  }
0x34: {  	_ =	swait.ge [sflag:s12], $0x900  }
0x35: {  	[sflag:s12] =	ssyncset.done $0x0  }
0x36: {  	s19 =	simm.s32 $0x60;
	[sflag:s12] =	ssyncadd.s32 $0xFFFFF700  }
0x37: {  	[tilespmem:s16], [sflag:$0x2] =	stream.indirect.gather [hbm4b:s4+s14], $0x90, s19, s14, $0xb8;
	[tilespmem:$0x1DAB0] =	vst v63  }
0x38: {  	_ =	swait.ge [sflag:s25], $0x900  }
0x39: {  	[sflag:s25] =	ssyncset.done $0x0  }
0x3a: {  	s21 =	simm.s32 $0x2730;
	[sflag:s25] =	ssyncadd.s32 $0xFFFFF700  }
0x3b: {  	[spmem:s2] =	stream.indirect.scatter.add.f32 [tilespmem:s18], [sflag:$0x6], $0x90, s21, s14, $0xb8;
	[tilespmem:$0x1DAB0] =	vst v63  }
0x3c: {  	_ =	swait.ge [sflag:s12], $0x900  }
0x3d: {  	[sflag:s12] =	ssyncset.done $0x0  }
0x3e: {  	s19 =	simm.s32 $0x70;
	[sflag:s12] =	ssyncadd.s32 $0xFFFFF700  }
0x3f: {  	[tilespmem:s18], [sflag:$0x3] =	stream.indirect.gather [hbm4b:s4+s14], $0x90, s19, s14, $0xb8;
	[tilespmem:$0x1DAB0] =	vst v63  }
0x40: {  	_ =	swait.ge [sflag:s26], $0x900  }
0x41: {  	[sflag:s26] =	ssyncset.done $0x0  }
0x42: {  	s21 =	simm.s32 $0x2740;
	[sflag:s26] =	ssyncadd.s32 $0xFFFFF700  }
0x43: {  	[spmem:s2] =	stream.indirect.scatter.add.f32 [tilespmem:s20], [sflag:$0x6], $0x90, s21, s14, $0xb8;
	[tilespmem:$0x1DAB0] =	vst v63  }
0x44: {  	_ =	swait.ge [sflag:s12], $0x900  }
0x45: {  	[sflag:s12] =	ssyncset.done $0x0  }
0x46: {  	s19 =	simm.s32 $0x80;
	[sflag:s12] =	ssyncadd.s32 $0xFFFFF700  }
0x47: {  	[tilespmem:s20], [sflag:$0x4] =	stream.indirect.gather [hbm4b:s4+s14], $0x90, s19, s14, $0xb8;
	[tilespmem:$0x1DAB0] =	vst v63  }
0x48: {  	_ =	swait.ge [sflag:s28], $0x900  }
0x49: {  	[sflag:s28] =	ssyncset.done $0x0  }
0x4a: {  	s21 =	simm.s32 $0x2750;
	[sflag:s28] =	ssyncadd.s32 $0xFFFFF700  }
0x4b: {  	[spmem:s2] =	stream.indirect.scatter.add.f32 [tilespmem:s22], [sflag:$0x6], $0x90, s21, s14, $0xb8;
	[tilespmem:$0x1DAB0] =	vst v63  }
0x4c: {  	_ =	swait.ge [sflag:s12], $0x900  }
0x4d: {  	[sflag:s12] =	ssyncset.done $0x0  }
0x4e: {  	s17 =	simm.s32 $0x140;
	s19 =	simm.s32 $0x90;
	[sflag:s12] =	ssyncadd.s32 $0xFFFFF700  }
.LBB2_2:
0x4f: {  	[tilespmem:s22], [sflag:$0x5] =	stream.indirect.gather [hbm4b:s4+s14], $0x90, s19, s14, $0xb8;
	[tilespmem:$0x1DAB0] =	vst v63  }
0x50: {  	s19 =	smov.u32 s17  }
0x51: {  	p0 =	sne.s32 s17, $0x99C0;
	s17 =	sadd.s32 $0x140, s17;
	_ =	swait.ge [sflag:s23], $0x900  }
0x52: {  	s19 =	sshra.s32 s19, $0x2;
	[sflag:s23] =	ssyncset.done $0x0  }
0x53: {  	s21 =	sadd.s32 $0x2710, s19;
	[sflag:s23] =	ssyncadd.s32 $0xFFFFF700  }
0x54: {  	[spmem:s2] =	stream.indirect.scatter.add.f32 [tilespmem:s15], [sflag:$0x6], $0x90, s21, s14, $0xb8;
	[tilespmem:$0x1DAB0] =	vst v63  }
0x55: {  	_ =	swait.ge [sflag:s12], $0x900  }
0x56: {  	[sflag:s12] =	ssyncset.done $0x0  }
0x57: {  	s21 =	sadd.s32 $0x50, s19;
	[sflag:s12] =	ssyncadd.s32 $0xFFFFF700  }
0x58: {  	[tilespmem:s15], [sflag:$0x1] =	stream.indirect.gather [hbm4b:s4+s14], $0x90, s21, s14, $0xb8;
	[tilespmem:$0x1DAB0] =	vst v63  }
0x59: {  	_ =	swait.ge [sflag:s24], $0x900  }
0x5a: {  	[sflag:s24] =	ssyncset.done $0x0  }
0x5b: {  	s21 =	sadd.s32 $0x2720, s19;
	[sflag:s24] =	ssyncadd.s32 $0xFFFFF700  }
0x5c: {  	[spmem:s2] =	stream.indirect.scatter.add.f32 [tilespmem:s16], [sflag:$0x6], $0x90, s21, s14, $0xb8;
	[tilespmem:$0x1DAB0] =	vst v63  }
0x5d: {  	_ =	swait.ge [sflag:s12], $0x900  }
0x5e: {  	[sflag:s12] =	ssyncset.done $0x0  }
0x5f: {  	s21 =	sadd.s32 $0x60, s19;
	[sflag:s12] =	ssyncadd.s32 $0xFFFFF700  }
0x60: {  	[tilespmem:s16], [sflag:$0x2] =	stream.indirect.gather [hbm4b:s4+s14], $0x90, s21, s14, $0xb8;
	[tilespmem:$0x1DAB0] =	vst v63  }
0x61: {  	_ =	swait.ge [sflag:s25], $0x900  }
0x62: {  	[sflag:s25] =	ssyncset.done $0x0  }
0x63: {  	s21 =	sadd.s32 $0x2730, s19;
	[sflag:s25] =	ssyncadd.s32 $0xFFFFF700  }
0x64: {  	[spmem:s2] =	stream.indirect.scatter.add.f32 [tilespmem:s18], [sflag:$0x6], $0x90, s21, s14, $0xb8;
	[tilespmem:$0x1DAB0] =	vst v63  }
0x65: {  	_ =	swait.ge [sflag:s12], $0x900  }
0x66: {  	[sflag:s12] =	ssyncset.done $0x0  }
0x67: {  	s21 =	sadd.s32 $0x70, s19;
	[sflag:s12] =	ssyncadd.s32 $0xFFFFF700  }
0x68: {  	[tilespmem:s18], [sflag:$0x3] =	stream.indirect.gather [hbm4b:s4+s14], $0x90, s21, s14, $0xb8;
	[tilespmem:$0x1DAB0] =	vst v63  }
0x69: {  	_ =	swait.ge [sflag:s26], $0x900  }
0x6a: {  	[sflag:s26] =	ssyncset.done $0x0  }
0x6b: {  	s21 =	sadd.s32 $0x2740, s19;
	[sflag:s26] =	ssyncadd.s32 $0xFFFFF700  }
0x6c: {  	[spmem:s2] =	stream.indirect.scatter.add.f32 [tilespmem:s20], [sflag:$0x6], $0x90, s21, s14, $0xb8;
	[tilespmem:$0x1DAB0] =	vst v63  }
0x6d: {  	_ =	swait.ge [sflag:s12], $0x900  }
0x6e: {  	[sflag:s12] =	ssyncset.done $0x0  }
0x6f: {  	s21 =	sadd.s32 $0x80, s19;
	[sflag:s12] =	ssyncadd.s32 $0xFFFFF700  }
0x70: {  	[tilespmem:s20], [sflag:$0x4] =	stream.indirect.gather [hbm4b:s4+s14], $0x90, s21, s14, $0xb8;
	[tilespmem:$0x1DAB0] =	vst v63  }
0x71: {  	_ =	swait.ge [sflag:s28], $0x900  }
0x72: {  	[sflag:s28] =	ssyncset.done $0x0  }
.Ltmp0:
0x73: {  	s21 =	sadd.s32 $0x2750, s19;
	[sflag:s28] =	ssyncadd.s32 $0xFFFFF700;
	(pc) =	sbr.rel @p0 .LBB2_2-.Ltmp0, $4  }
0x74: {  	[spmem:s2] =	stream.indirect.scatter.add.f32 [tilespmem:s22], [sflag:$0x6], $0x90, s21, s14, $0xb8;
	[tilespmem:$0x1DAB0] =	vst v63  }
0x75: {  	_ =	swait.ge [sflag:s12], $0x900  }
0x76: {  	[sflag:s12] =	ssyncset.done $0x0  }
0x77: {  	s19 =	sadd.s32 $0x90, s19;
	[sflag:s12] =	ssyncadd.s32 $0xFFFFF700  }
0x78: {  	[tilespmem:s22], [sflag:$0x5] =	stream.indirect.gather [hbm4b:s4+s14], $0x90, s19, s14, $0xb8;
	[tilespmem:$0x1DAB0] =	vst v63  }
0x79: {  	_ =	swait.ge [sflag:s23], $0x900  }
0x7a: {  	[sflag:s23] =	ssyncset.done $0x0  }
0x7b: {  	[sflag:s23] =	ssyncadd.s32 $0xFFFFF700  }
0x7c: {  	[spmem:s2] =	stream.indirect.scatter.add.f32 [tilespmem:s15], [sflag:$0x6], $0x90, s29, s14, $0xb8;
	[tilespmem:$0x1DAB0] =	vst v63  }
0x7d: {  	_ =	swait.ge [sflag:s12], $0x900  }
0x7e: {  	[sflag:s12] =	ssyncset.done $0x0  }
0x7f: {  	[sflag:s12] =	ssyncadd.s32 $0xFFFFF700  }
0x80: {  	_ =	swait.ge [sflag:s24], $0x900  }
0x81: {  	[sflag:s24] =	ssyncset.done $0x0  }
0x82: {  	[sflag:s24] =	ssyncadd.s32 $0xFFFFF700  }
0x83: {  	[spmem:s2] =	stream.indirect.scatter.add.f32 [tilespmem:s16], [sflag:$0x6], $0x90, s30, s14, $0xb8;
	[tilespmem:$0x1DAB0] =	vst v63  }
0x84: {  	_ =	swait.ge [sflag:s12], $0x900  }
0x85: {  	[sflag:s12] =	ssyncset.done $0x0  }
0x86: {  	[sflag:s12] =	ssyncadd.s32 $0xFFFFF700  }
0x87: {  	_ =	swait.ge [sflag:s25], $0x900  }
0x88: {  	[sflag:s25] =	ssyncset.done $0x0  }
0x89: {  	[sflag:s25] =	ssyncadd.s32 $0xFFFFF700  }
0x8a: {  	[spmem:s2] =	stream.indirect.scatter.add.f32 [tilespmem:s18], [sflag:$0x6], $0x90, s31, s14, $0xb8;
	[tilespmem:$0x1DAB0] =	vst v63  }
0x8b: {  	_ =	swait.ge [sflag:s12], $0x900  }
0x8c: {  	[sflag:s12] =	ssyncset.done $0x0  }
0x8d: {  	[sflag:s12] =	ssyncadd.s32 $0xFFFFF700  }
0x8e: {  	_ =	swait.ge [sflag:s26], $0x900  }
0x8f: {  	[sflag:s26] =	ssyncset.done $0x0  }
0x90: {  	[sflag:s26] =	ssyncadd.s32 $0xFFFFF700  }
0x91: {  	[spmem:s2] =	stream.indirect.scatter.add.f32 [tilespmem:s20], [sflag:$0x6], $0x90, s1, s14, $0xb8;
	[tilespmem:$0x1DAB0] =	vst v63  }
0x92: {  	_ =	swait.ge [sflag:s12], $0x900  }
0x93: {  	[sflag:s12] =	ssyncset.done $0x0  }
0x94: {  	[sflag:s12] =	ssyncadd.s32 $0xFFFFF700  }
0x95: {  	_ =	swait.ge [sflag:s28], $0x900  }
0x96: {  	[sflag:s28] =	ssyncset.done $0x0  }
0x97: {  	[sflag:s28] =	ssyncadd.s32 $0xFFFFF700  }
0x98: {  	[spmem:s2] =	stream.indirect.scatter.add.f32 [tilespmem:s22], [sflag:$0x6], $0x90, s0, s14, $0xb8;
	[tilespmem:$0x1DAB0] =	vst v63  }
0x99: {  	_ =	swait.ge [sflag:s12], $0x900  }
0x9a: {  	s13 =	sadd.s32 $0x1, s13;
	[sflag:s12] =	ssyncset.done $0x0  }
0x9b: {  	p0 =	sne.s32 s13, s10;
	[sflag:s12] =	ssyncadd.s32 $0xFFFFF700  }
.Ltmp1:
0x9c: {  	[bflag:$0x0] =	sbarrier.arrive $0xFFFF;
	(pc) =	sbr.rel @p0 .LBB2_1-.Ltmp1, $4  }
0x9d: {  	[hbm:s9], [sflag:s6] =	dma.local [spmem:s11], $0x2BF2  }
0x9e: {  	_ =	swait.ge [sflag:s12], $0x2BF2  }
0x9f: {  	[sflag:s12] =	ssyncset.done $0x0  }
0xa0: {  	[sflag:s12] =	ssyncadd.s32 $0xFFFFD40E  }
0xa1: {  	_ =	sfence.sel $0x180000  }
0xa2: {  	[bflag:$0x0] =	sbarrier.arrive $0xFFFF  }
0xa3: {  	_ =	strace $0x90000047  }
0xa4: {  	s0 =	stileid.u32;
	[bflag:$0x2] =	sbarrier.arrive $0xFFFF  }
0xa5: {  	p0 =	sne.s32 s0, $0x0;
	s0 =	rddreg [dreg:$0x3]  }
0xa6: {  	s0 =	sadd.s32 @!p0 $0x100000, s0  }
0xa7: {  	[sflag:s0] =	ssyncadd.tile.s32 @!p0 $0x1;
	_ =	shalt  }
.Lfunc_end2:
_tile_overlayer_lowered:
.L_overlay_start_2:
0xa8: {  	(tag) =	ssettag $0x2  }
0xa9: {  	s0 =	rddreg [dreg:$0x0];
	s2 =	stileid.u32  }
0xaa: {  	s1 =	rddreg [dreg:$0x1];
	p0 =	sne.s32 s2, $0x0  }
0xab: {  	s3 =	rddreg [dreg:$0x2];
	[bflag:$0x3] =	sbarrier.arrive $0xFFFF;
	s2 =	simm.s32 @!p0 $0x1C06  }
0xac: {  	[timem:s3], [sflag:s2] =	dma.local @!p0 [hbm:s0], s1  }
0xad: {  	s0 =	simm.s32 @!p0 $0x6  }
0xae: {  	_ =	swait.ge @!p0 [sflag:s0], s1  }
0xaf: {  	s1 =	ssub.s32 @!p0 $0x0, s1;
	[sflag:s0] =	ssyncset.done @!p0 $0x0  }
0xb0: {  	[sflag:s0] =	ssyncadd.s32 @!p0 s1  }
0xb1: {  	[bflag:$0x3] =	sbarrier.arrive $0xFFFF  }
0xb2: {  	_ =	shalt  }

// kernel: kernel.15.cloned.1.call-start
scs
__scs_entry_jumppad:
0x0: {  	(pc) =	sbr.rel $0x88, $3  }
0x1: {  	(tag) =	ssettag $0x0;
	lr =	simm.s32 $0x1  }
0x2: {  	[smem:$0x3F99] =	sst lr;
	_ =	strace $0xD0000000  }
0x3: {  	_ = 	snop  }
0x4: {  	_ = 	snop  }
0x5: {  	_ = 	snop  }
0x6: {  	_ = 	snop  }
0x7: {  	_ = 	snop  }
__scs_overlays_trampoline_lowered:
0x8: {  	[smem:$0x3FA8] =	sst s0  }
0x9: {  	[smem:$0x3FA9] =	sst s1  }
0xa: {  	[smem:$0x3FAA] =	sst s2  }
0xb: {  	[smem:$0x3FAB] =	sst s3  }
0xc: {  	[smem:$0x3FAC] =	sst s4  }
0xd: {  	[smem:$0x3FAD] =	sst s5  }
0xe: {  	[smem:$0x3FAE] =	sst s6  }
0xf: {  	[smem:$0x3FAF] =	sst s7  }
0x10: {  	[smem:$0x3FB0] =	sst s8  }
0x11: {  	[smem:$0x3FB1] =	sst s9;
	s0 =	simm.s32 @!p0 $0x0  }
0x12: {  	s1 =	sld [smem:$0x3F97];
	s0 =	simm.s32 @p0 $0x1  }
0x13: {  	[smem:$0x3FB2] =	sst s0;
	s0 =	simm.s32 @!p1 $0x0  }
0x14: {  	s2 =	sld [smem:$0x3F96];
	s0 =	simm.s32 @p1 $0x1  }
0x15: {  	[smem:$0x3FB3] =	sst s0;
	s0 =	simm.s32 @!p2 $0x0  }
0x16: {  	s3 =	sld [smem:$0x3FDB];
	s0 =	simm.s32 @p2 $0x1  }
0x17: {  	s4 =	simm.s32 $0x1BF5;
	[smem:$0x3FB5] =	sst s0  }
0x18: {  	s0 =	sld [smem:$0x3F98];
	_ =	swait.ge [sflag:s4], $0x0  }
0x19: {  	s7 =	sld [smem:$0x3F99]  }
0x1a: {  	s8 =	sadd.s32 $0xFFFFE003, lr  }
0x1b: {  	s9 =	sadd.s32 $0xFFFFFEF7, lr;
	s5 =	simm.s32 $0xFFFFFFFF;
	p2 =	slt.u32 s8, $0xFFFFF086  }
0x1c: {  	p1 =	slt.u32 s9, $0xF7A;
	s5 =	simm.s32 @!p2 $0x0  }
0x1d: {  	s5 =	simm.s32 @p1 $0x1;
	p0 =	seq.s32 s7, s2  }
0x1e: {  	s7 =	smul.u32 @!p0 $0xF7A, s2;
	p2 =	seq.s32 @!p0 s5, $0x0  }
0x1f: {  	s9 =	smul.u32 $0xF7A, s1;
	s8 =	simm.s32 @!p0 $0x1BF5;
	p2 =	por !p2, p0  }
0x20: {  	[sflag:s8] =	ssyncset.s32 @!p0 $0xFFFFF086;
	s6 =	sadd.s32 @!p0 s3, s7;
	s7 =	simm.s32 @!p0 $0x108  }
0x21: {  	s3 =	sadd.s32 s3, s9;
	s6 =	sadd.s32 @!p0 $0x88, s6;
	s7 =	simm.s32 @p2 $0x1082  }
0x22: {  	[simem:s7], [sflag:s8] =	dma.local @!p0 [hbm:s6], $0xF7A  }
0x23: {  	s9 =	sor.u32 $0xD0000000, s2;
	s6 =	simm.s32 $0x108;
	_ =	swait.ge @!p0 [sflag:s8], $0x0  }
0x24: {  	s3 =	sadd.s32 $0x88, s3;
	s6 =	simm.s32 @!p1 $0x1082;
	[sflag:s4] =	ssyncset.s32 $0xFFFFF086  }
0x25: {  	[simem:s6], [sflag:s4] =	dma.local [hbm:s3], $0xF7A  }
0x26: {  	[smem:$0x3F99] =	sst s1;
	(tag) =	ssettag s2;
	_ =	strace s9  }
0x27: {  	s1 =	sld [smem:$0x3FA9]  }
0x28: {  	s2 =	sld [smem:$0x3FAA]  }
0x29: {  	s4 =	sld [smem:$0x3FAC]  }
0x2a: {  	p0 =	seq.s32 s5, $0x0;
	s5 =	sld [smem:$0x3FAD]  }
0x2b: {  	s6 =	sld [smem:$0x3FAE]  }
0x2c: {  	s7 =	sld [smem:$0x3FAF]  }
0x2d: {  	s3 =	simm.s32 $0x108;
	s8 =	sld [smem:$0x3FB0]  }
0x2e: {  	s3 =	simm.s32 @!p0 $0x1082;
	s9 =	sld [smem:$0x3FB1]  }
0x2f: {  	lr =	sadd.s32 s0, s3;
	s0 =	sld [smem:$0x3FA8]  }
0x30: {  	s3 =	sld [smem:$0x3FAB]  }
0x31: {  	[smem:$0x3FB4] =	sst s10  }
0x32: {  	s10 =	sld [smem:$0x3FB2];
	_ =	sdelay $0x3  }
0x33: {  	p0 =	seq.s32 s10, $0x1;
	s10 =	sld [smem:$0x3FB4];
	_ =	sdelay $0x3  }
0x34: {  	[smem:$0x3FB4] =	sst s10  }
0x35: {  	s10 =	sld [smem:$0x3FB3];
	_ =	sdelay $0x3  }
0x36: {  	p1 =	seq.s32 s10, $0x1;
	s10 =	sld [smem:$0x3FB4];
	_ =	sdelay $0x3  }
0x37: {  	[smem:$0x3FB4] =	sst s10  }
0x38: {  	s10 =	sld [smem:$0x3FB5]  }
0x39: {  	_ = 	snop;
	(pc) =	sbr.ind lr, $3  }
0x3a: {  	_ = 	snop  }
0x3b: {  	_ = 	snop  }
0x3c: {  	p2 =	seq.s32 s10, $0x1;
	s10 =	sld [smem:$0x3FB4]  }
0x3d: {  	_ =	shalt  }
0x3e: {  	_ =	shalt  }
0x3f: {  	_ =	shalt  }
0x40: {  	_ =	shalt  }
0x41: {  	_ =	shalt  }
0x42: {  	_ =	shalt  }
0x43: {  	_ =	shalt  }
0x44: {  	_ =	shalt  }
0x45: {  	_ =	shalt  }
0x46: {  	_ =	shalt  }
0x47: {  	_ =	shalt  }
0x48: {  	_ =	shalt  }
0x49: {  	_ =	shalt  }
0x4a: {  	_ =	shalt  }
0x4b: {  	_ =	shalt  }
0x4c: {  	_ =	shalt  }
0x4d: {  	_ =	shalt  }
0x4e: {  	_ =	shalt  }
0x4f: {  	_ =	shalt  }
0x50: {  	_ =	shalt  }
0x51: {  	_ =	shalt  }
0x52: {  	_ =	shalt  }
0x53: {  	_ =	shalt  }
0x54: {  	_ =	shalt  }
0x55: {  	_ =	shalt  }
0x56: {  	_ =	shalt  }
0x57: {  	_ =	shalt  }
0x58: {  	_ =	shalt  }
0x59: {  	_ =	shalt  }
0x5a: {  	_ =	shalt  }
0x5b: {  	_ =	shalt  }
0x5c: {  	_ =	shalt  }
0x5d: {  	_ =	shalt  }
0x5e: {  	_ =	shalt  }
0x5f: {  	_ =	shalt  }
0x60: {  	_ =	shalt  }
0x61: {  	_ =	shalt  }
0x62: {  	_ =	shalt  }
0x63: {  	_ =	shalt  }
0x64: {  	_ =	shalt  }
0x65: {  	_ =	shalt  }
0x66: {  	_ =	shalt  }
0x67: {  	_ =	shalt  }
0x68: {  	_ =	shalt  }
0x69: {  	_ =	shalt  }
0x6a: {  	_ =	shalt  }
0x6b: {  	_ =	shalt  }
0x6c: {  	_ =	shalt  }
0x6d: {  	_ =	shalt  }
0x6e: {  	_ =	shalt  }
0x6f: {  	_ =	shalt  }
0x70: {  	_ =	shalt  }
0x71: {  	_ =	shalt  }
0x72: {  	_ =	shalt  }
0x73: {  	_ =	shalt  }
0x74: {  	_ =	shalt  }
0x75: {  	_ =	shalt  }
0x76: {  	_ =	shalt  }
0x77: {  	_ =	shalt  }
0x78: {  	_ =	shalt  }
0x79: {  	_ =	shalt  }
0x7a: {  	_ =	shalt  }
0x7b: {  	_ =	shalt  }
0x7c: {  	_ =	shalt  }
0x7d: {  	_ =	shalt  }
0x7e: {  	_ =	shalt  }
0x7f: {  	_ =	shalt  }
0x80: {  	_ =	shalt  }
0x81: {  	_ =	shalt  }
0x82: {  	_ =	shalt  }
0x83: {  	_ =	shalt  }
0x84: {  	_ =	shalt  }
0x85: {  	_ =	shalt  }
0x86: {  	_ =	shalt  }
0x87: {  	_ =	shalt  }
.Lfunc_end0:
.L_simem_size_0:
called_computation.1_lowered:
.L_overlay_start_0:
0x88: {  	s2 =	sld [smem:$0x3FD9]  }
0x89: {  	s3 =	sld [smem:$0x3FFE];
	_ =	sdelay $0x1  }
0x8a: {  	s1 =	srdreg.scid  }
0x8b: {  	s0 =	sand.u32 $0x1, s1  }
0x8c: {  	s17 =	sshll.u32 s0, $0xA;
	s2 =	sadd.s32 s3, s2  }
0x8d: {  	s2 =	sadd.s32 s2, s17  }
0x8e: {  	[smem:$0x3FC0] =	sst s2  }
0x8f: {  	_ = 	snop  }
0x90: {  	s2 =	sld [smem:$0x3FD0];
	(tm) =	ssettm $0x1  }
0x91: {  	s18 =	sld [smem:$0x3FFB];
	_ =	sdelay $0x3  }
0x92: {  	_ =	strace s18  }
0x93: {  	s3 =	sld [smem:$0x3FFC];
	_ =	sdelay $0x3  }
0x94: {  	_ =	strace s3  }
0x95: {  	s3 =	sld [smem:$0x3FFD];
	_ =	sdelay $0x3  }
0x96: {  	_ =	strace s3  }
0x97: {  	_ =	strace $0x8FFFFFFF  }
0x98: {  	s19 =	sld [smem:$0x3FDB];
	_ =	sdelay $0x1  }
0x99: {  	s4 =	simm.s32 $_scs_section_size  }
0x9a: {  	s5 =	simm.s32 $_size__tile_overlayer_lowered;
	s6 =	simm.s32 $_tile_overlayer_lowered  }
0x9b: {  	s22 =	simm.s32 $0x1BFF;
	s21 =	sshll.u32 s6, $0x1;
	s3 =	sadd.s32 s4, s19  }
0x9c: {  	s7 =	simm.s32 $0x0;
	s20 =	sshll.u32 s5, $0x1;
	s5 =	sadd.s32 s21, s3  }
0x9d: {  	[timem:s7], [sflag:s22] =	dma.local [hbm:s5], s20  }
0x9e: {  	_ =	swait.ge [sflag:s22], s20  }
0x9f: {  	s4 =	ssub.s32 $0x0, s20;
	[sflag:s22] =	ssyncset.done $0x0  }
0xa0: {  	[sflag:s22] =	ssyncadd.s32 s4;
	_ =	sdelay $0x1  }
0xa1: {  	s23 =	simm.s32 $0x1B8B  }
0xa2: {  	_ =	swait.ge [sflag:s23], $0x1  }
0xa3: {  	[sflag:s23] =	ssyncset.done $0x0  }
0xa4: {  	s25 =	simm.s32 $0x1B8E;
	s24 =	sld [smem:$0x3FFE];
	[sflag:s23] =	ssyncadd.s32 $0xFFFFFFFF  }
0xa5: {  	s26 =	simm.s32 $execute0_lowered;
	[smem:$0x3FD2] =	sst s25  }
0xa6: {  	s5 =	sshll.u32 s26, $0x1;
	_ =	strace $0x80000049;
	[dreg:$0x1] =	wrdreg $0xFFFFFFFF  }
0xa7: {  	s28 =	simm.s32 $_size_execute0_lowered;
	s3 =	sadd.s32 s3, s5;
	[dreg:$0x0] =	wrdreg $0x0  }
0xa8: {  	s5 =	sshll.u32 s28, $0x1;
	[dreg:$0x2] =	wrdreg s3  }
0xa9: {  	[dreg:$0x3] =	wrdreg s5  }
0xaa: {  	[dreg:$0x4] =	wrdreg $0xC0  }
0xab: {  	_ =	task [dreg:s7], $0x5FFFF  }
0xac: {  	[dreg:$0x1] =	wrdreg $0xFFFFFFFF  }
0xad: {  	[dreg:$0x0] =	wrdreg $0x60  }
0xae: {  	[dreg:$0x2] =	wrdreg s24  }
0xaf: {  	[dreg:$0x3] =	wrdreg s2  }
0xb0: {  	[dreg:$0x4] =	wrdreg $0x7B200  }
0xb1: {  	[dreg:$0x5] =	wrdreg $0x9  }
0xb2: {  	_ =	task.clear_ibuf [dreg:s7], $0x6FFFF;
	_ =	strace $0x90000049  }
0xb3: {  	s29 =	simm.s32 $0x9;
	_ =	strace $0x8000004B  }
0xb4: {  	_ =	swait.ge [sflag:s29], $0x1  }
0xb5: {  	[sflag:s29] =	ssyncadd.s32 $0xFFFFFFFF  }
0xb6: {  	_ =	strace $0x9000004B  }
0xb7: {  	_ =	sfence  }
0xb8: {  	s30 =	sld [smem:$0x0];
	_ =	sdelay $0x2  }
0xb9: {  	s31 =	sshll.u32 s1, $0xD;
	s1 =	sshrl.u32 s1, $0x2  }
0xba: {  	s3 =	sand.u32 $0x4000, s31;
	s1 =	sadd.s32 s1, s30  }
0xbb: {  	s0 =	sor.u32 s3, s0;
	s1 =	sshll.u32 s1, $0x11  }
0xbc: {  	s0 =	sor.u32 s1, s0  }
0xbd: {  	s0 =	sadd.s32 $0x8F2B, s0  }
0xbe: {  	[sflag:s0] =	ssyncadd.remote.s32 $0x1  }
0xbf: {  	_ =	sfence.sel $0xFFFF  }
0xc0: {  	[dreg:$0x0] =	wrdreg $0xFFFFFFFF;
	(pc) =	sbr.abs _section_cstart, $3  }
0xc1: {  	[dreg:$0x1] =	wrdreg $0xFFFFFFFF  }
0xc2: {  	_ =	task.clear_ibuf [dreg:s7], $0x2FFFF;
	_ =	strace $0x9FFFFFFF  }
0xc3: {  	(tm) =	ssettm $0x7FFFFFFF  }
tec
execute0_lowered:
.L_overlay_start_1:
0x0: {  	(tag) =	ssettag $0x1  }
0x1: {  	s0 =	srdreg.scid;
	s1 =	rddreg [dreg:$0x0]  }
0x2: {  	s11 =	stileid.u32;
	s8 =	rddreg [dreg:$0x1];
	s14 =	simm.s32 $0x10  }
0x3: {  	s15 =	simm.s32 $0x4E20;
	s16 =	simm.s32 $0x5720;
	s18 =	simm.s32 $0x6020  }
0x4: {  	s20 =	simm.s32 $0x6920;
	s22 =	simm.s32 $0x7220;
	s23 =	simm.s32 $0x1  }
0x5: {  	s24 =	simm.s32 $0x2;
	s25 =	simm.s32 $0x3;
	s28 =	simm.s32 $0x5  }
0x6: {  	s29 =	simm.s32 $0x4DD0;
	s30 =	simm.s32 $0x4DE0;
	s31 =	simm.s32 $0x4DF0  }
0x7: {  	s13 =	simm.s32 $0x0;
	s0 =	sand.u32 $0x1, s0;
	s5 =	smul.u32 $0x2BF2, s11  }
0x8: {  	s4 =	sadd.s32 $0xA00, s1;
	s10 =	smul.u32 $0x57E40, s11;
	s2 =	sshll.u32 s0, $0x4  }
0x9: {  	s6 =	smul.u32 $0x2BF20, s0;
	s0 =	ssub.s32 $0x2, s0;
	s3 =	sor.u32 s11, s2  }
0xa: {  	s2 =	rddreg [dreg:$0x2];
	s26 =	sshrl.u32 s0, $0x1;
	s10 =	sshrl.u32 s10, $0x2  }
0xb: {  	s11 =	sshll.u32 s11, $0x6;
	s9 =	smul.u32 $0x4E2, s3;
	s3 =	simm.s32 $0x0  }
0xc: {  	s6 =	sadd.s32 s5, s6;
	s5 =	sadd.s32 $0x36800, s1;
	s0 =	ssub.s32 s0, s26  }
0xd: {  	s12 =	sadd.s32 s10, s2;
	s26 =	simm.s32 $0x4;
	[smem:$0x7FF] =	sst s3  }
0xe: {  	s10 =	smax.u32 s0, $0x1;
	s0 =	simm.s32 $0x4E10;
	_ =	strace $0x8000004A  }
0xf: {  	s7 =	sadd.s32 s9, s1;
	s1 =	sadd.s32 s6, s1;
	s6 =	sor.u32 $0x1C06, s11  }
0x10: {  	s8 =	sadd.s32 s8, s9;
	s11 =	sshrl.u32 s12, $0x3;
	s12 =	simm.s32 $0x6  }
0x11: {  	s7 =	sadd.s32 $0x2CA00, s7;
	s9 =	sadd.s32 $0x39400, s1;
	s1 =	simm.s32 $0x4E00  }
.LBB2_1:
0x12: {  	[spmem:s11], [sflag:s6] =	dma.local [hbm:s5], $0x2BF2  }
0x13: {  	_ =	swait.ge [sflag:s12], $0x2BF2  }
0x14: {  	[sflag:s12] =	ssyncset.done $0x0  }
0x15: {  	[sflag:s12] =	ssyncadd.s32 $0xFFFFD40E  }
0x16: {  	[tilespmem:s3], [sflag:$0x6] =	stream.linear.gather [hbm4b:s7+s3], $0x2710, $0x38;
	[tilespmem:$0x1DAB0] =	vst v63  }
0x17: {  	_ =	swait.ge [sflag:s12], $0x2710  }
0x18: {  	[sflag:s12] =	ssyncset.done $0x0  }
0x19: {  	s17 =	simm.s32 $0x2710;
	[sflag:s12] =	ssyncadd.s32 $0xFFFFD8F0  }
0x1a: {  	[tilespmem:s17], [sflag:$0x6] =	stream.linear.gather [hbm4b:s8+s3], $0x2710, $0x38;
	[tilespmem:$0x1DAB0] =	vst v63  }
0x1b: {  	_ =	swait.ge [sflag:s12], $0x2710  }
0x1c: {  	[sflag:s12] =	ssyncset.done $0x0  }
0x1d: {  	[sflag:s12] =	ssyncadd.s32 $0xFFFFD8F0  }
0x1e: {  	[bflag:$0x0] =	sbarrier.arrive $0xFFFF  }
0x1f: {  	[tilespmem:s15], [sflag:$0x1] =	stream.indirect.gather [hbm4b:s4+s14], $0x90, s3, s14, $0xb8;
	[tilespmem:$0x1DAB0] =	vst v63  }
0x20: {  	_ = 	snop  }
0x21: {  	[tilespmem:s16], [sflag:$0x2] =	stream.indirect.gather [hbm4b:s4+s14], $0x90, s14, s14, $0xb8;
	[tilespmem:$0x1DAB0] =	vst v63  }
0x22: {  	s19 =	simm.s32 $0x20  }
0x23: {  	[tilespmem:s18], [sflag:$0x3] =	stream.indirect.gather [hbm4b:s4+s14], $0x90, s19, s14, $0xb8;
	[tilespmem:$0x1DAB0] =	vst v63  }
0x24: {  	s21 =	simm.s32 $0x30  }
0x25: {  	[tilespmem:s20], [sflag:$0x4] =	stream.indirect.gather [hbm4b:s4+s14], $0x90, s21, s14, $0xb8;
	[tilespmem:$0x1DAB0] =	vst v63  }
0x26: {  	s19 =	simm.s32 $0x40  }
0x27: {  	[tilespmem:s22], [sflag:$0x5] =	stream.indirect.gather [hbm4b:s4+s14], $0x90, s19, s14, $0xb8;
	[tilespmem:$0x1DAB0] =	vst v63  }
0x28: {  	_ =	swait.ge [sflag:s23], $0x900  }
0x29: {  	[sflag:s23] =	ssyncset.done $0x0  }
0x2a: {  	s21 =	simm.s32 $0x2710;
	[sflag:s23] =	ssyncadd.s32 $0xFFFFF700  }
0x2b: {  	[spmem:s2] =	stream.indirect.scatter.add.f32 [tilespmem:s15], [sflag:$0x6], $0x90, s21, s14, $0xb8;
	[tilespmem:$0x1DAB0] =	vst v63  }
0x2c: {  	_ =	swait.ge [sflag:s12], $0x900  }
0x2d: {  	[sflag:s12] =	ssyncset.done $0x0  }
0x2e: {  	s19 =	simm.s32 $0x50;
	[sflag:s12] =	ssyncadd.s32 $0xFFFFF700  }
0x2f: {  	[tilespmem:s15], [sflag:$0x1] =	stream.indirect.gather [hbm4b:s4+s14], $0x90, s19, s14, $0xb8;
	[tilespmem:$0x1DAB0] =	vst v63  }
0x30: {  	_ =	swait.ge [sflag:s24], $0x900  }
0x31: {  	[sflag:s24] =	ssyncset.done $0x0  }
0x32: {  	s21 =	simm.s32 $0x2720;
	[sflag:s24] =	ssyncadd.s32 $0xFFFFF700  }
0x33: {  	[spmem:s2] =	stream.indirect.scatter.add.f32 [tilespmem:s16], [sflag:$0x6], $0x90, s21, s14, $0xb8;
	[tilespmem:$0x1DAB0] =	vst v63  }
0x34: {  	_ =	swait.ge [sflag:s12], $0x900  }
0x35: {  	[sflag:s12] =	ssyncset.done $0x0  }
0x36: {  	s19 =	simm.s32 $0x60;
	[sflag:s12] =	ssyncadd.s32 $0xFFFFF700  }
0x37: {  	[tilespmem:s16], [sflag:$0x2] =	stream.indirect.gather [hbm4b:s4+s14], $0x90, s19, s14, $0xb8;
	[tilespmem:$0x1DAB0] =	vst v63  }
0x38: {  	_ =	swait.ge [sflag:s25], $0x900  }
0x39: {  	[sflag:s25] =	ssyncset.done $0x0  }
0x3a: {  	s21 =	simm.s32 $0x2730;
	[sflag:s25] =	ssyncadd.s32 $0xFFFFF700  }
0x3b: {  	[spmem:s2] =	stream.indirect.scatter.add.f32 [tilespmem:s18], [sflag:$0x6], $0x90, s21, s14, $0xb8;
	[tilespmem:$0x1DAB0] =	vst v63  }
0x3c: {  	_ =	swait.ge [sflag:s12], $0x900  }
0x3d: {  	[sflag:s12] =	ssyncset.done $0x0  }
0x3e: {  	s19 =	simm.s32 $0x70;
	[sflag:s12] =	ssyncadd.s32 $0xFFFFF700  }
0x3f: {  	[tilespmem:s18], [sflag:$0x3] =	stream.indirect.gather [hbm4b:s4+s14], $0x90, s19, s14, $0xb8;
	[tilespmem:$0x1DAB0] =	vst v63  }
0x40: {  	_ =	swait.ge [sflag:s26], $0x900  }
0x41: {  	[sflag:s26] =	ssyncset.done $0x0  }
0x42: {  	s21 =	simm.s32 $0x2740;
	[sflag:s26] =	ssyncadd.s32 $0xFFFFF700  }
0x43: {  	[spmem:s2] =	stream.indirect.scatter.add.f32 [tilespmem:s20], [sflag:$0x6], $0x90, s21, s14, $0xb8;
	[tilespmem:$0x1DAB0] =	vst v63  }
0x44: {  	_ =	swait.ge [sflag:s12], $0x900  }
0x45: {  	[sflag:s12] =	ssyncset.done $0x0  }
0x46: {  	s19 =	simm.s32 $0x80;
	[sflag:s12] =	ssyncadd.s32 $0xFFFFF700  }
0x47: {  	[tilespmem:s20], [sflag:$0x4] =	stream.indirect.gather [hbm4b:s4+s14], $0x90, s19, s14, $0xb8;
	[tilespmem:$0x1DAB0] =	vst v63  }
0x48: {  	_ =	swait.ge [sflag:s28], $0x900  }
0x49: {  	[sflag:s28] =	ssyncset.done $0x0  }
0x4a: {  	s21 =	simm.s32 $0x2750;
	[sflag:s28] =	ssyncadd.s32 $0xFFFFF700  }
0x4b: {  	[spmem:s2] =	stream.indirect.scatter.add.f32 [tilespmem:s22], [sflag:$0x6], $0x90, s21, s14, $0xb8;
	[tilespmem:$0x1DAB0] =	vst v63  }
0x4c: {  	_ =	swait.ge [sflag:s12], $0x900  }
0x4d: {  	[sflag:s12] =	ssyncset.done $0x0  }
0x4e: {  	s17 =	simm.s32 $0x140;
	s19 =	simm.s32 $0x90;
	[sflag:s12] =	ssyncadd.s32 $0xFFFFF700  }
.LBB2_2:
0x4f: {  	[tilespmem:s22], [sflag:$0x5] =	stream.indirect.gather [hbm4b:s4+s14], $0x90, s19, s14, $0xb8;
	[tilespmem:$0x1DAB0] =	vst v63  }
0x50: {  	s19 =	smov.u32 s17  }
0x51: {  	p0 =	sne.s32 s17, $0x99C0;
	s17 =	sadd.s32 $0x140, s17;
	_ =	swait.ge [sflag:s23], $0x900  }
0x52: {  	s19 =	sshra.s32 s19, $0x2;
	[sflag:s23] =	ssyncset.done $0x0  }
0x53: {  	s21 =	sadd.s32 $0x2710, s19;
	[sflag:s23] =	ssyncadd.s32 $0xFFFFF700  }
0x54: {  	[spmem:s2] =	stream.indirect.scatter.add.f32 [tilespmem:s15], [sflag:$0x6], $0x90, s21, s14, $0xb8;
	[tilespmem:$0x1DAB0] =	vst v63  }
0x55: {  	_ =	swait.ge [sflag:s12], $0x900  }
0x56: {  	[sflag:s12] =	ssyncset.done $0x0  }
0x57: {  	s21 =	sadd.s32 $0x50, s19;
	[sflag:s12] =	ssyncadd.s32 $0xFFFFF700  }
0x58: {  	[tilespmem:s15], [sflag:$0x1] =	stream.indirect.gather [hbm4b:s4+s14], $0x90, s21, s14, $0xb8;
	[tilespmem:$0x1DAB0] =	vst v63  }
0x59: {  	_ =	swait.ge [sflag:s24], $0x900  }
0x5a: {  	[sflag:s24] =	ssyncset.done $0x0  }
0x5b: {  	s21 =	sadd.s32 $0x2720, s19;
	[sflag:s24] =	ssyncadd.s32 $0xFFFFF700  }
0x5c: {  	[spmem:s2] =	stream.indirect.scatter.add.f32 [tilespmem:s16], [sflag:$0x6], $0x90, s21, s14, $0xb8;
	[tilespmem:$0x1DAB0] =	vst v63  }
0x5d: {  	_ =	swait.ge [sflag:s12], $0x900  }
0x5e: {  	[sflag:s12] =	ssyncset.done $0x0  }
0x5f: {  	s21 =	sadd.s32 $0x60, s19;
	[sflag:s12] =	ssyncadd.s32 $0xFFFFF700  }
0x60: {  	[tilespmem:s16], [sflag:$0x2] =	stream.indirect.gather [hbm4b:s4+s14], $0x90, s21, s14, $0xb8;
	[tilespmem:$0x1DAB0] =	vst v63  }
0x61: {  	_ =	swait.ge [sflag:s25], $0x900  }
0x62: {  	[sflag:s25] =	ssyncset.done $0x0  }
0x63: {  	s21 =	sadd.s32 $0x2730, s19;
	[sflag:s25] =	ssyncadd.s32 $0xFFFFF700  }
0x64: {  	[spmem:s2] =	stream.indirect.scatter.add.f32 [tilespmem:s18], [sflag:$0x6], $0x90, s21, s14, $0xb8;
	[tilespmem:$0x1DAB0] =	vst v63  }
0x65: {  	_ =	swait.ge [sflag:s12], $0x900  }
0x66: {  	[sflag:s12] =	ssyncset.done $0x0  }
0x67: {  	s21 =	sadd.s32 $0x70, s19;
	[sflag:s12] =	ssyncadd.s32 $0xFFFFF700  }
0x68: {  	[tilespmem:s18], [sflag:$0x3] =	stream.indirect.gather [hbm4b:s4+s14], $0x90, s21, s14, $0xb8;
	[tilespmem:$0x1DAB0] =	vst v63  }
0x69: {  	_ =	swait.ge [sflag:s26], $0x900  }
0x6a: {  	[sflag:s26] =	ssyncset.done $0x0  }
0x6b: {  	s21 =	sadd.s32 $0x2740, s19;
	[sflag:s26] =	ssyncadd.s32 $0xFFFFF700  }
0x6c: {  	[spmem:s2] =	stream.indirect.scatter.add.f32 [tilespmem:s20], [sflag:$0x6], $0x90, s21, s14, $0xb8;
	[tilespmem:$0x1DAB0] =	vst v63  }
0x6d: {  	_ =	swait.ge [sflag:s12], $0x900  }
0x6e: {  	[sflag:s12] =	ssyncset.done $0x0  }
0x6f: {  	s21 =	sadd.s32 $0x80, s19;
	[sflag:s12] =	ssyncadd.s32 $0xFFFFF700  }
0x70: {  	[tilespmem:s20], [sflag:$0x4] =	stream.indirect.gather [hbm4b:s4+s14], $0x90, s21, s14, $0xb8;
	[tilespmem:$0x1DAB0] =	vst v63  }
0x71: {  	_ =	swait.ge [sflag:s28], $0x900  }
0x72: {  	[sflag:s28] =	ssyncset.done $0x0  }
.Ltmp0:
0x73: {  	s21 =	sadd.s32 $0x2750, s19;
	[sflag:s28] =	ssyncadd.s32 $0xFFFFF700;
	(pc) =	sbr.rel @p0 .LBB2_2-.Ltmp0, $4  }
0x74: {  	[spmem:s2] =	stream.indirect.scatter.add.f32 [tilespmem:s22], [sflag:$0x6], $0x90, s21, s14, $0xb8;
	[tilespmem:$0x1DAB0] =	vst v63  }
0x75: {  	_ =	swait.ge [sflag:s12], $0x900  }
0x76: {  	[sflag:s12] =	ssyncset.done $0x0  }
0x77: {  	s19 =	sadd.s32 $0x90, s19;
	[sflag:s12] =	ssyncadd.s32 $0xFFFFF700  }
0x78: {  	[tilespmem:s22], [sflag:$0x5] =	stream.indirect.gather [hbm4b:s4+s14], $0x90, s19, s14, $0xb8;
	[tilespmem:$0x1DAB0] =	vst v63  }
0x79: {  	_ =	swait.ge [sflag:s23], $0x900  }
0x7a: {  	[sflag:s23] =	ssyncset.done $0x0  }
0x7b: {  	[sflag:s23] =	ssyncadd.s32 $0xFFFFF700  }
0x7c: {  	[spmem:s2] =	stream.indirect.scatter.add.f32 [tilespmem:s15], [sflag:$0x6], $0x90, s29, s14, $0xb8;
	[tilespmem:$0x1DAB0] =	vst v63  }
0x7d: {  	_ =	swait.ge [sflag:s12], $0x900  }
0x7e: {  	[sflag:s12] =	ssyncset.done $0x0  }
0x7f: {  	[sflag:s12] =	ssyncadd.s32 $0xFFFFF700  }
0x80: {  	_ =	swait.ge [sflag:s24], $0x900  }
0x81: {  	[sflag:s24] =	ssyncset.done $0x0  }
0x82: {  	[sflag:s24] =	ssyncadd.s32 $0xFFFFF700  }
0x83: {  	[spmem:s2] =	stream.indirect.scatter.add.f32 [tilespmem:s16], [sflag:$0x6], $0x90, s30, s14, $0xb8;
	[tilespmem:$0x1DAB0] =	vst v63  }
0x84: {  	_ =	swait.ge [sflag:s12], $0x900  }
0x85: {  	[sflag:s12] =	ssyncset.done $0x0  }
0x86: {  	[sflag:s12] =	ssyncadd.s32 $0xFFFFF700  }
0x87: {  	_ =	swait.ge [sflag:s25], $0x900  }
0x88: {  	[sflag:s25] =	ssyncset.done $0x0  }
0x89: {  	[sflag:s25] =	ssyncadd.s32 $0xFFFFF700  }
0x8a: {  	[spmem:s2] =	stream.indirect.scatter.add.f32 [tilespmem:s18], [sflag:$0x6], $0x90, s31, s14, $0xb8;
	[tilespmem:$0x1DAB0] =	vst v63  }
0x8b: {  	_ =	swait.ge [sflag:s12], $0x900  }
0x8c: {  	[sflag:s12] =	ssyncset.done $0x0  }
0x8d: {  	[sflag:s12] =	ssyncadd.s32 $0xFFFFF700  }
0x8e: {  	_ =	swait.ge [sflag:s26], $0x900  }
0x8f: {  	[sflag:s26] =	ssyncset.done $0x0  }
0x90: {  	[sflag:s26] =	ssyncadd.s32 $0xFFFFF700  }
0x91: {  	[spmem:s2] =	stream.indirect.scatter.add.f32 [tilespmem:s20], [sflag:$0x6], $0x90, s1, s14, $0xb8;
	[tilespmem:$0x1DAB0] =	vst v63  }
0x92: {  	_ =	swait.ge [sflag:s12], $0x900  }
0x93: {  	[sflag:s12] =	ssyncset.done $0x0  }
0x94: {  	[sflag:s12] =	ssyncadd.s32 $0xFFFFF700  }
0x95: {  	_ =	swait.ge [sflag:s28], $0x900  }
0x96: {  	[sflag:s28] =	ssyncset.done $0x0  }
0x97: {  	[sflag:s28] =	ssyncadd.s32 $0xFFFFF700  }
0x98: {  	[spmem:s2] =	stream.indirect.scatter.add.f32 [tilespmem:s22], [sflag:$0x6], $0x90, s0, s14, $0xb8;
	[tilespmem:$0x1DAB0] =	vst v63  }
0x99: {  	_ =	swait.ge [sflag:s12], $0x900  }
0x9a: {  	s13 =	sadd.s32 $0x1, s13;
	[sflag:s12] =	ssyncset.done $0x0  }
0x9b: {  	p0 =	sne.s32 s13, s10;
	[sflag:s12] =	ssyncadd.s32 $0xFFFFF700  }
.Ltmp1:
0x9c: {  	[bflag:$0x0] =	sbarrier.arrive $0xFFFF;
	(pc) =	sbr.rel @p0 .LBB2_1-.Ltmp1, $4  }
0x9d: {  	[hbm:s9], [sflag:s6] =	dma.local [spmem:s11], $0x2BF2  }
0x9e: {  	_ =	swait.ge [sflag:s12], $0x2BF2  }
0x9f: {  	[sflag:s12] =	ssyncset.done $0x0  }
0xa0: {  	[sflag:s12] =	ssyncadd.s32 $0xFFFFD40E  }
0xa1: {  	_ =	sfence.sel $0x180000  }
0xa2: {  	[bflag:$0x0] =	sbarrier.arrive $0xFFFF  }
0xa3: {  	_ =	strace $0x9000004A  }
0xa4: {  	s0 =	stileid.u32;
	[bflag:$0x2] =	sbarrier.arrive $0xFFFF  }
0xa5: {  	p0 =	sne.s32 s0, $0x0;
	s0 =	rddreg [dreg:$0x3]  }
0xa6: {  	s0 =	sadd.s32 @!p0 $0x100000, s0  }
0xa7: {  	[sflag:s0] =	ssyncadd.tile.s32 @!p0 $0x1;
	_ =	shalt  }
.Lfunc_end2:
_tile_overlayer_lowered:
.L_overlay_start_2:
0xa8: {  	(tag) =	ssettag $0x2  }
0xa9: {  	s0 =	rddreg [dreg:$0x0];
	s2 =	stileid.u32  }
0xaa: {  	s1 =	rddreg [dreg:$0x1];
	p0 =	sne.s32 s2, $0x0  }
0xab: {  	s3 =	rddreg [dreg:$0x2];
	[bflag:$0x3] =	sbarrier.arrive $0xFFFF;
	s2 =	simm.s32 @!p0 $0x1C06  }
0xac: {  	[timem:s3], [sflag:s2] =	dma.local @!p0 [hbm:s0], s1  }
0xad: {  	s0 =	simm.s32 @!p0 $0x6  }
0xae: {  	_ =	swait.ge @!p0 [sflag:s0], s1  }
0xaf: {  	s1 =	ssub.s32 @!p0 $0x0, s1;
	[sflag:s0] =	ssyncset.done @!p0 $0x0  }
0xb0: {  	[sflag:s0] =	ssyncadd.s32 @!p0 s1  }
0xb1: {  	[bflag:$0x3] =	sbarrier.arrive $0xFFFF  }
0xb2: {  	_ =	shalt  }

// kernel: kernel.18.cloned.1.call-start
scs
__scs_entry_jumppad:
0x0: {  	(pc) =	sbr.rel $0x88, $3  }
0x1: {  	(tag) =	ssettag $0x0;
	lr =	simm.s32 $0x1  }
0x2: {  	[smem:$0x3F99] =	sst lr;
	_ =	strace $0xD0000000  }
0x3: {  	_ = 	snop  }
0x4: {  	_ = 	snop  }
0x5: {  	_ = 	snop  }
0x6: {  	_ = 	snop  }
0x7: {  	_ = 	snop  }
__scs_overlays_trampoline_lowered:
0x8: {  	[smem:$0x3FA8] =	sst s0  }
0x9: {  	[smem:$0x3FA9] =	sst s1  }
0xa: {  	[smem:$0x3FAA] =	sst s2  }
0xb: {  	[smem:$0x3FAB] =	sst s3  }
0xc: {  	[smem:$0x3FAC] =	sst s4  }
0xd: {  	[smem:$0x3FAD] =	sst s5  }
0xe: {  	[smem:$0x3FAE] =	sst s6  }
0xf: {  	[smem:$0x3FAF] =	sst s7  }
0x10: {  	[smem:$0x3FB0] =	sst s8  }
0x11: {  	[smem:$0x3FB1] =	sst s9;
	s0 =	simm.s32 @!p0 $0x0  }
0x12: {  	s1 =	sld [smem:$0x3F97];
	s0 =	simm.s32 @p0 $0x1  }
0x13: {  	[smem:$0x3FB2] =	sst s0;
	s0 =	simm.s32 @!p1 $0x0  }
0x14: {  	s2 =	sld [smem:$0x3F96];
	s0 =	simm.s32 @p1 $0x1  }
0x15: {  	[smem:$0x3FB3] =	sst s0;
	s0 =	simm.s32 @!p2 $0x0  }
0x16: {  	s3 =	sld [smem:$0x3FDB];
	s0 =	simm.s32 @p2 $0x1  }
0x17: {  	s4 =	simm.s32 $0x1BF5;
	[smem:$0x3FB5] =	sst s0  }
0x18: {  	s0 =	sld [smem:$0x3F98];
	_ =	swait.ge [sflag:s4], $0x0  }
0x19: {  	s7 =	sld [smem:$0x3F99]  }
0x1a: {  	s8 =	sadd.s32 $0xFFFFE003, lr  }
0x1b: {  	s9 =	sadd.s32 $0xFFFFFEF7, lr;
	s5 =	simm.s32 $0xFFFFFFFF;
	p2 =	slt.u32 s8, $0xFFFFF086  }
0x1c: {  	p1 =	slt.u32 s9, $0xF7A;
	s5 =	simm.s32 @!p2 $0x0  }
0x1d: {  	s5 =	simm.s32 @p1 $0x1;
	p0 =	seq.s32 s7, s2  }
0x1e: {  	s7 =	smul.u32 @!p0 $0xF7A, s2;
	p2 =	seq.s32 @!p0 s5, $0x0  }
0x1f: {  	s9 =	smul.u32 $0xF7A, s1;
	s8 =	simm.s32 @!p0 $0x1BF5;
	p2 =	por !p2, p0  }
0x20: {  	[sflag:s8] =	ssyncset.s32 @!p0 $0xFFFFF086;
	s6 =	sadd.s32 @!p0 s3, s7;
	s7 =	simm.s32 @!p0 $0x108  }
0x21: {  	s3 =	sadd.s32 s3, s9;
	s6 =	sadd.s32 @!p0 $0x88, s6;
	s7 =	simm.s32 @p2 $0x1082  }
0x22: {  	[simem:s7], [sflag:s8] =	dma.local @!p0 [hbm:s6], $0xF7A  }
0x23: {  	s9 =	sor.u32 $0xD0000000, s2;
	s6 =	simm.s32 $0x108;
	_ =	swait.ge @!p0 [sflag:s8], $0x0  }
0x24: {  	s3 =	sadd.s32 $0x88, s3;
	s6 =	simm.s32 @!p1 $0x1082;
	[sflag:s4] =	ssyncset.s32 $0xFFFFF086  }
0x25: {  	[simem:s6], [sflag:s4] =	dma.local [hbm:s3], $0xF7A  }
0x26: {  	[smem:$0x3F99] =	sst s1;
	(tag) =	ssettag s2;
	_ =	strace s9  }
0x27: {  	s1 =	sld [smem:$0x3FA9]  }
0x28: {  	s2 =	sld [smem:$0x3FAA]  }
0x29: {  	s4 =	sld [smem:$0x3FAC]  }
0x2a: {  	p0 =	seq.s32 s5, $0x0;
	s5 =	sld [smem:$0x3FAD]  }
0x2b: {  	s6 =	sld [smem:$0x3FAE]  }
0x2c: {  	s7 =	sld [smem:$0x3FAF]  }
0x2d: {  	s3 =	simm.s32 $0x108;
	s8 =	sld [smem:$0x3FB0]  }
0x2e: {  	s3 =	simm.s32 @!p0 $0x1082;
	s9 =	sld [smem:$0x3FB1]  }
0x2f: {  	lr =	sadd.s32 s0, s3;
	s0 =	sld [smem:$0x3FA8]  }
0x30: {  	s3 =	sld [smem:$0x3FAB]  }
0x31: {  	[smem:$0x3FB4] =	sst s10  }
0x32: {  	s10 =	sld [smem:$0x3FB2];
	_ =	sdelay $0x3  }
0x33: {  	p0 =	seq.s32 s10, $0x1;
	s10 =	sld [smem:$0x3FB4];
	_ =	sdelay $0x3  }
0x34: {  	[smem:$0x3FB4] =	sst s10  }
0x35: {  	s10 =	sld [smem:$0x3FB3];
	_ =	sdelay $0x3  }
0x36: {  	p1 =	seq.s32 s10, $0x1;
	s10 =	sld [smem:$0x3FB4];
	_ =	sdelay $0x3  }
0x37: {  	[smem:$0x3FB4] =	sst s10  }
0x38: {  	s10 =	sld [smem:$0x3FB5]  }
0x39: {  	_ = 	snop;
	(pc) =	sbr.ind lr, $3  }
0x3a: {  	_ = 	snop  }
0x3b: {  	_ = 	snop  }
0x3c: {  	p2 =	seq.s32 s10, $0x1;
	s10 =	sld [smem:$0x3FB4]  }
0x3d: {  	_ =	shalt  }
0x3e: {  	_ =	shalt  }
0x3f: {  	_ =	shalt  }
0x40: {  	_ =	shalt  }
0x41: {  	_ =	shalt  }
0x42: {  	_ =	shalt  }
0x43: {  	_ =	shalt  }
0x44: {  	_ =	shalt  }
0x45: {  	_ =	shalt  }
0x46: {  	_ =	shalt  }
0x47: {  	_ =	shalt  }
0x48: {  	_ =	shalt  }
0x49: {  	_ =	shalt  }
0x4a: {  	_ =	shalt  }
0x4b: {  	_ =	shalt  }
0x4c: {  	_ =	shalt  }
0x4d: {  	_ =	shalt  }
0x4e: {  	_ =	shalt  }
0x4f: {  	_ =	shalt  }
0x50: {  	_ =	shalt  }
0x51: {  	_ =	shalt  }
0x52: {  	_ =	shalt  }
0x53: {  	_ =	shalt  }
0x54: {  	_ =	shalt  }
0x55: {  	_ =	shalt  }
0x56: {  	_ =	shalt  }
0x57: {  	_ =	shalt  }
0x58: {  	_ =	shalt  }
0x59: {  	_ =	shalt  }
0x5a: {  	_ =	shalt  }
0x5b: {  	_ =	shalt  }
0x5c: {  	_ =	shalt  }
0x5d: {  	_ =	shalt  }
0x5e: {  	_ =	shalt  }
0x5f: {  	_ =	shalt  }
0x60: {  	_ =	shalt  }
0x61: {  	_ =	shalt  }
0x62: {  	_ =	shalt  }
0x63: {  	_ =	shalt  }
0x64: {  	_ =	shalt  }
0x65: {  	_ =	shalt  }
0x66: {  	_ =	shalt  }
0x67: {  	_ =	shalt  }
0x68: {  	_ =	shalt  }
0x69: {  	_ =	shalt  }
0x6a: {  	_ =	shalt  }
0x6b: {  	_ =	shalt  }
0x6c: {  	_ =	shalt  }
0x6d: {  	_ =	shalt  }
0x6e: {  	_ =	shalt  }
0x6f: {  	_ =	shalt  }
0x70: {  	_ =	shalt  }
0x71: {  	_ =	shalt  }
0x72: {  	_ =	shalt  }
0x73: {  	_ =	shalt  }
0x74: {  	_ =	shalt  }
0x75: {  	_ =	shalt  }
0x76: {  	_ =	shalt  }
0x77: {  	_ =	shalt  }
0x78: {  	_ =	shalt  }
0x79: {  	_ =	shalt  }
0x7a: {  	_ =	shalt  }
0x7b: {  	_ =	shalt  }
0x7c: {  	_ =	shalt  }
0x7d: {  	_ =	shalt  }
0x7e: {  	_ =	shalt  }
0x7f: {  	_ =	shalt  }
0x80: {  	_ =	shalt  }
0x81: {  	_ =	shalt  }
0x82: {  	_ =	shalt  }
0x83: {  	_ =	shalt  }
0x84: {  	_ =	shalt  }
0x85: {  	_ =	shalt  }
0x86: {  	_ =	shalt  }
0x87: {  	_ =	shalt  }
.Lfunc_end0:
.L_simem_size_0:
called_computation.2_lowered:
.L_overlay_start_0:
0x88: {  	s2 =	sld [smem:$0x3FD9]  }
0x89: {  	s3 =	sld [smem:$0x3FFE];
	_ =	sdelay $0x1  }
0x8a: {  	s1 =	srdreg.scid  }
0x8b: {  	s0 =	sand.u32 $0x1, s1  }
0x8c: {  	s17 =	sshll.u32 s0, $0xA;
	s2 =	sadd.s32 s3, s2  }
0x8d: {  	s2 =	sadd.s32 s2, s17  }
0x8e: {  	[smem:$0x3FC0] =	sst s2  }
0x8f: {  	_ = 	snop  }
0x90: {  	s2 =	sld [smem:$0x3FD0];
	(tm) =	ssettm $0x1  }
0x91: {  	s18 =	sld [smem:$0x3FFB];
	_ =	sdelay $0x3  }
0x92: {  	_ =	strace s18  }
0x93: {  	s3 =	sld [smem:$0x3FFC];
	_ =	sdelay $0x3  }
0x94: {  	_ =	strace s3  }
0x95: {  	s3 =	sld [smem:$0x3FFD];
	_ =	sdelay $0x3  }
0x96: {  	_ =	strace s3  }
0x97: {  	_ =	strace $0x8FFFFFFF  }
0x98: {  	s19 =	sld [smem:$0x3FDB];
	_ =	sdelay $0x1  }
0x99: {  	s4 =	simm.s32 $_scs_section_size  }
0x9a: {  	s5 =	simm.s32 $_size__tile_overlayer_lowered;
	s6 =	simm.s32 $_tile_overlayer_lowered  }
0x9b: {  	s22 =	simm.s32 $0x1BFF;
	s21 =	sshll.u32 s6, $0x1;
	s3 =	sadd.s32 s4, s19  }
0x9c: {  	s7 =	simm.s32 $0x0;
	s20 =	sshll.u32 s5, $0x1;
	s5 =	sadd.s32 s21, s3  }
0x9d: {  	[timem:s7], [sflag:s22] =	dma.local [hbm:s5], s20  }
0x9e: {  	_ =	swait.ge [sflag:s22], s20  }
0x9f: {  	s4 =	ssub.s32 $0x0, s20;
	[sflag:s22] =	ssyncset.done $0x0  }
0xa0: {  	[sflag:s22] =	ssyncadd.s32 s4;
	_ =	sdelay $0x1  }
0xa1: {  	s23 =	simm.s32 $0x1B8B  }
0xa2: {  	_ =	swait.ge [sflag:s23], $0x1  }
0xa3: {  	[sflag:s23] =	ssyncset.done $0x0  }
0xa4: {  	s25 =	simm.s32 $0x1B8E;
	s24 =	sld [smem:$0x3FFE];
	[sflag:s23] =	ssyncadd.s32 $0xFFFFFFFF  }
0xa5: {  	s26 =	simm.s32 $execute0_lowered;
	[smem:$0x3FD2] =	sst s25  }
0xa6: {  	s5 =	sshll.u32 s26, $0x1;
	_ =	strace $0x8000004C;
	[dreg:$0x1] =	wrdreg $0xFFFFFFFF  }
0xa7: {  	s28 =	simm.s32 $_size_execute0_lowered;
	s3 =	sadd.s32 s3, s5;
	[dreg:$0x0] =	wrdreg $0x0  }
0xa8: {  	s5 =	sshll.u32 s28, $0x1;
	[dreg:$0x2] =	wrdreg s3  }
0xa9: {  	[dreg:$0x3] =	wrdreg s5  }
0xaa: {  	[dreg:$0x4] =	wrdreg $0xC0  }
0xab: {  	_ =	task [dreg:s7], $0x5FFFF  }
0xac: {  	[dreg:$0x1] =	wrdreg $0xFFFFFFFF  }
0xad: {  	[dreg:$0x0] =	wrdreg $0x60  }
0xae: {  	[dreg:$0x2] =	wrdreg s24  }
0xaf: {  	[dreg:$0x3] =	wrdreg s2  }
0xb0: {  	[dreg:$0x4] =	wrdreg $0x67200  }
0xb1: {  	[dreg:$0x5] =	wrdreg $0x9  }
0xb2: {  	_ =	task.clear_ibuf [dreg:s7], $0x6FFFF;
	_ =	strace $0x9000004C  }
0xb3: {  	s29 =	simm.s32 $0x9;
	_ =	strace $0x8000004E  }
0xb4: {  	_ =	swait.ge [sflag:s29], $0x1  }
0xb5: {  	[sflag:s29] =	ssyncadd.s32 $0xFFFFFFFF  }
0xb6: {  	_ =	strace $0x9000004E  }
0xb7: {  	_ =	sfence  }
0xb8: {  	s30 =	sld [smem:$0x0];
	_ =	sdelay $0x2  }
0xb9: {  	s31 =	sshll.u32 s1, $0xD;
	s1 =	sshrl.u32 s1, $0x2  }
0xba: {  	s3 =	sand.u32 $0x4000, s31;
	s1 =	sadd.s32 s1, s30  }
0xbb: {  	s0 =	sor.u32 s3, s0;
	s1 =	sshll.u32 s1, $0x11  }
0xbc: {  	s0 =	sor.u32 s1, s0  }
0xbd: {  	s0 =	sadd.s32 $0x8F2B, s0  }
0xbe: {  	[sflag:s0] =	ssyncadd.remote.s32 $0x1  }
0xbf: {  	_ =	sfence.sel $0xFFFF  }
0xc0: {  	[dreg:$0x0] =	wrdreg $0xFFFFFFFF;
	(pc) =	sbr.abs _section_cstart, $3  }
0xc1: {  	[dreg:$0x1] =	wrdreg $0xFFFFFFFF  }
0xc2: {  	_ =	task.clear_ibuf [dreg:s7], $0x2FFFF;
	_ =	strace $0x9FFFFFFF  }
0xc3: {  	(tm) =	ssettm $0x7FFFFFFF  }
tec
execute0_lowered:
.L_overlay_start_1:
0x0: {  	(tag) =	ssettag $0x1  }
0x1: {  	s0 =	srdreg.scid;
	s1 =	rddreg [dreg:$0x0]  }
0x2: {  	s11 =	stileid.u32;
	s8 =	rddreg [dreg:$0x1];
	s14 =	simm.s32 $0x10  }
0x3: {  	s15 =	simm.s32 $0x4E20;
	s16 =	simm.s32 $0x5320;
	s18 =	simm.s32 $0x5820  }
0x4: {  	s20 =	simm.s32 $0x5D20;
	s22 =	simm.s32 $0x6220;
	s23 =	simm.s32 $0x1  }
0x5: {  	s24 =	simm.s32 $0x2;
	s25 =	simm.s32 $0x3;
	s28 =	simm.s32 $0x5  }
0x6: {  	s29 =	simm.s32 $0x4DD0;
	s30 =	simm.s32 $0x4DE0;
	s31 =	simm.s32 $0x4DF0  }
0x7: {  	s13 =	simm.s32 $0x0;
	s0 =	sand.u32 $0x1, s0;
	s5 =	smul.u32 $0x186A, s11  }
0x8: {  	s4 =	sadd.s32 $0xA00, s1;
	s10 =	smul.u32 $0x30D40, s11;
	s2 =	sshll.u32 s0, $0x4  }
0x9: {  	s6 =	smul.u32 $0x186A0, s0;
	s0 =	ssub.s32 $0x2, s0;
	s3 =	sor.u32 s11, s2  }
0xa: {  	s2 =	rddreg [dreg:$0x2];
	s26 =	sshrl.u32 s0, $0x1;
	s10 =	sshrl.u32 s10, $0x2  }
0xb: {  	s11 =	sshll.u32 s11, $0x6;
	s9 =	smul.u32 $0x4E2, s3;
	s3 =	simm.s32 $0x0  }
0xc: {  	s6 =	sadd.s32 s5, s6;
	s5 =	sadd.s32 $0x19200, s1;
	s0 =	ssub.s32 s0, s26  }
0xd: {  	s12 =	sadd.s32 s10, s2;
	s26 =	simm.s32 $0x4;
	[smem:$0x7FF] =	sst s3  }
0xe: {  	s10 =	smax.u32 s0, $0x1;
	s0 =	simm.s32 $0x4E10;
	_ =	strace $0x8000004D  }
0xf: {  	s7 =	sadd.s32 s9, s1;
	s1 =	sadd.s32 s6, s1;
	s6 =	sor.u32 $0x1C06, s11  }
0x10: {  	s8 =	sadd.s32 s8, s9;
	s11 =	sshrl.u32 s12, $0x3;
	s12 =	simm.s32 $0x6  }
0x11: {  	s7 =	sadd.s32 $0x2CA00, s7;
	s9 =	sadd.s32 $0x36800, s1;
	s1 =	simm.s32 $0x4E00  }
.LBB2_1:
0x12: {  	[spmem:s11], [sflag:s6] =	dma.local [hbm:s5], $0x186A  }
0x13: {  	_ =	swait.ge [sflag:s12], $0x186A  }
0x14: {  	[sflag:s12] =	ssyncset.done $0x0  }
0x15: {  	[sflag:s12] =	ssyncadd.s32 $0xFFFFE796  }
0x16: {  	[tilespmem:s3], [sflag:$0x6] =	stream.linear.gather [hbm4b:s7+s3], $0x2710, $0x38;
	[tilespmem:$0x12A70] =	vst v63  }
0x17: {  	_ =	swait.ge [sflag:s12], $0x2710  }
0x18: {  	[sflag:s12] =	ssyncset.done $0x0  }
0x19: {  	s17 =	simm.s32 $0x2710;
	[sflag:s12] =	ssyncadd.s32 $0xFFFFD8F0  }
0x1a: {  	[tilespmem:s17], [sflag:$0x6] =	stream.linear.gather [hbm4b:s8+s3], $0x2710, $0x38;
	[tilespmem:$0x12A70] =	vst v63  }
0x1b: {  	_ =	swait.ge [sflag:s12], $0x2710  }
0x1c: {  	[sflag:s12] =	ssyncset.done $0x0  }
0x1d: {  	[sflag:s12] =	ssyncadd.s32 $0xFFFFD8F0  }
0x1e: {  	[bflag:$0x0] =	sbarrier.arrive $0xFFFF  }
0x1f: {  	[tilespmem:s15], [sflag:$0x1] =	stream.indirect.gather [hbm4b:s4+s14], $0x50, s3, s14, $0xb8;
	[tilespmem:$0x12A70] =	vst v63  }
0x20: {  	_ = 	snop  }
0x21: {  	[tilespmem:s16], [sflag:$0x2] =	stream.indirect.gather [hbm4b:s4+s14], $0x50, s14, s14, $0xb8;
	[tilespmem:$0x12A70] =	vst v63  }
0x22: {  	s19 =	simm.s32 $0x20  }
0x23: {  	[tilespmem:s18], [sflag:$0x3] =	stream.indirect.gather [hbm4b:s4+s14], $0x50, s19, s14, $0xb8;
	[tilespmem:$0x12A70] =	vst v63  }
0x24: {  	s21 =	simm.s32 $0x30  }
0x25: {  	[tilespmem:s20], [sflag:$0x4] =	stream.indirect.gather [hbm4b:s4+s14], $0x50, s21, s14, $0xb8;
	[tilespmem:$0x12A70] =	vst v63  }
0x26: {  	s19 =	simm.s32 $0x40  }
0x27: {  	[tilespmem:s22], [sflag:$0x5] =	stream.indirect.gather [hbm4b:s4+s14], $0x50, s19, s14, $0xb8;
	[tilespmem:$0x12A70] =	vst v63  }
0x28: {  	_ =	swait.ge [sflag:s23], $0x500  }
0x29: {  	[sflag:s23] =	ssyncset.done $0x0  }
0x2a: {  	s21 =	simm.s32 $0x2710;
	[sflag:s23] =	ssyncadd.s32 $0xFFFFFB00  }
0x2b: {  	[spmem:s2] =	stream.indirect.scatter.add.f32 [tilespmem:s15], [sflag:$0x6], $0x50, s21, s14, $0xb8;
	[tilespmem:$0x12A70] =	vst v63  }
0x2c: {  	_ =	swait.ge [sflag:s12], $0x500  }
0x2d: {  	[sflag:s12] =	ssyncset.done $0x0  }
0x2e: {  	s19 =	simm.s32 $0x50;
	[sflag:s12] =	ssyncadd.s32 $0xFFFFFB00  }
0x2f: {  	[tilespmem:s15], [sflag:$0x1] =	stream.indirect.gather [hbm4b:s4+s14], $0x50, s19, s14, $0xb8;
	[tilespmem:$0x12A70] =	vst v63  }
0x30: {  	_ =	swait.ge [sflag:s24], $0x500  }
0x31: {  	[sflag:s24] =	ssyncset.done $0x0  }
0x32: {  	s21 =	simm.s32 $0x2720;
	[sflag:s24] =	ssyncadd.s32 $0xFFFFFB00  }
0x33: {  	[spmem:s2] =	stream.indirect.scatter.add.f32 [tilespmem:s16], [sflag:$0x6], $0x50, s21, s14, $0xb8;
	[tilespmem:$0x12A70] =	vst v63  }
0x34: {  	_ =	swait.ge [sflag:s12], $0x500  }
0x35: {  	[sflag:s12] =	ssyncset.done $0x0  }
0x36: {  	s19 =	simm.s32 $0x60;
	[sflag:s12] =	ssyncadd.s32 $0xFFFFFB00  }
0x37: {  	[tilespmem:s16], [sflag:$0x2] =	stream.indirect.gather [hbm4b:s4+s14], $0x50, s19, s14, $0xb8;
	[tilespmem:$0x12A70] =	vst v63  }
0x38: {  	_ =	swait.ge [sflag:s25], $0x500  }
0x39: {  	[sflag:s25] =	ssyncset.done $0x0  }
0x3a: {  	s21 =	simm.s32 $0x2730;
	[sflag:s25] =	ssyncadd.s32 $0xFFFFFB00  }
0x3b: {  	[spmem:s2] =	stream.indirect.scatter.add.f32 [tilespmem:s18], [sflag:$0x6], $0x50, s21, s14, $0xb8;
	[tilespmem:$0x12A70] =	vst v63  }
0x3c: {  	_ =	swait.ge [sflag:s12], $0x500  }
0x3d: {  	[sflag:s12] =	ssyncset.done $0x0  }
0x3e: {  	s19 =	simm.s32 $0x70;
	[sflag:s12] =	ssyncadd.s32 $0xFFFFFB00  }
0x3f: {  	[tilespmem:s18], [sflag:$0x3] =	stream.indirect.gather [hbm4b:s4+s14], $0x50, s19, s14, $0xb8;
	[tilespmem:$0x12A70] =	vst v63  }
0x40: {  	_ =	swait.ge [sflag:s26], $0x500  }
0x41: {  	[sflag:s26] =	ssyncset.done $0x0  }
0x42: {  	s21 =	simm.s32 $0x2740;
	[sflag:s26] =	ssyncadd.s32 $0xFFFFFB00  }
0x43: {  	[spmem:s2] =	stream.indirect.scatter.add.f32 [tilespmem:s20], [sflag:$0x6], $0x50, s21, s14, $0xb8;
	[tilespmem:$0x12A70] =	vst v63  }
0x44: {  	_ =	swait.ge [sflag:s12], $0x500  }
0x45: {  	[sflag:s12] =	ssyncset.done $0x0  }
0x46: {  	s19 =	simm.s32 $0x80;
	[sflag:s12] =	ssyncadd.s32 $0xFFFFFB00  }
0x47: {  	[tilespmem:s20], [sflag:$0x4] =	stream.indirect.gather [hbm4b:s4+s14], $0x50, s19, s14, $0xb8;
	[tilespmem:$0x12A70] =	vst v63  }
0x48: {  	_ =	swait.ge [sflag:s28], $0x500  }
0x49: {  	[sflag:s28] =	ssyncset.done $0x0  }
0x4a: {  	s21 =	simm.s32 $0x2750;
	[sflag:s28] =	ssyncadd.s32 $0xFFFFFB00  }
0x4b: {  	[spmem:s2] =	stream.indirect.scatter.add.f32 [tilespmem:s22], [sflag:$0x6], $0x50, s21, s14, $0xb8;
	[tilespmem:$0x12A70] =	vst v63  }
0x4c: {  	_ =	swait.ge [sflag:s12], $0x500  }
0x4d: {  	[sflag:s12] =	ssyncset.done $0x0  }
0x4e: {  	s17 =	simm.s32 $0x140;
	s19 =	simm.s32 $0x90;
	[sflag:s12] =	ssyncadd.s32 $0xFFFFFB00  }
.LBB2_2:
0x4f: {  	[tilespmem:s22], [sflag:$0x5] =	stream.indirect.gather [hbm4b:s4+s14], $0x50, s19, s14, $0xb8;
	[tilespmem:$0x12A70] =	vst v63  }
0x50: {  	s19 =	smov.u32 s17  }
0x51: {  	p0 =	sne.s32 s17, $0x99C0;
	s17 =	sadd.s32 $0x140, s17;
	_ =	swait.ge [sflag:s23], $0x500  }
0x52: {  	s19 =	sshra.s32 s19, $0x2;
	[sflag:s23] =	ssyncset.done $0x0  }
0x53: {  	s21 =	sadd.s32 $0x2710, s19;
	[sflag:s23] =	ssyncadd.s32 $0xFFFFFB00  }
0x54: {  	[spmem:s2] =	stream.indirect.scatter.add.f32 [tilespmem:s15], [sflag:$0x6], $0x50, s21, s14, $0xb8;
	[tilespmem:$0x12A70] =	vst v63  }
0x55: {  	_ =	swait.ge [sflag:s12], $0x500  }
0x56: {  	[sflag:s12] =	ssyncset.done $0x0  }
0x57: {  	s21 =	sadd.s32 $0x50, s19;
	[sflag:s12] =	ssyncadd.s32 $0xFFFFFB00  }
0x58: {  	[tilespmem:s15], [sflag:$0x1] =	stream.indirect.gather [hbm4b:s4+s14], $0x50, s21, s14, $0xb8;
	[tilespmem:$0x12A70] =	vst v63  }
0x59: {  	_ =	swait.ge [sflag:s24], $0x500  }
0x5a: {  	[sflag:s24] =	ssyncset.done $0x0  }
0x5b: {  	s21 =	sadd.s32 $0x2720, s19;
	[sflag:s24] =	ssyncadd.s32 $0xFFFFFB00  }
0x5c: {  	[spmem:s2] =	stream.indirect.scatter.add.f32 [tilespmem:s16], [sflag:$0x6], $0x50, s21, s14, $0xb8;
	[tilespmem:$0x12A70] =	vst v63  }
0x5d: {  	_ =	swait.ge [sflag:s12], $0x500  }
0x5e: {  	[sflag:s12] =	ssyncset.done $0x0  }
0x5f: {  	s21 =	sadd.s32 $0x60, s19;
	[sflag:s12] =	ssyncadd.s32 $0xFFFFFB00  }
0x60: {  	[tilespmem:s16], [sflag:$0x2] =	stream.indirect.gather [hbm4b:s4+s14], $0x50, s21, s14, $0xb8;
	[tilespmem:$0x12A70] =	vst v63  }
0x61: {  	_ =	swait.ge [sflag:s25], $0x500  }
0x62: {  	[sflag:s25] =	ssyncset.done $0x0  }
0x63: {  	s21 =	sadd.s32 $0x2730, s19;
	[sflag:s25] =	ssyncadd.s32 $0xFFFFFB00  }
0x64: {  	[spmem:s2] =	stream.indirect.scatter.add.f32 [tilespmem:s18], [sflag:$0x6], $0x50, s21, s14, $0xb8;
	[tilespmem:$0x12A70] =	vst v63  }
0x65: {  	_ =	swait.ge [sflag:s12], $0x500  }
0x66: {  	[sflag:s12] =	ssyncset.done $0x0  }
0x67: {  	s21 =	sadd.s32 $0x70, s19;
	[sflag:s12] =	ssyncadd.s32 $0xFFFFFB00  }
0x68: {  	[tilespmem:s18], [sflag:$0x3] =	stream.indirect.gather [hbm4b:s4+s14], $0x50, s21, s14, $0xb8;
	[tilespmem:$0x12A70] =	vst v63  }
0x69: {  	_ =	swait.ge [sflag:s26], $0x500  }
0x6a: {  	[sflag:s26] =	ssyncset.done $0x0  }
0x6b: {  	s21 =	sadd.s32 $0x2740, s19;
	[sflag:s26] =	ssyncadd.s32 $0xFFFFFB00  }
0x6c: {  	[spmem:s2] =	stream.indirect.scatter.add.f32 [tilespmem:s20], [sflag:$0x6], $0x50, s21, s14, $0xb8;
	[tilespmem:$0x12A70] =	vst v63  }
0x6d: {  	_ =	swait.ge [sflag:s12], $0x500  }
0x6e: {  	[sflag:s12] =	ssyncset.done $0x0  }
0x6f: {  	s21 =	sadd.s32 $0x80, s19;
	[sflag:s12] =	ssyncadd.s32 $0xFFFFFB00  }
0x70: {  	[tilespmem:s20], [sflag:$0x4] =	stream.indirect.gather [hbm4b:s4+s14], $0x50, s21, s14, $0xb8;
	[tilespmem:$0x12A70] =	vst v63  }
0x71: {  	_ =	swait.ge [sflag:s28], $0x500  }
0x72: {  	[sflag:s28] =	ssyncset.done $0x0  }
.Ltmp0:
0x73: {  	s21 =	sadd.s32 $0x2750, s19;
	[sflag:s28] =	ssyncadd.s32 $0xFFFFFB00;
	(pc) =	sbr.rel @p0 .LBB2_2-.Ltmp0, $4  }
0x74: {  	[spmem:s2] =	stream.indirect.scatter.add.f32 [tilespmem:s22], [sflag:$0x6], $0x50, s21, s14, $0xb8;
	[tilespmem:$0x12A70] =	vst v63  }
0x75: {  	_ =	swait.ge [sflag:s12], $0x500  }
0x76: {  	[sflag:s12] =	ssyncset.done $0x0  }
0x77: {  	s19 =	sadd.s32 $0x90, s19;
	[sflag:s12] =	ssyncadd.s32 $0xFFFFFB00  }
0x78: {  	[tilespmem:s22], [sflag:$0x5] =	stream.indirect.gather [hbm4b:s4+s14], $0x50, s19, s14, $0xb8;
	[tilespmem:$0x12A70] =	vst v63  }
0x79: {  	_ =	swait.ge [sflag:s23], $0x500  }
0x7a: {  	[sflag:s23] =	ssyncset.done $0x0  }
0x7b: {  	[sflag:s23] =	ssyncadd.s32 $0xFFFFFB00  }
0x7c: {  	[spmem:s2] =	stream.indirect.scatter.add.f32 [tilespmem:s15], [sflag:$0x6], $0x50, s29, s14, $0xb8;
	[tilespmem:$0x12A70] =	vst v63  }
0x7d: {  	_ =	swait.ge [sflag:s12], $0x500  }
0x7e: {  	[sflag:s12] =	ssyncset.done $0x0  }
0x7f: {  	[sflag:s12] =	ssyncadd.s32 $0xFFFFFB00  }
0x80: {  	_ =	swait.ge [sflag:s24], $0x500  }
0x81: {  	[sflag:s24] =	ssyncset.done $0x0  }
0x82: {  	[sflag:s24] =	ssyncadd.s32 $0xFFFFFB00  }
0x83: {  	[spmem:s2] =	stream.indirect.scatter.add.f32 [tilespmem:s16], [sflag:$0x6], $0x50, s30, s14, $0xb8;
	[tilespmem:$0x12A70] =	vst v63  }
0x84: {  	_ =	swait.ge [sflag:s12], $0x500  }
0x85: {  	[sflag:s12] =	ssyncset.done $0x0  }
0x86: {  	[sflag:s12] =	ssyncadd.s32 $0xFFFFFB00  }
0x87: {  	_ =	swait.ge [sflag:s25], $0x500  }
0x88: {  	[sflag:s25] =	ssyncset.done $0x0  }
0x89: {  	[sflag:s25] =	ssyncadd.s32 $0xFFFFFB00  }
0x8a: {  	[spmem:s2] =	stream.indirect.scatter.add.f32 [tilespmem:s18], [sflag:$0x6], $0x50, s31, s14, $0xb8;
	[tilespmem:$0x12A70] =	vst v63  }
0x8b: {  	_ =	swait.ge [sflag:s12], $0x500  }
0x8c: {  	[sflag:s12] =	ssyncset.done $0x0  }
0x8d: {  	[sflag:s12] =	ssyncadd.s32 $0xFFFFFB00  }
0x8e: {  	_ =	swait.ge [sflag:s26], $0x500  }
0x8f: {  	[sflag:s26] =	ssyncset.done $0x0  }
0x90: {  	[sflag:s26] =	ssyncadd.s32 $0xFFFFFB00  }
0x91: {  	[spmem:s2] =	stream.indirect.scatter.add.f32 [tilespmem:s20], [sflag:$0x6], $0x50, s1, s14, $0xb8;
	[tilespmem:$0x12A70] =	vst v63  }
0x92: {  	_ =	swait.ge [sflag:s12], $0x500  }
0x93: {  	[sflag:s12] =	ssyncset.done $0x0  }
0x94: {  	[sflag:s12] =	ssyncadd.s32 $0xFFFFFB00  }
0x95: {  	_ =	swait.ge [sflag:s28], $0x500  }
0x96: {  	[sflag:s28] =	ssyncset.done $0x0  }
0x97: {  	[sflag:s28] =	ssyncadd.s32 $0xFFFFFB00  }
0x98: {  	[spmem:s2] =	stream.indirect.scatter.add.f32 [tilespmem:s22], [sflag:$0x6], $0x50, s0, s14, $0xb8;
	[tilespmem:$0x12A70] =	vst v63  }
0x99: {  	_ =	swait.ge [sflag:s12], $0x500  }
0x9a: {  	s13 =	sadd.s32 $0x1, s13;
	[sflag:s12] =	ssyncset.done $0x0  }
0x9b: {  	p0 =	sne.s32 s13, s10;
	[sflag:s12] =	ssyncadd.s32 $0xFFFFFB00  }
.Ltmp1:
0x9c: {  	[bflag:$0x0] =	sbarrier.arrive $0xFFFF;
	(pc) =	sbr.rel @p0 .LBB2_1-.Ltmp1, $4  }
0x9d: {  	[hbm:s9], [sflag:s6] =	dma.local [spmem:s11], $0x186A  }
0x9e: {  	_ =	swait.ge [sflag:s12], $0x186A  }
0x9f: {  	[sflag:s12] =	ssyncset.done $0x0  }
0xa0: {  	[sflag:s12] =	ssyncadd.s32 $0xFFFFE796  }
0xa1: {  	_ =	sfence.sel $0x180000  }
0xa2: {  	[bflag:$0x0] =	sbarrier.arrive $0xFFFF  }
0xa3: {  	_ =	strace $0x9000004D  }
0xa4: {  	s0 =	stileid.u32;
	[bflag:$0x2] =	sbarrier.arrive $0xFFFF  }
0xa5: {  	p0 =	sne.s32 s0, $0x0;
	s0 =	rddreg [dreg:$0x3]  }
0xa6: {  	s0 =	sadd.s32 @!p0 $0x100000, s0  }
0xa7: {  	[sflag:s0] =	ssyncadd.tile.s32 @!p0 $0x1;
	_ =	shalt  }
.Lfunc_end2:
_tile_overlayer_lowered:
.L_overlay_start_2:
0xa8: {  	(tag) =	ssettag $0x2  }
0xa9: {  	s0 =	rddreg [dreg:$0x0];
	s2 =	stileid.u32  }
0xaa: {  	s1 =	rddreg [dreg:$0x1];
	p0 =	sne.s32 s2, $0x0  }
0xab: {  	s3 =	rddreg [dreg:$0x2];
	[bflag:$0x3] =	sbarrier.arrive $0xFFFF;
	s2 =	simm.s32 @!p0 $0x1C06  }
0xac: {  	[timem:s3], [sflag:s2] =	dma.local @!p0 [hbm:s0], s1  }
0xad: {  	s0 =	simm.s32 @!p0 $0x6  }
0xae: {  	_ =	swait.ge @!p0 [sflag:s0], s1  }
0xaf: {  	s1 =	ssub.s32 @!p0 $0x0, s1;
	[sflag:s0] =	ssyncset.done @!p0 $0x0  }
0xb0: {  	[sflag:s0] =	ssyncadd.s32 @!p0 s1  }
0xb1: {  	[bflag:$0x3] =	sbarrier.arrive $0xFFFF  }
0xb2: {  	_ =	shalt  }

</sc_bundles>
